<compile_context>
chip_gen: v7x
topology: tpu7x:2x2x1
jax: 0.10.2.dev20260603
libtpu: 0.0.44.dev20260713+nightly
codegen_flags: <defaults>
</compile_context>

<pallas_src>
import functools

import jax
import jax.numpy as jnp
from jax import lax
from jax.experimental import pallas as pl
from jax.experimental.pallas import tpu as pltpu
from jax.experimental.pallas import tpu_sc as plsc

NN = 10000
EE = 320000
DD = 128
HH = 128
CC = 64
NP = 10240
NSUB = 16
EPT = EE // NSUB
EWIN = 20096
CHUNK = NP // NSUB
LANES = 16

_MESH = plsc.VectorSubcoreMesh(
    core_axis_name="c", subcore_axis_name="s",
    num_cores=1, num_subcores=NSUB)
_SC_PARAMS = pltpu.CompilerParams(needs_layout_passes=False)


def _zero_vec(ref, n):
    z = jnp.zeros((LANES,), jnp.float32)

    @plsc.parallel_loop(0, n // LANES, unroll=8)
    def _(i):
        ref[pl.ds(i * LANES, LANES)] = z


def _rsqrt16(d):
    i = plsc.bitcast(d, jnp.int32)
    i = jnp.int32(0x5F3759DF) - lax.shift_right_logical(i, 1)
    r = plsc.bitcast(i, jnp.float32)
    for _ in range(3):
        r = r * (1.5 - 0.5 * d * r * r)
    return r


@functools.partial(
    pl.kernel,
    out_type=[jax.ShapeDtypeStruct((NN,), jnp.float32),
              jax.ShapeDtypeStruct((2, NSUB, LANES), jnp.float32),
              jax.ShapeDtypeStruct((NP,), jnp.float32)],
    mesh=_MESH,
    scratch_types=[pltpu.VMEM((2, EWIN), jnp.int32),
                   pltpu.VMEM((NP,), jnp.float32),
                   pltpu.VMEM((NP,), jnp.float32),
                   pltpu.VMEM((NP,), jnp.float32),
                   pltpu.VMEM((NSUB, CHUNK), jnp.float32),
                   pltpu.VMEM((NSUB, CHUNK), jnp.float32),
                   pltpu.VMEM((CHUNK,), jnp.float32),
                   pltpu.VMEM((CHUNK,), jnp.float32),
                   pltpu.VMEM((CHUNK,), jnp.float32),
                   pltpu.VMEM((CHUNK,), jnp.float32),
                   pltpu.VMEM((2, LANES), jnp.float32),
                   pltpu.VMEM_SHARED((NSUB, NP), jnp.float32),
                   pltpu.VMEM_SHARED((NSUB, NP), jnp.float32),
                   pltpu.SemaphoreType.DMA,
                   pltpu.SemaphoreType.DMA],
    compiler_params=_SC_PARAMS,
)
def _sc_kernel(ei_hbm, u0_hbm, s_hbm, t_hbm,
               ei_v, t_v, acca_v, accb_v, psta_v, pstb_v,
               nd_v, g_v, ns_v, ck_v, s_v, pa_hbm, pb_hbm, sem1, sem2):
    wid = lax.axis_index("s")
    ebase = wid * EPT
    walign = pl.multiple_of(
        lax.shift_left(lax.shift_right_logical(ebase, 7), 7), 128)
    eoff = ebase - walign
    cbase = wid * CHUNK
    cpe = pltpu.async_copy(ei_hbm.at[:, pl.ds(walign, EWIN)], ei_v, sem1)

    _zero_vec(accb_v, NP)
    cpe.wait()
    ones = jnp.ones((LANES,), jnp.float32)

    @plsc.parallel_loop(0, EPT // LANES, unroll=8)
    def _(i):
        dv = ei_v[1, pl.ds(eoff + i * LANES, LANES)]
        plsc.addupdate_scatter(accb_v, [dv], ones)

    pltpu.sync_copy(accb_v, pb_hbm.at[wid])
    plsc.subcore_barrier()

    cpb = pltpu.async_copy(pb_hbm.at[:, pl.ds(cbase, CHUNK)], pstb_v, sem2)
    _zero_vec(acca_v, NP)
    cpb.wait()

    def _reduce16(pst_v, j):
        acc = pst_v[0, pl.ds(j * LANES, LANES)]
        for w in range(1, NSUB):
            acc = acc + pst_v[w, pl.ds(j * LANES, LANES)]
        return acc

    @plsc.parallel_loop(0, CHUNK // LANES, unroll=2)
    def _(j):
        idg = _reduce16(pstb_v, j)
        nd = _rsqrt16(jnp.maximum(idg, 1.0))
        sl = pl.ds(j * LANES, LANES)
        nd_v[sl] = nd
        ck_v[sl] = nd * (1.0 / NN)

    pltpu.sync_copy(ck_v, t_hbm.at[pl.ds(cbase, CHUNK)])
    plsc.subcore_barrier()

    QT = NP // 4
    for r in (1, 2, 3):
        q0 = lax.rem(wid, 4) * QT
        q1 = lax.rem(wid + 1, 4) * QT
        q2 = lax.rem(wid + 2, 4) * QT
        q3 = lax.rem(wid + 3, 4) * QT
        cps = [pltpu.async_copy(t_hbm.at[pl.ds(q, QT)], t_v.at[pl.ds(q, QT)],
                                sem1) for q in (q0, q1, q2, q3)]
        if r > 1:
            _zero_vec(acca_v, NP)
        else:
            _zero_vec(accb_v, NP)
        for cp in cps:
            cp.wait()

        if r == 1:
            @plsc.parallel_loop(0, EPT // LANES, unroll=8)
            def _(i):
                sl = pl.ds(eoff + i * LANES, LANES)
                dv = ei_v[1, sl]
                vals = plsc.load_gather(t_v, [dv])
                sv = ei_v[0, sl]
                plsc.addupdate_scatter(acca_v, [sv], vals)
                plsc.addupdate_scatter(accb_v, [sv], ones)

            cpa = pltpu.async_copy(acca_v, pa_hbm.at[wid], sem1)
            cpb = pltpu.async_copy(accb_v, pb_hbm.at[wid], sem2)
            cpa.wait()
            cpb.wait()
        else:
            @plsc.parallel_loop(0, EPT // LANES, unroll=8)
            def _(i):
                sl = pl.ds(eoff + i * LANES, LANES)
                dv = ei_v[1, sl]
                vals = plsc.load_gather(t_v, [dv])
                sv = ei_v[0, sl]
                plsc.addupdate_scatter(acca_v, [sv], vals)

            pltpu.sync_copy(acca_v, pa_hbm.at[wid])
        plsc.subcore_barrier()

        cpa = pltpu.async_copy(pa_hbm.at[:, pl.ds(cbase, CHUNK)], psta_v,
                               sem1)
        if r == 1:
            cpb = pltpu.async_copy(pb_hbm.at[:, pl.ds(cbase, CHUNK)], pstb_v,
                                   sem2)
            cpb.wait()
            cpa.wait()

            @plsc.parallel_loop(0, CHUNK // LANES, unroll=2)
            def _(j):
                od = _reduce16(pstb_v, j)
                sl = pl.ds(j * LANES, LANES)
                ns_v[sl] = _rsqrt16(jnp.maximum(od, 1.0))
                g_v[sl] = ns_v[sl] * nd_v[sl]
        else:
            cpa.wait()

        if r < 3:
            sacc = jnp.zeros((LANES,), jnp.float32)

            @plsc.parallel_loop(0, CHUNK // LANES, unroll=2, carry=sacc)
            def sacc(j, acc):
                p = _reduce16(psta_v, j)
                sl = pl.ds(j * LANES, LANES)
                ck_v[sl] = g_v[sl] * p
                return acc + ns_v[sl] * p

            s_v[2 - r, :] = sacc
            pltpu.sync_copy(ck_v, t_hbm.at[pl.ds(cbase, CHUNK)])
            plsc.subcore_barrier()
        else:
            @plsc.parallel_loop(0, CHUNK // LANES, unroll=2)
            def _(j):
                p = _reduce16(psta_v, j)
                sl = pl.ds(j * LANES, LANES)
                ck_v[sl] = ns_v[sl] * p

            @pl.when(wid < NSUB - 1)
            def _():
                pltpu.sync_copy(ck_v, u0_hbm.at[pl.ds(cbase, CHUNK)])

            @pl.when(wid == NSUB - 1)
            def _():
                pltpu.sync_copy(ck_v.at[pl.ds(0, NN - (NSUB - 1) * CHUNK)],
                                u0_hbm.at[pl.ds(cbase, NN - (NSUB - 1) * CHUNK)])

    pltpu.sync_copy(s_v, s_hbm.at[:, wid])


def _head_body(u0_ref, xp_ref, sp_ref, w1_ref, b1_ref, w2_ref,
               b2_ref, w3_ref, b3_ref, wo_ref, bo_ref, out_ref):
    s1 = jnp.sum(sp_ref[1, :, :])
    s2 = jnp.sum(sp_ref[0, :, :])
    y0 = jnp.dot(u0_ref[...], xp_ref[...],
                 preferred_element_type=jnp.float32)
    y1 = jnp.dot(y0, w1_ref[...],
                 preferred_element_type=jnp.float32) + s1 * b1_ref[...]
    y2 = jnp.dot(y1, w2_ref[...],
                 preferred_element_type=jnp.float32) + s2 * b2_ref[...]
    y3 = jnp.dot(y2, w3_ref[...],
                 preferred_element_type=jnp.float32) + b3_ref[...]
    out_ref[...] = jnp.dot(y3, wo_ref[...],
                           preferred_element_type=jnp.float32) + bo_ref[...]


_head_call = pl.pallas_call(
    _head_body,
    out_shape=jax.ShapeDtypeStruct((1, CC), jnp.float32),
)


def kernel(features, edge_index, W1, b1, W2, b2, W3, b3, Wo, bo):
    u0, s_parts, _ = _sc_kernel(edge_index)

    out = _head_call(u0.reshape(1, NN), features, s_parts,
                     W1, b1.reshape(1, HH), W2, b2.reshape(1, HH),
                     W3, b3.reshape(1, HH), Wo, bo.reshape(1, CC))
    return out

# --- scband reference (transcript-rebuilt; emitter-appended) ---
"""Pipeline reference for scband-lgnetwork-80041010528455 (READ-ONLY COPY).

The authoritative reference and input builder live on the scoring server;
editing this copy changes nothing except your own understanding.
"""

import jax, jax.numpy as jnp
import numpy as np

N = 10000
E = 320000
D = 128
H = 128
C = 64


def setup_inputs(seed: int = 0) -> dict:
    key = jax.random.key(seed)
    ks = jax.random.split(key, 12)
    features = jax.random.normal(ks[0], (N, D), dtype=jnp.float32)
    edge_index = jax.random.randint(ks[1], (2, E), 0, N, dtype=jnp.int32)
    # GraphConv weights (3 conv layers: in->h, h->h, h->h) + output linear
    W1 = jax.random.normal(ks[2], (D, H), dtype=jnp.float32) * (1.0 / np.sqrt(D))
    b1 = jnp.zeros((H,), dtype=jnp.float32)
    W2 = jax.random.normal(ks[3], (H, H), dtype=jnp.float32) * (1.0 / np.sqrt(H))
    b2 = jnp.zeros((H,), dtype=jnp.float32)
    W3 = jax.random.normal(ks[4], (H, H), dtype=jnp.float32) * (1.0 / np.sqrt(H))
    b3 = jnp.zeros((H,), dtype=jnp.float32)
    Wo = jax.random.normal(ks[5], (H, C), dtype=jnp.float32) * (1.0 / np.sqrt(H))
    bo = jnp.zeros((C,), dtype=jnp.float32)
    return {"features": features, "edge_index": edge_index,
            "W1": W1, "b1": b1, "W2": W2, "b2": b2, "W3": W3, "b3": b3,
            "Wo": Wo, "bo": bo}


def _graph_conv(x, src, dst, W, b, n_nodes):
    # DGL GraphConv with norm='both': D_out^{-1/2} then copy_u+sum then D_in^{-1/2}, then linear
    ones = jnp.ones((src.shape[0],), dtype=x.dtype)
    out_deg = jax.ops.segment_sum(ones, src, num_segments=n_nodes)
    in_deg = jax.ops.segment_sum(ones, dst, num_segments=n_nodes)
    norm_src = jnp.clip(out_deg, 1.0, None) ** -0.5
    norm_dst = jnp.clip(in_deg, 1.0, None) ** -0.5
    h = x * norm_src[:, None]
    msg = jnp.take(h, src, axis=0)              # gather over edges
    agg = jax.ops.segment_sum(msg, dst, num_segments=n_nodes)  # scatter-add
    h = agg * norm_dst[:, None]
    return h @ W + b


def reference(features, edge_index, W1, b1, W2, b2, W3, b3, Wo, bo):
    src = edge_index[0]
    dst = edge_index[1]
    h = _graph_conv(features, src, dst, W1, b1, N)
    h = _graph_conv(h, src, dst, W2, b2, N)
    h = _graph_conv(h, src, dst, W3, b3, N)
    # dgl.mean_nodes over a single graph -> [1, H]
    hg = jnp.mean(h, axis=0, keepdims=True)
    return hg @ Wo + bo  # [1, C]

if __name__ == "__main__":
    import jax
    _d = setup_inputs()
    print(jax.jit(kernel)(*tuple(_d.values())))

</pallas_src>

<mosaic_0001>
#map = affine_map<(d0, d1) -> (0, 0)>
#map1 = affine_map<(d0, d1) -> (0)>
#map2 = affine_map<(d0, d1) -> (0, 0, 0)>
module attributes {stable_mosaic.version = 14 : i64} {
  func.func @_sc_kernel(%arg0: i32, %arg1: i32, %arg2: memref<2x320000xi32, #tpu.memory_space<hbm>>, %arg3: memref<10000xf32, #tpu.memory_space<hbm>>, %arg4: memref<2x16x16xf32, #tpu.memory_space<hbm>>, %arg5: memref<10240xf32, #tpu.memory_space<hbm>>, %arg6: memref<2x20096xi32, #tpu.memory_space<vmem>>, %arg7: memref<10240xf32, #tpu.memory_space<vmem>>, %arg8: memref<10240xf32, #tpu.memory_space<vmem>>, %arg9: memref<10240xf32, #tpu.memory_space<vmem>>, %arg10: memref<16x640xf32, #tpu.memory_space<vmem>>, %arg11: memref<16x640xf32, #tpu.memory_space<vmem>>, %arg12: memref<640xf32, #tpu.memory_space<vmem>>, %arg13: memref<640xf32, #tpu.memory_space<vmem>>, %arg14: memref<640xf32, #tpu.memory_space<vmem>>, %arg15: memref<640xf32, #tpu.memory_space<vmem>>, %arg16: memref<2x16xf32, #tpu.memory_space<vmem>>, %arg17: memref<16x10240xf32, #tpu.memory_space<vmem_shared>>, %arg18: memref<16x10240xf32, #tpu.memory_space<vmem_shared>>, %arg19: memref<!tpu.dma_semaphore, #tpu.memory_space<semaphore_mem>>, %arg20: memref<!tpu.dma_semaphore, #tpu.memory_space<semaphore_mem>>) attributes {dimension_semantics = [#tpu.dimension_semantics<core_parallel>, #tpu.dimension_semantics<subcore_parallel>], iteration_bounds = array<i64: 1, 16>, scalar_prefetch = 0 : i64, scratch_operands = 15 : i64, tpu.core_type = #tpu.core_type<sc_vector_subcore>, window_params = [{transform_indices = #map}, {transform_indices = #map1}, {transform_indices = #map2}, {transform_indices = #map1}]} {
    %mul3A = arith.constant 20000 : i32
    %mul3A_0 = arith.muli %arg1, %mul3A : i32
    %shift_right_logical3A = arith.constant 7 : i32
    %shift_right_logical3A_1 = arith.shrui %mul3A_0, %shift_right_logical3A : i32
    %shift_left3A = arith.constant 7 : i32
    %shift_left3A_2 = arith.shli %shift_right_logical3A_1, %shift_left3A : i32
    %multiple_of3A = tpu.assume_multiple %shift_left3A_2, 128 : i32
    %sub3A = arith.subi %mul3A_0, %multiple_of3A : i32
    %mul3A_3 = arith.constant 640 : i32
    %mul3A_4 = arith.muli %arg1, %mul3A_3 : i32
    %dma_start3A = arith.constant 0 : i32
    %dma_start3A_5 = tpu.memref_slice %arg2[%dma_start3A, %multiple_of3A] : memref<2x320000xi32, #tpu.memory_space<hbm>> -> memref<2x20096xi32, #tpu.memory_space<hbm>>
    %dma_start3A_6 = arith.constant 0 : i32
    %dma_start3A_7 = tpu.memref_slice %arg2[%dma_start3A_6, %multiple_of3A] : memref<2x320000xi32, #tpu.memory_space<hbm>> -> memref<2x20096xi32, #tpu.memory_space<hbm>>
    tpu.enqueue_dma source(%dma_start3A_7 : memref<2x20096xi32, #tpu.memory_space<hbm>>) target(%arg6 : memref<2x20096xi32, #tpu.memory_space<vmem>>) target_semaphore(%arg19 : memref<!tpu.dma_semaphore, #tpu.memory_space<semaphore_mem>>)
    %broadcast_in_dim3A = arith.constant 0.000000e+00 : f32
    %broadcast_in_dim3A_8 = vector.broadcast %broadcast_in_dim3A : f32 to vector<16xf32>
    %parallel_loop3A = arith.constant 0 : i32
    %parallel_loop3A_9 = arith.constant 640 : i32
    %parallel_loop3A_10 = arith.constant 1 : i32
    scf.for %parallel_loop3A_312 = %parallel_loop3A to %parallel_loop3A_9 step %parallel_loop3A_10  : i32 {
      %parallel_loop3A_313 = arith.constant 16 : i32
      %parallel_loop3A_314 = arith.muli %parallel_loop3A_312, %parallel_loop3A_313 : i32
      %parallel_loop3A_315 = arith.index_cast %parallel_loop3A_314 : i32 to index
      %parallel_loop3A_316 = tpu.vector_load %arg9[%parallel_loop3A_315] {strides = array<i32>} : memref<10240xf32, #tpu.memory_space<vmem>>, vector<16xf32>,
      tpu.vector_store %arg9[%parallel_loop3A_315], %broadcast_in_dim3A_8 {strides = array<i32>} : memref<10240xf32, #tpu.memory_space<vmem>>, vector<16xf32>,
    } {sc.loop_unroll_factor = 8 : i64, sc.parallel_access}
    %dma_wait3A = arith.constant 0 : i32
    %dma_wait3A_11 = tpu.memref_slice %arg2[%dma_wait3A, %multiple_of3A] : memref<2x320000xi32, #tpu.memory_space<hbm>> -> memref<2x20096xi32, #tpu.memory_space<hbm>>
    %dma_wait3A_12 = arith.constant 0 : i32
    %dma_wait3A_13 = tpu.memref_slice %arg2[%dma_wait3A_12, %multiple_of3A] : memref<2x320000xi32, #tpu.memory_space<hbm>> -> memref<2x20096xi32, #tpu.memory_space<hbm>>
    tpu.wait_dma2 semaphore(%arg19 : memref<!tpu.dma_semaphore, #tpu.memory_space<semaphore_mem>>) src(%dma_wait3A_13 : memref<2x20096xi32, #tpu.memory_space<hbm>>) dst(%arg6 : memref<2x20096xi32, #tpu.memory_space<vmem>>)
    %broadcast_in_dim3A_14 = arith.constant 1.000000e+00 : f32
    %broadcast_in_dim3A_15 = vector.broadcast %broadcast_in_dim3A_14 : f32 to vector<16xf32>
    %parallel_loop3A_16 = arith.constant 0 : i32
    %parallel_loop3A_17 = arith.constant 1250 : i32
    %parallel_loop3A_18 = arith.constant 1 : i32
    scf.for %parallel_loop3A_312 = %parallel_loop3A_16 to %parallel_loop3A_17 step %parallel_loop3A_18  : i32 {
      %parallel_loop3A_313 = arith.constant 16 : i32
      %parallel_loop3A_314 = arith.muli %parallel_loop3A_312, %parallel_loop3A_313 : i32
      %parallel_loop3A_315 = arith.addi %sub3A, %parallel_loop3A_314 : i32
      %parallel_loop3A_316 = arith.constant 1 : i32
      %parallel_loop3A_317 = arith.index_cast %parallel_loop3A_316 : i32 to index
      %parallel_loop3A_318 = arith.index_cast %parallel_loop3A_315 : i32 to index
      %parallel_loop3A_319 = tpu.vector_load %arg6[%parallel_loop3A_317, %parallel_loop3A_318] {strides = array<i32>} : memref<2x20096xi32, #tpu.memory_space<vmem>>, vector<16xi32>,
      tpu.vector_store_idx %arg9[%parallel_loop3A_319], %broadcast_in_dim3A_15 {add = true} : memref<10240xf32, #tpu.memory_space<vmem>>[vector<16xi32>], vector<16xf32>,
    } {sc.loop_unroll_factor = 8 : i64, sc.parallel_access}
    "tpu.region"() ({
      %run_scoped3A = tpu.sem_alloc : memref<!tpu.dma_semaphore, #tpu.memory_space<semaphore_mem>>
      %dma_start3A_312 = arith.constant 0 : i32
      %dma_start3A_313 = tpu.memref_slice %arg18[%arg1, %dma_start3A_312] : memref<16x10240xf32, #tpu.memory_space<vmem_shared>> -> memref<1x10240xf32, #tpu.memory_space<vmem_shared>>
      %dma_start3A_314 = tpu.memref_squeeze %dma_start3A_313 : memref<1x10240xf32, #tpu.memory_space<vmem_shared>> -> memref<10240xf32, #tpu.memory_space<vmem_shared>>
      %dma_start3A_315 = arith.constant 0 : i32
      %dma_start3A_316 = tpu.memref_slice %arg18[%arg1, %dma_start3A_315] : memref<16x10240xf32, #tpu.memory_space<vmem_shared>> -> memref<1x10240xf32, #tpu.memory_space<vmem_shared>>
      %dma_start3A_317 = tpu.memref_squeeze %dma_start3A_316 : memref<1x10240xf32, #tpu.memory_space<vmem_shared>> -> memref<10240xf32, #tpu.memory_space<vmem_shared>>
      tpu.enqueue_dma source(%arg9 : memref<10240xf32, #tpu.memory_space<vmem>>) target(%dma_start3A_317 : memref<10240xf32, #tpu.memory_space<vmem_shared>>) target_semaphore(%run_scoped3A : memref<!tpu.dma_semaphore, #tpu.memory_space<semaphore_mem>>)
      %dma_wait3A_318 = arith.constant 0 : i32
      %dma_wait3A_319 = tpu.memref_slice %arg18[%arg1, %dma_wait3A_318] : memref<16x10240xf32, #tpu.memory_space<vmem_shared>> -> memref<1x10240xf32, #tpu.memory_space<vmem_shared>>
      %dma_wait3A_320 = tpu.memref_squeeze %dma_wait3A_319 : memref<1x10240xf32, #tpu.memory_space<vmem_shared>> -> memref<10240xf32, #tpu.memory_space<vmem_shared>>
      %dma_wait3A_321 = arith.constant 0 : i32
      %dma_wait3A_322 = tpu.memref_slice %arg18[%arg1, %dma_wait3A_321] : memref<16x10240xf32, #tpu.memory_space<vmem_shared>> -> memref<1x10240xf32, #tpu.memory_space<vmem_shared>>
      %dma_wait3A_323 = tpu.memref_squeeze %dma_wait3A_322 : memref<1x10240xf32, #tpu.memory_space<vmem_shared>> -> memref<10240xf32, #tpu.memory_space<vmem_shared>>
      tpu.wait_dma2 semaphore(%run_scoped3A : memref<!tpu.dma_semaphore, #tpu.memory_space<semaphore_mem>>) src(%arg9 : memref<10240xf32, #tpu.memory_space<vmem>>) dst(%dma_wait3A_323 : memref<10240xf32, #tpu.memory_space<vmem_shared>>)
      tpu.yield
    }) : () -> ()
    %barrier3A = arith.constant 0 : index
    tpu.barrier barrier_id(%barrier3A)
    %dma_start3A_19 = arith.constant 0 : i32
    %dma_start3A_20 = tpu.memref_slice %arg18[%dma_start3A_19, %mul3A_4] : memref<16x10240xf32, #tpu.memory_space<vmem_shared>> -> memref<16x640xf32, #tpu.memory_space<vmem_shared>>
    %dma_start3A_21 = arith.constant 0 : i32
    %dma_start3A_22 = tpu.memref_slice %arg18[%dma_start3A_21, %mul3A_4] : memref<16x10240xf32, #tpu.memory_space<vmem_shared>> -> memref<16x640xf32, #tpu.memory_space<vmem_shared>>
    tpu.enqueue_dma source(%dma_start3A_22 : memref<16x640xf32, #tpu.memory_space<vmem_shared>>) target(%arg11 : memref<16x640xf32, #tpu.memory_space<vmem>>) target_semaphore(%arg20 : memref<!tpu.dma_semaphore, #tpu.memory_space<semaphore_mem>>)
    %broadcast_in_dim3A_23 = arith.constant 0.000000e+00 : f32
    %broadcast_in_dim3A_24 = vector.broadcast %broadcast_in_dim3A_23 : f32 to vector<16xf32>
    %parallel_loop3A_25 = arith.constant 0 : i32
    %parallel_loop3A_26 = arith.constant 640 : i32
    %parallel_loop3A_27 = arith.constant 1 : i32
    scf.for %parallel_loop3A_312 = %parallel_loop3A_25 to %parallel_loop3A_26 step %parallel_loop3A_27  : i32 {
      %parallel_loop3A_313 = arith.constant 16 : i32
      %parallel_loop3A_314 = arith.muli %parallel_loop3A_312, %parallel_loop3A_313 : i32
      %parallel_loop3A_315 = arith.index_cast %parallel_loop3A_314 : i32 to index
      %parallel_loop3A_316 = tpu.vector_load %arg8[%parallel_loop3A_315] {strides = array<i32>} : memref<10240xf32, #tpu.memory_space<vmem>>, vector<16xf32>,
      tpu.vector_store %arg8[%parallel_loop3A_315], %broadcast_in_dim3A_24 {strides = array<i32>} : memref<10240xf32, #tpu.memory_space<vmem>>, vector<16xf32>,
    } {sc.loop_unroll_factor = 8 : i64, sc.parallel_access}
    %dma_wait3A_28 = arith.constant 0 : i32
    %dma_wait3A_29 = tpu.memref_slice %arg18[%dma_wait3A_28, %mul3A_4] : memref<16x10240xf32, #tpu.memory_space<vmem_shared>> -> memref<16x640xf32, #tpu.memory_space<vmem_shared>>
    %dma_wait3A_30 = arith.constant 0 : i32
    %dma_wait3A_31 = tpu.memref_slice %arg18[%dma_wait3A_30, %mul3A_4] : memref<16x10240xf32, #tpu.memory_space<vmem_shared>> -> memref<16x640xf32, #tpu.memory_space<vmem_shared>>
    tpu.wait_dma2 semaphore(%arg20 : memref<!tpu.dma_semaphore, #tpu.memory_space<semaphore_mem>>) src(%dma_wait3A_31 : memref<16x640xf32, #tpu.memory_space<vmem_shared>>) dst(%arg11 : memref<16x640xf32, #tpu.memory_space<vmem>>)
    %parallel_loop3A_32 = arith.constant 0 : i32
    %parallel_loop3A_33 = arith.constant 40 : i32
    %parallel_loop3A_34 = arith.constant 1 : i32
    scf.for %parallel_loop3A_312 = %parallel_loop3A_32 to %parallel_loop3A_33 step %parallel_loop3A_34  : i32 {
      %parallel_loop3A_313 = arith.constant 16 : i32
      %parallel_loop3A_314 = arith.muli %parallel_loop3A_312, %parallel_loop3A_313 : i32
      %parallel_loop3A_315 = arith.constant 0 : i32
      %parallel_loop3A_316 = arith.index_cast %parallel_loop3A_315 : i32 to index
      %parallel_loop3A_317 = arith.index_cast %parallel_loop3A_314 : i32 to index
      %parallel_loop3A_318 = tpu.vector_load %arg11[%parallel_loop3A_316, %parallel_loop3A_317] {strides = array<i32>} : memref<16x640xf32, #tpu.memory_space<vmem>>, vector<16xf32>,
      %parallel_loop3A_319 = arith.constant 16 : i32
      %parallel_loop3A_320 = arith.muli %parallel_loop3A_312, %parallel_loop3A_319 : i32
      %parallel_loop3A_321 = arith.constant 1 : i32
      %parallel_loop3A_322 = arith.index_cast %parallel_loop3A_321 : i32 to index
      %parallel_loop3A_323 = arith.index_cast %parallel_loop3A_320 : i32 to index
      %parallel_loop3A_324 = tpu.vector_load %arg11[%parallel_loop3A_322, %parallel_loop3A_323] {strides = array<i32>} : memref<16x640xf32, #tpu.memory_space<vmem>>, vector<16xf32>,
      %parallel_loop3A_325 = arith.addf %parallel_loop3A_318, %parallel_loop3A_324 : vector<16xf32>
      %parallel_loop3A_326 = arith.constant 16 : i32
      %parallel_loop3A_327 = arith.muli %parallel_loop3A_312, %parallel_loop3A_326 : i32
      %parallel_loop3A_328 = arith.constant 2 : i32
      %parallel_loop3A_329 = arith.index_cast %parallel_loop3A_328 : i32 to index
      %parallel_loop3A_330 = arith.index_cast %parallel_loop3A_327 : i32 to index
      %parallel_loop3A_331 = tpu.vector_load %arg11[%parallel_loop3A_329, %parallel_loop3A_330] {strides = array<i32>} : memref<16x640xf32, #tpu.memory_space<vmem>>, vector<16xf32>,
      %parallel_loop3A_332 = arith.addf %parallel_loop3A_325, %parallel_loop3A_331 : vector<16xf32>
      %parallel_loop3A_333 = arith.constant 16 : i32
      %parallel_loop3A_334 = arith.muli %parallel_loop3A_312, %parallel_loop3A_333 : i32
      %parallel_loop3A_335 = arith.constant 3 : i32
      %parallel_loop3A_336 = arith.index_cast %parallel_loop3A_335 : i32 to index
      %parallel_loop3A_337 = arith.index_cast %parallel_loop3A_334 : i32 to index
      %parallel_loop3A_338 = tpu.vector_load %arg11[%parallel_loop3A_336, %parallel_loop3A_337] {strides = array<i32>} : memref<16x640xf32, #tpu.memory_space<vmem>>, vector<16xf32>,
      %parallel_loop3A_339 = arith.addf %parallel_loop3A_332, %parallel_loop3A_338 : vector<16xf32>
      %parallel_loop3A_340 = arith.constant 16 : i32
      %parallel_loop3A_341 = arith.muli %parallel_loop3A_312, %parallel_loop3A_340 : i32
      %parallel_loop3A_342 = arith.constant 4 : i32
      %parallel_loop3A_343 = arith.index_cast %parallel_loop3A_342 : i32 to index
      %parallel_loop3A_344 = arith.index_cast %parallel_loop3A_341 : i32 to index
      %parallel_loop3A_345 = tpu.vector_load %arg11[%parallel_loop3A_343, %parallel_loop3A_344] {strides = array<i32>} : memref<16x640xf32, #tpu.memory_space<vmem>>, vector<16xf32>,
      %parallel_loop3A_346 = arith.addf %parallel_loop3A_339, %parallel_loop3A_345 : vector<16xf32>
      %parallel_loop3A_347 = arith.constant 16 : i32
      %parallel_loop3A_348 = arith.muli %parallel_loop3A_312, %parallel_loop3A_347 : i32
      %parallel_loop3A_349 = arith.constant 5 : i32
      %parallel_loop3A_350 = arith.index_cast %parallel_loop3A_349 : i32 to index
      %parallel_loop3A_351 = arith.index_cast %parallel_loop3A_348 : i32 to index
      %parallel_loop3A_352 = tpu.vector_load %arg11[%parallel_loop3A_350, %parallel_loop3A_351] {strides = array<i32>} : memref<16x640xf32, #tpu.memory_space<vmem>>, vector<16xf32>,
      %parallel_loop3A_353 = arith.addf %parallel_loop3A_346, %parallel_loop3A_352 : vector<16xf32>
      %parallel_loop3A_354 = arith.constant 16 : i32
      %parallel_loop3A_355 = arith.muli %parallel_loop3A_312, %parallel_loop3A_354 : i32
      %parallel_loop3A_356 = arith.constant 6 : i32
      %parallel_loop3A_357 = arith.index_cast %parallel_loop3A_356 : i32 to index
      %parallel_loop3A_358 = arith.index_cast %parallel_loop3A_355 : i32 to index
      %parallel_loop3A_359 = tpu.vector_load %arg11[%parallel_loop3A_357, %parallel_loop3A_358] {strides = array<i32>} : memref<16x640xf32, #tpu.memory_space<vmem>>, vector<16xf32>,
      %parallel_loop3A_360 = arith.addf %parallel_loop3A_353, %parallel_loop3A_359 : vector<16xf32>
      %parallel_loop3A_361 = arith.constant 16 : i32
      %parallel_loop3A_362 = arith.muli %parallel_loop3A_312, %parallel_loop3A_361 : i32
      %parallel_loop3A_363 = arith.constant 7 : i32
      %parallel_loop3A_364 = arith.index_cast %parallel_loop3A_363 : i32 to index
      %parallel_loop3A_365 = arith.index_cast %parallel_loop3A_362 : i32 to index
      %parallel_loop3A_366 = tpu.vector_load %arg11[%parallel_loop3A_364, %parallel_loop3A_365] {strides = array<i32>} : memref<16x640xf32, #tpu.memory_space<vmem>>, vector<16xf32>,
      %parallel_loop3A_367 = arith.addf %parallel_loop3A_360, %parallel_loop3A_366 : vector<16xf32>
      %parallel_loop3A_368 = arith.constant 16 : i32
      %parallel_loop3A_369 = arith.muli %parallel_loop3A_312, %parallel_loop3A_368 : i32
      %parallel_loop3A_370 = arith.constant 8 : i32
      %parallel_loop3A_371 = arith.index_cast %parallel_loop3A_370 : i32 to index
      %parallel_loop3A_372 = arith.index_cast %parallel_loop3A_369 : i32 to index
      %parallel_loop3A_373 = tpu.vector_load %arg11[%parallel_loop3A_371, %parallel_loop3A_372] {strides = array<i32>} : memref<16x640xf32, #tpu.memory_space<vmem>>, vector<16xf32>,
      %parallel_loop3A_374 = arith.addf %parallel_loop3A_367, %parallel_loop3A_373 : vector<16xf32>
      %parallel_loop3A_375 = arith.constant 16 : i32
      %parallel_loop3A_376 = arith.muli %parallel_loop3A_312, %parallel_loop3A_375 : i32
      %parallel_loop3A_377 = arith.constant 9 : i32
      %parallel_loop3A_378 = arith.index_cast %parallel_loop3A_377 : i32 to index
      %parallel_loop3A_379 = arith.index_cast %parallel_loop3A_376 : i32 to index
      %parallel_loop3A_380 = tpu.vector_load %arg11[%parallel_loop3A_378, %parallel_loop3A_379] {strides = array<i32>} : memref<16x640xf32, #tpu.memory_space<vmem>>, vector<16xf32>,
      %parallel_loop3A_381 = arith.addf %parallel_loop3A_374, %parallel_loop3A_380 : vector<16xf32>
      %parallel_loop3A_382 = arith.constant 16 : i32
      %parallel_loop3A_383 = arith.muli %parallel_loop3A_312, %parallel_loop3A_382 : i32
      %parallel_loop3A_384 = arith.constant 10 : i32
      %parallel_loop3A_385 = arith.index_cast %parallel_loop3A_384 : i32 to index
      %parallel_loop3A_386 = arith.index_cast %parallel_loop3A_383 : i32 to index
      %parallel_loop3A_387 = tpu.vector_load %arg11[%parallel_loop3A_385, %parallel_loop3A_386] {strides = array<i32>} : memref<16x640xf32, #tpu.memory_space<vmem>>, vector<16xf32>,
      %parallel_loop3A_388 = arith.addf %parallel_loop3A_381, %parallel_loop3A_387 : vector<16xf32>
      %parallel_loop3A_389 = arith.constant 16 : i32
      %parallel_loop3A_390 = arith.muli %parallel_loop3A_312, %parallel_loop3A_389 : i32
      %parallel_loop3A_391 = arith.constant 11 : i32
      %parallel_loop3A_392 = arith.index_cast %parallel_loop3A_391 : i32 to index
      %parallel_loop3A_393 = arith.index_cast %parallel_loop3A_390 : i32 to index
      %parallel_loop3A_394 = tpu.vector_load %arg11[%parallel_loop3A_392, %parallel_loop3A_393] {strides = array<i32>} : memref<16x640xf32, #tpu.memory_space<vmem>>, vector<16xf32>,
      %parallel_loop3A_395 = arith.addf %parallel_loop3A_388, %parallel_loop3A_394 : vector<16xf32>
      %parallel_loop3A_396 = arith.constant 16 : i32
      %parallel_loop3A_397 = arith.muli %parallel_loop3A_312, %parallel_loop3A_396 : i32
      %parallel_loop3A_398 = arith.constant 12 : i32
      %parallel_loop3A_399 = arith.index_cast %parallel_loop3A_398 : i32 to index
      %parallel_loop3A_400 = arith.index_cast %parallel_loop3A_397 : i32 to index
      %parallel_loop3A_401 = tpu.vector_load %arg11[%parallel_loop3A_399, %parallel_loop3A_400] {strides = array<i32>} : memref<16x640xf32, #tpu.memory_space<vmem>>, vector<16xf32>,
      %parallel_loop3A_402 = arith.addf %parallel_loop3A_395, %parallel_loop3A_401 : vector<16xf32>
      %parallel_loop3A_403 = arith.constant 16 : i32
      %parallel_loop3A_404 = arith.muli %parallel_loop3A_312, %parallel_loop3A_403 : i32
      %parallel_loop3A_405 = arith.constant 13 : i32
      %parallel_loop3A_406 = arith.index_cast %parallel_loop3A_405 : i32 to index
      %parallel_loop3A_407 = arith.index_cast %parallel_loop3A_404 : i32 to index
      %parallel_loop3A_408 = tpu.vector_load %arg11[%parallel_loop3A_406, %parallel_loop3A_407] {strides = array<i32>} : memref<16x640xf32, #tpu.memory_space<vmem>>, vector<16xf32>,
      %parallel_loop3A_409 = arith.addf %parallel_loop3A_402, %parallel_loop3A_408 : vector<16xf32>
      %parallel_loop3A_410 = arith.constant 16 : i32
      %parallel_loop3A_411 = arith.muli %parallel_loop3A_312, %parallel_loop3A_410 : i32
      %parallel_loop3A_412 = arith.constant 14 : i32
      %parallel_loop3A_413 = arith.index_cast %parallel_loop3A_412 : i32 to index
      %parallel_loop3A_414 = arith.index_cast %parallel_loop3A_411 : i32 to index
      %parallel_loop3A_415 = tpu.vector_load %arg11[%parallel_loop3A_413, %parallel_loop3A_414] {strides = array<i32>} : memref<16x640xf32, #tpu.memory_space<vmem>>, vector<16xf32>,
      %parallel_loop3A_416 = arith.addf %parallel_loop3A_409, %parallel_loop3A_415 : vector<16xf32>
      %parallel_loop3A_417 = arith.constant 16 : i32
      %parallel_loop3A_418 = arith.muli %parallel_loop3A_312, %parallel_loop3A_417 : i32
      %parallel_loop3A_419 = arith.constant 15 : i32
      %parallel_loop3A_420 = arith.index_cast %parallel_loop3A_419 : i32 to index
      %parallel_loop3A_421 = arith.index_cast %parallel_loop3A_418 : i32 to index
      %parallel_loop3A_422 = tpu.vector_load %arg11[%parallel_loop3A_420, %parallel_loop3A_421] {strides = array<i32>} : memref<16x640xf32, #tpu.memory_space<vmem>>, vector<16xf32>,
      %parallel_loop3A_423 = arith.addf %parallel_loop3A_416, %parallel_loop3A_422 : vector<16xf32>
      %parallel_loop3A_424 = arith.constant 1.000000e+00 : f32
      %parallel_loop3A_425 = vector.broadcast %parallel_loop3A_424 : f32 to vector<16xf32>
      %parallel_loop3A_426 = arith.maximumf %parallel_loop3A_423, %parallel_loop3A_425 : vector<16xf32>
      %parallel_loop3A_427 = vector.bitcast %parallel_loop3A_426 : vector<16xf32> to vector<16xi32>
      %parallel_loop3A_428 = arith.constant 1 : i32
      %parallel_loop3A_429 = vector.broadcast %parallel_loop3A_428 : i32 to vector<16xi32>
      %parallel_loop3A_430 = arith.shrui %parallel_loop3A_427, %parallel_loop3A_429 : vector<16xi32>
      %parallel_loop3A_431 = arith.constant 1597463007 : i32
      %parallel_loop3A_432 = vector.broadcast %parallel_loop3A_431 : i32 to vector<16xi32>
      %parallel_loop3A_433 = arith.subi %parallel_loop3A_432, %parallel_loop3A_430 : vector<16xi32>
      %parallel_loop3A_434 = vector.bitcast %parallel_loop3A_433 : vector<16xi32> to vector<16xf32>
      %parallel_loop3A_435 = arith.constant 5.000000e-01 : f32
      %parallel_loop3A_436 = vector.broadcast %parallel_loop3A_435 : f32 to vector<16xf32>
      %parallel_loop3A_437 = arith.mulf %parallel_loop3A_436, %parallel_loop3A_426 : vector<16xf32>
      %parallel_loop3A_438 = arith.mulf %parallel_loop3A_437, %parallel_loop3A_434 : vector<16xf32>
      %parallel_loop3A_439 = arith.mulf %parallel_loop3A_438, %parallel_loop3A_434 : vector<16xf32>
      %parallel_loop3A_440 = arith.constant 1.500000e+00 : f32
      %parallel_loop3A_441 = vector.broadcast %parallel_loop3A_440 : f32 to vector<16xf32>
      %parallel_loop3A_442 = arith.subf %parallel_loop3A_441, %parallel_loop3A_439 : vector<16xf32>
      %parallel_loop3A_443 = arith.mulf %parallel_loop3A_434, %parallel_loop3A_442 : vector<16xf32>
      %parallel_loop3A_444 = arith.constant 5.000000e-01 : f32
      %parallel_loop3A_445 = vector.broadcast %parallel_loop3A_444 : f32 to vector<16xf32>
      %parallel_loop3A_446 = arith.mulf %parallel_loop3A_445, %parallel_loop3A_426 : vector<16xf32>
      %parallel_loop3A_447 = arith.mulf %parallel_loop3A_446, %parallel_loop3A_443 : vector<16xf32>
      %parallel_loop3A_448 = arith.mulf %parallel_loop3A_447, %parallel_loop3A_443 : vector<16xf32>
      %parallel_loop3A_449 = arith.constant 1.500000e+00 : f32
      %parallel_loop3A_450 = vector.broadcast %parallel_loop3A_449 : f32 to vector<16xf32>
      %parallel_loop3A_451 = arith.subf %parallel_loop3A_450, %parallel_loop3A_448 : vector<16xf32>
      %parallel_loop3A_452 = arith.mulf %parallel_loop3A_443, %parallel_loop3A_451 : vector<16xf32>
      %parallel_loop3A_453 = arith.constant 5.000000e-01 : f32
      %parallel_loop3A_454 = vector.broadcast %parallel_loop3A_453 : f32 to vector<16xf32>
      %parallel_loop3A_455 = arith.mulf %parallel_loop3A_454, %parallel_loop3A_426 : vector<16xf32>
      %parallel_loop3A_456 = arith.mulf %parallel_loop3A_455, %parallel_loop3A_452 : vector<16xf32>
      %parallel_loop3A_457 = arith.mulf %parallel_loop3A_456, %parallel_loop3A_452 : vector<16xf32>
      %parallel_loop3A_458 = arith.constant 1.500000e+00 : f32
      %parallel_loop3A_459 = vector.broadcast %parallel_loop3A_458 : f32 to vector<16xf32>
      %parallel_loop3A_460 = arith.subf %parallel_loop3A_459, %parallel_loop3A_457 : vector<16xf32>
      %parallel_loop3A_461 = arith.mulf %parallel_loop3A_452, %parallel_loop3A_460 : vector<16xf32>
      %parallel_loop3A_462 = arith.constant 16 : i32
      %parallel_loop3A_463 = arith.muli %parallel_loop3A_312, %parallel_loop3A_462 : i32
      %parallel_loop3A_464 = arith.index_cast %parallel_loop3A_463 : i32 to index
      %parallel_loop3A_465 = tpu.vector_load %arg12[%parallel_loop3A_464] {strides = array<i32>} : memref<640xf32, #tpu.memory_space<vmem>>, vector<16xf32>,
      tpu.vector_store %arg12[%parallel_loop3A_464], %parallel_loop3A_461 {strides = array<i32>} : memref<640xf32, #tpu.memory_space<vmem>>, vector<16xf32>,
      %parallel_loop3A_466 = arith.constant 9.99999974E-5 : f32
      %parallel_loop3A_467 = vector.broadcast %parallel_loop3A_466 : f32 to vector<16xf32>
      %parallel_loop3A_468 = arith.mulf %parallel_loop3A_461, %parallel_loop3A_467 : vector<16xf32>
      %parallel_loop3A_469 = arith.index_cast %parallel_loop3A_463 : i32 to index
      %parallel_loop3A_470 = tpu.vector_load %arg15[%parallel_loop3A_469] {strides = array<i32>} : memref<640xf32, #tpu.memory_space<vmem>>, vector<16xf32>,
      tpu.vector_store %arg15[%parallel_loop3A_469], %parallel_loop3A_468 {strides = array<i32>} : memref<640xf32, #tpu.memory_space<vmem>>, vector<16xf32>,
    } {sc.loop_unroll_factor = 2 : i64, sc.parallel_access}
    "tpu.region"() ({
      %run_scoped3A = tpu.sem_alloc : memref<!tpu.dma_semaphore, #tpu.memory_space<semaphore_mem>>
      %dma_start3A_312 = tpu.memref_slice %arg5[%mul3A_4] : memref<10240xf32, #tpu.memory_space<hbm>> -> memref<640xf32, #tpu.memory_space<hbm>>
      %dma_start3A_313 = tpu.memref_slice %arg5[%mul3A_4] : memref<10240xf32, #tpu.memory_space<hbm>> -> memref<640xf32, #tpu.memory_space<hbm>>
      tpu.enqueue_dma source(%arg15 : memref<640xf32, #tpu.memory_space<vmem>>) target(%dma_start3A_313 : memref<640xf32, #tpu.memory_space<hbm>>) target_semaphore(%run_scoped3A : memref<!tpu.dma_semaphore, #tpu.memory_space<semaphore_mem>>)
      %dma_wait3A_314 = tpu.memref_slice %arg5[%mul3A_4] : memref<10240xf32, #tpu.memory_space<hbm>> -> memref<640xf32, #tpu.memory_space<hbm>>
      %dma_wait3A_315 = tpu.memref_slice %arg5[%mul3A_4] : memref<10240xf32, #tpu.memory_space<hbm>> -> memref<640xf32, #tpu.memory_space<hbm>>
      tpu.wait_dma2 semaphore(%run_scoped3A : memref<!tpu.dma_semaphore, #tpu.memory_space<semaphore_mem>>) src(%arg15 : memref<640xf32, #tpu.memory_space<vmem>>) dst(%dma_wait3A_315 : memref<640xf32, #tpu.memory_space<hbm>>)
      tpu.yield
    }) : () -> ()
    %barrier3A_35 = arith.constant 0 : index
    tpu.barrier barrier_id(%barrier3A_35)
    %rem3A = arith.constant 4 : i32
    %rem3A_36 = arith.remsi %arg1, %rem3A : i32
    %mul3A_37 = arith.constant 2560 : i32
    %mul3A_38 = arith.muli %rem3A_36, %mul3A_37 : i32
    %add3A = arith.constant 1 : i32
    %add3A_39 = arith.addi %arg1, %add3A : i32
    %rem3A_40 = arith.constant 4 : i32
    %rem3A_41 = arith.remsi %add3A_39, %rem3A_40 : i32
    %mul3A_42 = arith.constant 2560 : i32
    %mul3A_43 = arith.muli %rem3A_41, %mul3A_42 : i32
    %add3A_44 = arith.constant 2 : i32
    %add3A_45 = arith.addi %arg1, %add3A_44 : i32
    %rem3A_46 = arith.constant 4 : i32
    %rem3A_47 = arith.remsi %add3A_45, %rem3A_46 : i32
    %mul3A_48 = arith.constant 2560 : i32
    %mul3A_49 = arith.muli %rem3A_47, %mul3A_48 : i32
    %add3A_50 = arith.constant 3 : i32
    %add3A_51 = arith.addi %arg1, %add3A_50 : i32
    %rem3A_52 = arith.constant 4 : i32
    %rem3A_53 = arith.remsi %add3A_51, %rem3A_52 : i32
    %mul3A_54 = arith.constant 2560 : i32
    %mul3A_55 = arith.muli %rem3A_53, %mul3A_54 : i32
    %dma_start3A_56 = tpu.memref_slice %arg7[%mul3A_38] : memref<10240xf32, #tpu.memory_space<vmem>> -> memref<2560xf32, #tpu.memory_space<vmem>>
    %dma_start3A_57 = tpu.memref_slice %arg5[%mul3A_38] : memref<10240xf32, #tpu.memory_space<hbm>> -> memref<2560xf32, #tpu.memory_space<hbm>>
    %dma_start3A_58 = tpu.memref_slice %arg7[%mul3A_38] : memref<10240xf32, #tpu.memory_space<vmem>> -> memref<2560xf32, #tpu.memory_space<vmem>>
    %dma_start3A_59 = tpu.memref_slice %arg5[%mul3A_38] : memref<10240xf32, #tpu.memory_space<hbm>> -> memref<2560xf32, #tpu.memory_space<hbm>>
    tpu.enqueue_dma source(%dma_start3A_59 : memref<2560xf32, #tpu.memory_space<hbm>>) target(%dma_start3A_58 : memref<2560xf32, #tpu.memory_space<vmem>>) target_semaphore(%arg19 : memref<!tpu.dma_semaphore, #tpu.memory_space<semaphore_mem>>)
    %dma_start3A_60 = tpu.memref_slice %arg7[%mul3A_43] : memref<10240xf32, #tpu.memory_space<vmem>> -> memref<2560xf32, #tpu.memory_space<vmem>>
    %dma_start3A_61 = tpu.memref_slice %arg5[%mul3A_43] : memref<10240xf32, #tpu.memory_space<hbm>> -> memref<2560xf32, #tpu.memory_space<hbm>>
    %dma_start3A_62 = tpu.memref_slice %arg7[%mul3A_43] : memref<10240xf32, #tpu.memory_space<vmem>> -> memref<2560xf32, #tpu.memory_space<vmem>>
    %dma_start3A_63 = tpu.memref_slice %arg5[%mul3A_43] : memref<10240xf32, #tpu.memory_space<hbm>> -> memref<2560xf32, #tpu.memory_space<hbm>>
    tpu.enqueue_dma source(%dma_start3A_63 : memref<2560xf32, #tpu.memory_space<hbm>>) target(%dma_start3A_62 : memref<2560xf32, #tpu.memory_space<vmem>>) target_semaphore(%arg19 : memref<!tpu.dma_semaphore, #tpu.memory_space<semaphore_mem>>)
    %dma_start3A_64 = tpu.memref_slice %arg7[%mul3A_49] : memref<10240xf32, #tpu.memory_space<vmem>> -> memref<2560xf32, #tpu.memory_space<vmem>>
    %dma_start3A_65 = tpu.memref_slice %arg5[%mul3A_49] : memref<10240xf32, #tpu.memory_space<hbm>> -> memref<2560xf32, #tpu.memory_space<hbm>>
    %dma_start3A_66 = tpu.memref_slice %arg7[%mul3A_49] : memref<10240xf32, #tpu.memory_space<vmem>> -> memref<2560xf32, #tpu.memory_space<vmem>>
    %dma_start3A_67 = tpu.memref_slice %arg5[%mul3A_49] : memref<10240xf32, #tpu.memory_space<hbm>> -> memref<2560xf32, #tpu.memory_space<hbm>>
    tpu.enqueue_dma source(%dma_start3A_67 : memref<2560xf32, #tpu.memory_space<hbm>>) target(%dma_start3A_66 : memref<2560xf32, #tpu.memory_space<vmem>>) target_semaphore(%arg19 : memref<!tpu.dma_semaphore, #tpu.memory_space<semaphore_mem>>)
    %dma_start3A_68 = tpu.memref_slice %arg7[%mul3A_55] : memref<10240xf32, #tpu.memory_space<vmem>> -> memref<2560xf32, #tpu.memory_space<vmem>>
    %dma_start3A_69 = tpu.memref_slice %arg5[%mul3A_55] : memref<10240xf32, #tpu.memory_space<hbm>> -> memref<2560xf32, #tpu.memory_space<hbm>>
    %dma_start3A_70 = tpu.memref_slice %arg7[%mul3A_55] : memref<10240xf32, #tpu.memory_space<vmem>> -> memref<2560xf32, #tpu.memory_space<vmem>>
    %dma_start3A_71 = tpu.memref_slice %arg5[%mul3A_55] : memref<10240xf32, #tpu.memory_space<hbm>> -> memref<2560xf32, #tpu.memory_space<hbm>>
    tpu.enqueue_dma source(%dma_start3A_71 : memref<2560xf32, #tpu.memory_space<hbm>>) target(%dma_start3A_70 : memref<2560xf32, #tpu.memory_space<vmem>>) target_semaphore(%arg19 : memref<!tpu.dma_semaphore, #tpu.memory_space<semaphore_mem>>)
    %broadcast_in_dim3A_72 = arith.constant 0.000000e+00 : f32
    %broadcast_in_dim3A_73 = vector.broadcast %broadcast_in_dim3A_72 : f32 to vector<16xf32>
    %parallel_loop3A_74 = arith.constant 0 : i32
    %parallel_loop3A_75 = arith.constant 640 : i32
    %parallel_loop3A_76 = arith.constant 1 : i32
    scf.for %parallel_loop3A_312 = %parallel_loop3A_74 to %parallel_loop3A_75 step %parallel_loop3A_76  : i32 {
      %parallel_loop3A_313 = arith.constant 16 : i32
      %parallel_loop3A_314 = arith.muli %parallel_loop3A_312, %parallel_loop3A_313 : i32
      %parallel_loop3A_315 = arith.index_cast %parallel_loop3A_314 : i32 to index
      %parallel_loop3A_316 = tpu.vector_load %arg9[%parallel_loop3A_315] {strides = array<i32>} : memref<10240xf32, #tpu.memory_space<vmem>>, vector<16xf32>,
      tpu.vector_store %arg9[%parallel_loop3A_315], %broadcast_in_dim3A_73 {strides = array<i32>} : memref<10240xf32, #tpu.memory_space<vmem>>, vector<16xf32>,
    } {sc.loop_unroll_factor = 8 : i64, sc.parallel_access}
    %dma_wait3A_77 = tpu.memref_slice %arg7[%mul3A_38] : memref<10240xf32, #tpu.memory_space<vmem>> -> memref<2560xf32, #tpu.memory_space<vmem>>
    %dma_wait3A_78 = tpu.memref_slice %arg5[%mul3A_38] : memref<10240xf32, #tpu.memory_space<hbm>> -> memref<2560xf32, #tpu.memory_space<hbm>>
    %dma_wait3A_79 = tpu.memref_slice %arg7[%mul3A_38] : memref<10240xf32, #tpu.memory_space<vmem>> -> memref<2560xf32, #tpu.memory_space<vmem>>
    %dma_wait3A_80 = tpu.memref_slice %arg5[%mul3A_38] : memref<10240xf32, #tpu.memory_space<hbm>> -> memref<2560xf32, #tpu.memory_space<hbm>>
    tpu.wait_dma2 semaphore(%arg19 : memref<!tpu.dma_semaphore, #tpu.memory_space<semaphore_mem>>) src(%dma_wait3A_80 : memref<2560xf32, #tpu.memory_space<hbm>>) dst(%dma_wait3A_79 : memref<2560xf32, #tpu.memory_space<vmem>>)
    %dma_wait3A_81 = tpu.memref_slice %arg7[%mul3A_43] : memref<10240xf32, #tpu.memory_space<vmem>> -> memref<2560xf32, #tpu.memory_space<vmem>>
    %dma_wait3A_82 = tpu.memref_slice %arg5[%mul3A_43] : memref<10240xf32, #tpu.memory_space<hbm>> -> memref<2560xf32, #tpu.memory_space<hbm>>
    %dma_wait3A_83 = tpu.memref_slice %arg7[%mul3A_43] : memref<10240xf32, #tpu.memory_space<vmem>> -> memref<2560xf32, #tpu.memory_space<vmem>>
    %dma_wait3A_84 = tpu.memref_slice %arg5[%mul3A_43] : memref<10240xf32, #tpu.memory_space<hbm>> -> memref<2560xf32, #tpu.memory_space<hbm>>
    tpu.wait_dma2 semaphore(%arg19 : memref<!tpu.dma_semaphore, #tpu.memory_space<semaphore_mem>>) src(%dma_wait3A_84 : memref<2560xf32, #tpu.memory_space<hbm>>) dst(%dma_wait3A_83 : memref<2560xf32, #tpu.memory_space<vmem>>)
    %dma_wait3A_85 = tpu.memref_slice %arg7[%mul3A_49] : memref<10240xf32, #tpu.memory_space<vmem>> -> memref<2560xf32, #tpu.memory_space<vmem>>
    %dma_wait3A_86 = tpu.memref_slice %arg5[%mul3A_49] : memref<10240xf32, #tpu.memory_space<hbm>> -> memref<2560xf32, #tpu.memory_space<hbm>>
    %dma_wait3A_87 = tpu.memref_slice %arg7[%mul3A_49] : memref<10240xf32, #tpu.memory_space<vmem>> -> memref<2560xf32, #tpu.memory_space<vmem>>
    %dma_wait3A_88 = tpu.memref_slice %arg5[%mul3A_49] : memref<10240xf32, #tpu.memory_space<hbm>> -> memref<2560xf32, #tpu.memory_space<hbm>>
    tpu.wait_dma2 semaphore(%arg19 : memref<!tpu.dma_semaphore, #tpu.memory_space<semaphore_mem>>) src(%dma_wait3A_88 : memref<2560xf32, #tpu.memory_space<hbm>>) dst(%dma_wait3A_87 : memref<2560xf32, #tpu.memory_space<vmem>>)
    %dma_wait3A_89 = tpu.memref_slice %arg7[%mul3A_55] : memref<10240xf32, #tpu.memory_space<vmem>> -> memref<2560xf32, #tpu.memory_space<vmem>>
    %dma_wait3A_90 = tpu.memref_slice %arg5[%mul3A_55] : memref<10240xf32, #tpu.memory_space<hbm>> -> memref<2560xf32, #tpu.memory_space<hbm>>
    %dma_wait3A_91 = tpu.memref_slice %arg7[%mul3A_55] : memref<10240xf32, #tpu.memory_space<vmem>> -> memref<2560xf32, #tpu.memory_space<vmem>>
    %dma_wait3A_92 = tpu.memref_slice %arg5[%mul3A_55] : memref<10240xf32, #tpu.memory_space<hbm>> -> memref<2560xf32, #tpu.memory_space<hbm>>
    tpu.wait_dma2 semaphore(%arg19 : memref<!tpu.dma_semaphore, #tpu.memory_space<semaphore_mem>>) src(%dma_wait3A_92 : memref<2560xf32, #tpu.memory_space<hbm>>) dst(%dma_wait3A_91 : memref<2560xf32, #tpu.memory_space<vmem>>)
    %parallel_loop3A_93 = arith.constant 0 : i32
    %parallel_loop3A_94 = arith.constant 1250 : i32
    %parallel_loop3A_95 = arith.constant 1 : i32
    scf.for %parallel_loop3A_312 = %parallel_loop3A_93 to %parallel_loop3A_94 step %parallel_loop3A_95  : i32 {
      %parallel_loop3A_313 = arith.constant 16 : i32
      %parallel_loop3A_314 = arith.muli %parallel_loop3A_312, %parallel_loop3A_313 : i32
      %parallel_loop3A_315 = arith.addi %sub3A, %parallel_loop3A_314 : i32
      %parallel_loop3A_316 = arith.constant 1 : i32
      %parallel_loop3A_317 = arith.index_cast %parallel_loop3A_316 : i32 to index
      %parallel_loop3A_318 = arith.index_cast %parallel_loop3A_315 : i32 to index
      %parallel_loop3A_319 = tpu.vector_load %arg6[%parallel_loop3A_317, %parallel_loop3A_318] {strides = array<i32>} : memref<2x20096xi32, #tpu.memory_space<vmem>>, vector<16xi32>,
      %parallel_loop3A_320 = tpu.vector_load_idx %arg7[%parallel_loop3A_319] : memref<10240xf32, #tpu.memory_space<vmem>>[vector<16xi32>], vector<16xf32>,
      %parallel_loop3A_321 = arith.constant 0 : i32
      %parallel_loop3A_322 = arith.index_cast %parallel_loop3A_321 : i32 to index
      %parallel_loop3A_323 = arith.index_cast %parallel_loop3A_315 : i32 to index
      %parallel_loop3A_324 = tpu.vector_load %arg6[%parallel_loop3A_322, %parallel_loop3A_323] {strides = array<i32>} : memref<2x20096xi32, #tpu.memory_space<vmem>>, vector<16xi32>,
      tpu.vector_store_idx %arg8[%parallel_loop3A_324], %parallel_loop3A_320 {add = true} : memref<10240xf32, #tpu.memory_space<vmem>>[vector<16xi32>], vector<16xf32>,
      tpu.vector_store_idx %arg9[%parallel_loop3A_324], %broadcast_in_dim3A_15 {add = true} : memref<10240xf32, #tpu.memory_space<vmem>>[vector<16xi32>], vector<16xf32>,
    } {sc.loop_unroll_factor = 8 : i64, sc.parallel_access}
    %dma_start3A_96 = arith.constant 0 : i32
    %dma_start3A_97 = tpu.memref_slice %arg17[%arg1, %dma_start3A_96] : memref<16x10240xf32, #tpu.memory_space<vmem_shared>> -> memref<1x10240xf32, #tpu.memory_space<vmem_shared>>
    %dma_start3A_98 = tpu.memref_squeeze %dma_start3A_97 : memref<1x10240xf32, #tpu.memory_space<vmem_shared>> -> memref<10240xf32, #tpu.memory_space<vmem_shared>>
    %dma_start3A_99 = arith.constant 0 : i32
    %dma_start3A_100 = tpu.memref_slice %arg17[%arg1, %dma_start3A_99] : memref<16x10240xf32, #tpu.memory_space<vmem_shared>> -> memref<1x10240xf32, #tpu.memory_space<vmem_shared>>
    %dma_start3A_101 = tpu.memref_squeeze %dma_start3A_100 : memref<1x10240xf32, #tpu.memory_space<vmem_shared>> -> memref<10240xf32, #tpu.memory_space<vmem_shared>>
    tpu.enqueue_dma source(%arg8 : memref<10240xf32, #tpu.memory_space<vmem>>) target(%dma_start3A_101 : memref<10240xf32, #tpu.memory_space<vmem_shared>>) target_semaphore(%arg19 : memref<!tpu.dma_semaphore, #tpu.memory_space<semaphore_mem>>)
    %dma_start3A_102 = arith.constant 0 : i32
    %dma_start3A_103 = tpu.memref_slice %arg18[%arg1, %dma_start3A_102] : memref<16x10240xf32, #tpu.memory_space<vmem_shared>> -> memref<1x10240xf32, #tpu.memory_space<vmem_shared>>
    %dma_start3A_104 = tpu.memref_squeeze %dma_start3A_103 : memref<1x10240xf32, #tpu.memory_space<vmem_shared>> -> memref<10240xf32, #tpu.memory_space<vmem_shared>>
    %dma_start3A_105 = arith.constant 0 : i32
    %dma_start3A_106 = tpu.memref_slice %arg18[%arg1, %dma_start3A_105] : memref<16x10240xf32, #tpu.memory_space<vmem_shared>> -> memref<1x10240xf32, #tpu.memory_space<vmem_shared>>
    %dma_start3A_107 = tpu.memref_squeeze %dma_start3A_106 : memref<1x10240xf32, #tpu.memory_space<vmem_shared>> -> memref<10240xf32, #tpu.memory_space<vmem_shared>>
    tpu.enqueue_dma source(%arg9 : memref<10240xf32, #tpu.memory_space<vmem>>) target(%dma_start3A_107 : memref<10240xf32, #tpu.memory_space<vmem_shared>>) target_semaphore(%arg20 : memref<!tpu.dma_semaphore, #tpu.memory_space<semaphore_mem>>)
    %dma_wait3A_108 = arith.constant 0 : i32
    %dma_wait3A_109 = tpu.memref_slice %arg17[%arg1, %dma_wait3A_108] : memref<16x10240xf32, #tpu.memory_space<vmem_shared>> -> memref<1x10240xf32, #tpu.memory_space<vmem_shared>>
    %dma_wait3A_110 = tpu.memref_squeeze %dma_wait3A_109 : memref<1x10240xf32, #tpu.memory_space<vmem_shared>> -> memref<10240xf32, #tpu.memory_space<vmem_shared>>
    %dma_wait3A_111 = arith.constant 0 : i32
    %dma_wait3A_112 = tpu.memref_slice %arg17[%arg1, %dma_wait3A_111] : memref<16x10240xf32, #tpu.memory_space<vmem_shared>> -> memref<1x10240xf32, #tpu.memory_space<vmem_shared>>
    %dma_wait3A_113 = tpu.memref_squeeze %dma_wait3A_112 : memref<1x10240xf32, #tpu.memory_space<vmem_shared>> -> memref<10240xf32, #tpu.memory_space<vmem_shared>>
    tpu.wait_dma2 semaphore(%arg19 : memref<!tpu.dma_semaphore, #tpu.memory_space<semaphore_mem>>) src(%arg8 : memref<10240xf32, #tpu.memory_space<vmem>>) dst(%dma_wait3A_113 : memref<10240xf32, #tpu.memory_space<vmem_shared>>)
    %dma_wait3A_114 = arith.constant 0 : i32
    %dma_wait3A_115 = tpu.memref_slice %arg18[%arg1, %dma_wait3A_114] : memref<16x10240xf32, #tpu.memory_space<vmem_shared>> -> memref<1x10240xf32, #tpu.memory_space<vmem_shared>>
    %dma_wait3A_116 = tpu.memref_squeeze %dma_wait3A_115 : memref<1x10240xf32, #tpu.memory_space<vmem_shared>> -> memref<10240xf32, #tpu.memory_space<vmem_shared>>
    %dma_wait3A_117 = arith.constant 0 : i32
    %dma_wait3A_118 = tpu.memref_slice %arg18[%arg1, %dma_wait3A_117] : memref<16x10240xf32, #tpu.memory_space<vmem_shared>> -> memref<1x10240xf32, #tpu.memory_space<vmem_shared>>
    %dma_wait3A_119 = tpu.memref_squeeze %dma_wait3A_118 : memref<1x10240xf32, #tpu.memory_space<vmem_shared>> -> memref<10240xf32, #tpu.memory_space<vmem_shared>>
    tpu.wait_dma2 semaphore(%arg20 : memref<!tpu.dma_semaphore, #tpu.memory_space<semaphore_mem>>) src(%arg9 : memref<10240xf32, #tpu.memory_space<vmem>>) dst(%dma_wait3A_119 : memref<10240xf32, #tpu.memory_space<vmem_shared>>)
    %barrier3A_120 = arith.constant 0 : index
    tpu.barrier barrier_id(%barrier3A_120)
    %dma_start3A_121 = arith.constant 0 : i32
    %dma_start3A_122 = tpu.memref_slice %arg17[%dma_start3A_121, %mul3A_4] : memref<16x10240xf32, #tpu.memory_space<vmem_shared>> -> memref<16x640xf32, #tpu.memory_space<vmem_shared>>
    %dma_start3A_123 = arith.constant 0 : i32
    %dma_start3A_124 = tpu.memref_slice %arg17[%dma_start3A_123, %mul3A_4] : memref<16x10240xf32, #tpu.memory_space<vmem_shared>> -> memref<16x640xf32, #tpu.memory_space<vmem_shared>>
    tpu.enqueue_dma source(%dma_start3A_124 : memref<16x640xf32, #tpu.memory_space<vmem_shared>>) target(%arg10 : memref<16x640xf32, #tpu.memory_space<vmem>>) target_semaphore(%arg19 : memref<!tpu.dma_semaphore, #tpu.memory_space<semaphore_mem>>)
    %dma_start3A_125 = arith.constant 0 : i32
    %dma_start3A_126 = tpu.memref_slice %arg18[%dma_start3A_125, %mul3A_4] : memref<16x10240xf32, #tpu.memory_space<vmem_shared>> -> memref<16x640xf32, #tpu.memory_space<vmem_shared>>
    %dma_start3A_127 = arith.constant 0 : i32
    %dma_start3A_128 = tpu.memref_slice %arg18[%dma_start3A_127, %mul3A_4] : memref<16x10240xf32, #tpu.memory_space<vmem_shared>> -> memref<16x640xf32, #tpu.memory_space<vmem_shared>>
    tpu.enqueue_dma source(%dma_start3A_128 : memref<16x640xf32, #tpu.memory_space<vmem_shared>>) target(%arg11 : memref<16x640xf32, #tpu.memory_space<vmem>>) target_semaphore(%arg20 : memref<!tpu.dma_semaphore, #tpu.memory_space<semaphore_mem>>)
    %dma_wait3A_129 = arith.constant 0 : i32
    %dma_wait3A_130 = tpu.memref_slice %arg18[%dma_wait3A_129, %mul3A_4] : memref<16x10240xf32, #tpu.memory_space<vmem_shared>> -> memref<16x640xf32, #tpu.memory_space<vmem_shared>>
    %dma_wait3A_131 = arith.constant 0 : i32
    %dma_wait3A_132 = tpu.memref_slice %arg18[%dma_wait3A_131, %mul3A_4] : memref<16x10240xf32, #tpu.memory_space<vmem_shared>> -> memref<16x640xf32, #tpu.memory_space<vmem_shared>>
    tpu.wait_dma2 semaphore(%arg20 : memref<!tpu.dma_semaphore, #tpu.memory_space<semaphore_mem>>) src(%dma_wait3A_132 : memref<16x640xf32, #tpu.memory_space<vmem_shared>>) dst(%arg11 : memref<16x640xf32, #tpu.memory_space<vmem>>)
    %dma_wait3A_133 = arith.constant 0 : i32
    %dma_wait3A_134 = tpu.memref_slice %arg17[%dma_wait3A_133, %mul3A_4] : memref<16x10240xf32, #tpu.memory_space<vmem_shared>> -> memref<16x640xf32, #tpu.memory_space<vmem_shared>>
    %dma_wait3A_135 = arith.constant 0 : i32
    %dma_wait3A_136 = tpu.memref_slice %arg17[%dma_wait3A_135, %mul3A_4] : memref<16x10240xf32, #tpu.memory_space<vmem_shared>> -> memref<16x640xf32, #tpu.memory_space<vmem_shared>>
    tpu.wait_dma2 semaphore(%arg19 : memref<!tpu.dma_semaphore, #tpu.memory_space<semaphore_mem>>) src(%dma_wait3A_136 : memref<16x640xf32, #tpu.memory_space<vmem_shared>>) dst(%arg10 : memref<16x640xf32, #tpu.memory_space<vmem>>)
    %parallel_loop3A_137 = arith.constant 0 : i32
    %parallel_loop3A_138 = arith.constant 40 : i32
    %parallel_loop3A_139 = arith.constant 1 : i32
    scf.for %parallel_loop3A_312 = %parallel_loop3A_137 to %parallel_loop3A_138 step %parallel_loop3A_139  : i32 {
      %parallel_loop3A_313 = arith.constant 16 : i32
      %parallel_loop3A_314 = arith.muli %parallel_loop3A_312, %parallel_loop3A_313 : i32
      %parallel_loop3A_315 = arith.constant 0 : i32
      %parallel_loop3A_316 = arith.index_cast %parallel_loop3A_315 : i32 to index
      %parallel_loop3A_317 = arith.index_cast %parallel_loop3A_314 : i32 to index
      %parallel_loop3A_318 = tpu.vector_load %arg11[%parallel_loop3A_316, %parallel_loop3A_317] {strides = array<i32>} : memref<16x640xf32, #tpu.memory_space<vmem>>, vector<16xf32>,
      %parallel_loop3A_319 = arith.constant 16 : i32
      %parallel_loop3A_320 = arith.muli %parallel_loop3A_312, %parallel_loop3A_319 : i32
      %parallel_loop3A_321 = arith.constant 1 : i32
      %parallel_loop3A_322 = arith.index_cast %parallel_loop3A_321 : i32 to index
      %parallel_loop3A_323 = arith.index_cast %parallel_loop3A_320 : i32 to index
      %parallel_loop3A_324 = tpu.vector_load %arg11[%parallel_loop3A_322, %parallel_loop3A_323] {strides = array<i32>} : memref<16x640xf32, #tpu.memory_space<vmem>>, vector<16xf32>,
      %parallel_loop3A_325 = arith.addf %parallel_loop3A_318, %parallel_loop3A_324 : vector<16xf32>
      %parallel_loop3A_326 = arith.constant 16 : i32
      %parallel_loop3A_327 = arith.muli %parallel_loop3A_312, %parallel_loop3A_326 : i32
      %parallel_loop3A_328 = arith.constant 2 : i32
      %parallel_loop3A_329 = arith.index_cast %parallel_loop3A_328 : i32 to index
      %parallel_loop3A_330 = arith.index_cast %parallel_loop3A_327 : i32 to index
      %parallel_loop3A_331 = tpu.vector_load %arg11[%parallel_loop3A_329, %parallel_loop3A_330] {strides = array<i32>} : memref<16x640xf32, #tpu.memory_space<vmem>>, vector<16xf32>,
      %parallel_loop3A_332 = arith.addf %parallel_loop3A_325, %parallel_loop3A_331 : vector<16xf32>
      %parallel_loop3A_333 = arith.constant 16 : i32
      %parallel_loop3A_334 = arith.muli %parallel_loop3A_312, %parallel_loop3A_333 : i32
      %parallel_loop3A_335 = arith.constant 3 : i32
      %parallel_loop3A_336 = arith.index_cast %parallel_loop3A_335 : i32 to index
      %parallel_loop3A_337 = arith.index_cast %parallel_loop3A_334 : i32 to index
      %parallel_loop3A_338 = tpu.vector_load %arg11[%parallel_loop3A_336, %parallel_loop3A_337] {strides = array<i32>} : memref<16x640xf32, #tpu.memory_space<vmem>>, vector<16xf32>,
      %parallel_loop3A_339 = arith.addf %parallel_loop3A_332, %parallel_loop3A_338 : vector<16xf32>
      %parallel_loop3A_340 = arith.constant 16 : i32
      %parallel_loop3A_341 = arith.muli %parallel_loop3A_312, %parallel_loop3A_340 : i32
      %parallel_loop3A_342 = arith.constant 4 : i32
      %parallel_loop3A_343 = arith.index_cast %parallel_loop3A_342 : i32 to index
      %parallel_loop3A_344 = arith.index_cast %parallel_loop3A_341 : i32 to index
      %parallel_loop3A_345 = tpu.vector_load %arg11[%parallel_loop3A_343, %parallel_loop3A_344] {strides = array<i32>} : memref<16x640xf32, #tpu.memory_space<vmem>>, vector<16xf32>,
      %parallel_loop3A_346 = arith.addf %parallel_loop3A_339, %parallel_loop3A_345 : vector<16xf32>
      %parallel_loop3A_347 = arith.constant 16 : i32
      %parallel_loop3A_348 = arith.muli %parallel_loop3A_312, %parallel_loop3A_347 : i32
      %parallel_loop3A_349 = arith.constant 5 : i32
      %parallel_loop3A_350 = arith.index_cast %parallel_loop3A_349 : i32 to index
      %parallel_loop3A_351 = arith.index_cast %parallel_loop3A_348 : i32 to index
      %parallel_loop3A_352 = tpu.vector_load %arg11[%parallel_loop3A_350, %parallel_loop3A_351] {strides = array<i32>} : memref<16x640xf32, #tpu.memory_space<vmem>>, vector<16xf32>,
      %parallel_loop3A_353 = arith.addf %parallel_loop3A_346, %parallel_loop3A_352 : vector<16xf32>
      %parallel_loop3A_354 = arith.constant 16 : i32
      %parallel_loop3A_355 = arith.muli %parallel_loop3A_312, %parallel_loop3A_354 : i32
      %parallel_loop3A_356 = arith.constant 6 : i32
      %parallel_loop3A_357 = arith.index_cast %parallel_loop3A_356 : i32 to index
      %parallel_loop3A_358 = arith.index_cast %parallel_loop3A_355 : i32 to index
      %parallel_loop3A_359 = tpu.vector_load %arg11[%parallel_loop3A_357, %parallel_loop3A_358] {strides = array<i32>} : memref<16x640xf32, #tpu.memory_space<vmem>>, vector<16xf32>,
      %parallel_loop3A_360 = arith.addf %parallel_loop3A_353, %parallel_loop3A_359 : vector<16xf32>
      %parallel_loop3A_361 = arith.constant 16 : i32
      %parallel_loop3A_362 = arith.muli %parallel_loop3A_312, %parallel_loop3A_361 : i32
      %parallel_loop3A_363 = arith.constant 7 : i32
      %parallel_loop3A_364 = arith.index_cast %parallel_loop3A_363 : i32 to index
      %parallel_loop3A_365 = arith.index_cast %parallel_loop3A_362 : i32 to index
      %parallel_loop3A_366 = tpu.vector_load %arg11[%parallel_loop3A_364, %parallel_loop3A_365] {strides = array<i32>} : memref<16x640xf32, #tpu.memory_space<vmem>>, vector<16xf32>,
      %parallel_loop3A_367 = arith.addf %parallel_loop3A_360, %parallel_loop3A_366 : vector<16xf32>
      %parallel_loop3A_368 = arith.constant 16 : i32
      %parallel_loop3A_369 = arith.muli %parallel_loop3A_312, %parallel_loop3A_368 : i32
      %parallel_loop3A_370 = arith.constant 8 : i32
      %parallel_loop3A_371 = arith.index_cast %parallel_loop3A_370 : i32 to index
      %parallel_loop3A_372 = arith.index_cast %parallel_loop3A_369 : i32 to index
      %parallel_loop3A_373 = tpu.vector_load %arg11[%parallel_loop3A_371, %parallel_loop3A_372] {strides = array<i32>} : memref<16x640xf32, #tpu.memory_space<vmem>>, vector<16xf32>,
      %parallel_loop3A_374 = arith.addf %parallel_loop3A_367, %parallel_loop3A_373 : vector<16xf32>
      %parallel_loop3A_375 = arith.constant 16 : i32
      %parallel_loop3A_376 = arith.muli %parallel_loop3A_312, %parallel_loop3A_375 : i32
      %parallel_loop3A_377 = arith.constant 9 : i32
      %parallel_loop3A_378 = arith.index_cast %parallel_loop3A_377 : i32 to index
      %parallel_loop3A_379 = arith.index_cast %parallel_loop3A_376 : i32 to index
      %parallel_loop3A_380 = tpu.vector_load %arg11[%parallel_loop3A_378, %parallel_loop3A_379] {strides = array<i32>} : memref<16x640xf32, #tpu.memory_space<vmem>>, vector<16xf32>,
      %parallel_loop3A_381 = arith.addf %parallel_loop3A_374, %parallel_loop3A_380 : vector<16xf32>
      %parallel_loop3A_382 = arith.constant 16 : i32
      %parallel_loop3A_383 = arith.muli %parallel_loop3A_312, %parallel_loop3A_382 : i32
      %parallel_loop3A_384 = arith.constant 10 : i32
      %parallel_loop3A_385 = arith.index_cast %parallel_loop3A_384 : i32 to index
      %parallel_loop3A_386 = arith.index_cast %parallel_loop3A_383 : i32 to index
      %parallel_loop3A_387 = tpu.vector_load %arg11[%parallel_loop3A_385, %parallel_loop3A_386] {strides = array<i32>} : memref<16x640xf32, #tpu.memory_space<vmem>>, vector<16xf32>,
      %parallel_loop3A_388 = arith.addf %parallel_loop3A_381, %parallel_loop3A_387 : vector<16xf32>
      %parallel_loop3A_389 = arith.constant 16 : i32
      %parallel_loop3A_390 = arith.muli %parallel_loop3A_312, %parallel_loop3A_389 : i32
      %parallel_loop3A_391 = arith.constant 11 : i32
      %parallel_loop3A_392 = arith.index_cast %parallel_loop3A_391 : i32 to index
      %parallel_loop3A_393 = arith.index_cast %parallel_loop3A_390 : i32 to index
      %parallel_loop3A_394 = tpu.vector_load %arg11[%parallel_loop3A_392, %parallel_loop3A_393] {strides = array<i32>} : memref<16x640xf32, #tpu.memory_space<vmem>>, vector<16xf32>,
      %parallel_loop3A_395 = arith.addf %parallel_loop3A_388, %parallel_loop3A_394 : vector<16xf32>
      %parallel_loop3A_396 = arith.constant 16 : i32
      %parallel_loop3A_397 = arith.muli %parallel_loop3A_312, %parallel_loop3A_396 : i32
      %parallel_loop3A_398 = arith.constant 12 : i32
      %parallel_loop3A_399 = arith.index_cast %parallel_loop3A_398 : i32 to index
      %parallel_loop3A_400 = arith.index_cast %parallel_loop3A_397 : i32 to index
      %parallel_loop3A_401 = tpu.vector_load %arg11[%parallel_loop3A_399, %parallel_loop3A_400] {strides = array<i32>} : memref<16x640xf32, #tpu.memory_space<vmem>>, vector<16xf32>,
      %parallel_loop3A_402 = arith.addf %parallel_loop3A_395, %parallel_loop3A_401 : vector<16xf32>
      %parallel_loop3A_403 = arith.constant 16 : i32
      %parallel_loop3A_404 = arith.muli %parallel_loop3A_312, %parallel_loop3A_403 : i32
      %parallel_loop3A_405 = arith.constant 13 : i32
      %parallel_loop3A_406 = arith.index_cast %parallel_loop3A_405 : i32 to index
      %parallel_loop3A_407 = arith.index_cast %parallel_loop3A_404 : i32 to index
      %parallel_loop3A_408 = tpu.vector_load %arg11[%parallel_loop3A_406, %parallel_loop3A_407] {strides = array<i32>} : memref<16x640xf32, #tpu.memory_space<vmem>>, vector<16xf32>,
      %parallel_loop3A_409 = arith.addf %parallel_loop3A_402, %parallel_loop3A_408 : vector<16xf32>
      %parallel_loop3A_410 = arith.constant 16 : i32
      %parallel_loop3A_411 = arith.muli %parallel_loop3A_312, %parallel_loop3A_410 : i32
      %parallel_loop3A_412 = arith.constant 14 : i32
      %parallel_loop3A_413 = arith.index_cast %parallel_loop3A_412 : i32 to index
      %parallel_loop3A_414 = arith.index_cast %parallel_loop3A_411 : i32 to index
      %parallel_loop3A_415 = tpu.vector_load %arg11[%parallel_loop3A_413, %parallel_loop3A_414] {strides = array<i32>} : memref<16x640xf32, #tpu.memory_space<vmem>>, vector<16xf32>,
      %parallel_loop3A_416 = arith.addf %parallel_loop3A_409, %parallel_loop3A_415 : vector<16xf32>
      %parallel_loop3A_417 = arith.constant 16 : i32
      %parallel_loop3A_418 = arith.muli %parallel_loop3A_312, %parallel_loop3A_417 : i32
      %parallel_loop3A_419 = arith.constant 15 : i32
      %parallel_loop3A_420 = arith.index_cast %parallel_loop3A_419 : i32 to index
      %parallel_loop3A_421 = arith.index_cast %parallel_loop3A_418 : i32 to index
      %parallel_loop3A_422 = tpu.vector_load %arg11[%parallel_loop3A_420, %parallel_loop3A_421] {strides = array<i32>} : memref<16x640xf32, #tpu.memory_space<vmem>>, vector<16xf32>,
      %parallel_loop3A_423 = arith.addf %parallel_loop3A_416, %parallel_loop3A_422 : vector<16xf32>
      %parallel_loop3A_424 = arith.constant 16 : i32
      %parallel_loop3A_425 = arith.muli %parallel_loop3A_312, %parallel_loop3A_424 : i32
      %parallel_loop3A_426 = arith.constant 1.000000e+00 : f32
      %parallel_loop3A_427 = vector.broadcast %parallel_loop3A_426 : f32 to vector<16xf32>
      %parallel_loop3A_428 = arith.maximumf %parallel_loop3A_423, %parallel_loop3A_427 : vector<16xf32>
      %parallel_loop3A_429 = vector.bitcast %parallel_loop3A_428 : vector<16xf32> to vector<16xi32>
      %parallel_loop3A_430 = arith.constant 1 : i32
      %parallel_loop3A_431 = vector.broadcast %parallel_loop3A_430 : i32 to vector<16xi32>
      %parallel_loop3A_432 = arith.shrui %parallel_loop3A_429, %parallel_loop3A_431 : vector<16xi32>
      %parallel_loop3A_433 = arith.constant 1597463007 : i32
      %parallel_loop3A_434 = vector.broadcast %parallel_loop3A_433 : i32 to vector<16xi32>
      %parallel_loop3A_435 = arith.subi %parallel_loop3A_434, %parallel_loop3A_432 : vector<16xi32>
      %parallel_loop3A_436 = vector.bitcast %parallel_loop3A_435 : vector<16xi32> to vector<16xf32>
      %parallel_loop3A_437 = arith.constant 5.000000e-01 : f32
      %parallel_loop3A_438 = vector.broadcast %parallel_loop3A_437 : f32 to vector<16xf32>
      %parallel_loop3A_439 = arith.mulf %parallel_loop3A_438, %parallel_loop3A_428 : vector<16xf32>
      %parallel_loop3A_440 = arith.mulf %parallel_loop3A_439, %parallel_loop3A_436 : vector<16xf32>
      %parallel_loop3A_441 = arith.mulf %parallel_loop3A_440, %parallel_loop3A_436 : vector<16xf32>
      %parallel_loop3A_442 = arith.constant 1.500000e+00 : f32
      %parallel_loop3A_443 = vector.broadcast %parallel_loop3A_442 : f32 to vector<16xf32>
      %parallel_loop3A_444 = arith.subf %parallel_loop3A_443, %parallel_loop3A_441 : vector<16xf32>
      %parallel_loop3A_445 = arith.mulf %parallel_loop3A_436, %parallel_loop3A_444 : vector<16xf32>
      %parallel_loop3A_446 = arith.constant 5.000000e-01 : f32
      %parallel_loop3A_447 = vector.broadcast %parallel_loop3A_446 : f32 to vector<16xf32>
      %parallel_loop3A_448 = arith.mulf %parallel_loop3A_447, %parallel_loop3A_428 : vector<16xf32>
      %parallel_loop3A_449 = arith.mulf %parallel_loop3A_448, %parallel_loop3A_445 : vector<16xf32>
      %parallel_loop3A_450 = arith.mulf %parallel_loop3A_449, %parallel_loop3A_445 : vector<16xf32>
      %parallel_loop3A_451 = arith.constant 1.500000e+00 : f32
      %parallel_loop3A_452 = vector.broadcast %parallel_loop3A_451 : f32 to vector<16xf32>
      %parallel_loop3A_453 = arith.subf %parallel_loop3A_452, %parallel_loop3A_450 : vector<16xf32>
      %parallel_loop3A_454 = arith.mulf %parallel_loop3A_445, %parallel_loop3A_453 : vector<16xf32>
      %parallel_loop3A_455 = arith.constant 5.000000e-01 : f32
      %parallel_loop3A_456 = vector.broadcast %parallel_loop3A_455 : f32 to vector<16xf32>
      %parallel_loop3A_457 = arith.mulf %parallel_loop3A_456, %parallel_loop3A_428 : vector<16xf32>
      %parallel_loop3A_458 = arith.mulf %parallel_loop3A_457, %parallel_loop3A_454 : vector<16xf32>
      %parallel_loop3A_459 = arith.mulf %parallel_loop3A_458, %parallel_loop3A_454 : vector<16xf32>
      %parallel_loop3A_460 = arith.constant 1.500000e+00 : f32
      %parallel_loop3A_461 = vector.broadcast %parallel_loop3A_460 : f32 to vector<16xf32>
      %parallel_loop3A_462 = arith.subf %parallel_loop3A_461, %parallel_loop3A_459 : vector<16xf32>
      %parallel_loop3A_463 = arith.mulf %parallel_loop3A_454, %parallel_loop3A_462 : vector<16xf32>
      %parallel_loop3A_464 = arith.index_cast %parallel_loop3A_425 : i32 to index
      %parallel_loop3A_465 = tpu.vector_load %arg14[%parallel_loop3A_464] {strides = array<i32>} : memref<640xf32, #tpu.memory_space<vmem>>, vector<16xf32>,
      tpu.vector_store %arg14[%parallel_loop3A_464], %parallel_loop3A_463 {strides = array<i32>} : memref<640xf32, #tpu.memory_space<vmem>>, vector<16xf32>,
      %parallel_loop3A_466 = arith.index_cast %parallel_loop3A_425 : i32 to index
      %parallel_loop3A_467 = tpu.vector_load %arg14[%parallel_loop3A_466] {strides = array<i32>} : memref<640xf32, #tpu.memory_space<vmem>>, vector<16xf32>,
      %parallel_loop3A_468 = arith.index_cast %parallel_loop3A_425 : i32 to index
      %parallel_loop3A_469 = tpu.vector_load %arg12[%parallel_loop3A_468] {strides = array<i32>} : memref<640xf32, #tpu.memory_space<vmem>>, vector<16xf32>,
      %parallel_loop3A_470 = arith.mulf %parallel_loop3A_467, %parallel_loop3A_469 : vector<16xf32>
      %parallel_loop3A_471 = arith.index_cast %parallel_loop3A_425 : i32 to index
      %parallel_loop3A_472 = tpu.vector_load %arg13[%parallel_loop3A_471] {strides = array<i32>} : memref<640xf32, #tpu.memory_space<vmem>>, vector<16xf32>,
      tpu.vector_store %arg13[%parallel_loop3A_471], %parallel_loop3A_470 {strides = array<i32>} : memref<640xf32, #tpu.memory_space<vmem>>, vector<16xf32>,
    } {sc.loop_unroll_factor = 2 : i64, sc.parallel_access}
    %broadcast_in_dim3A_140 = arith.constant 0.000000e+00 : f32
    %broadcast_in_dim3A_141 = vector.broadcast %broadcast_in_dim3A_140 : f32 to vector<16xf32>
    %parallel_loop3A_142 = arith.constant 0 : i32
    %parallel_loop3A_143 = arith.constant 40 : i32
    %parallel_loop3A_144 = arith.constant 1 : i32
    %parallel_loop3A_145 = scf.for %parallel_loop3A_312 = %parallel_loop3A_142 to %parallel_loop3A_143 step %parallel_loop3A_144 iter_args(%parallel_loop3A_313 = %broadcast_in_dim3A_141) -> (vector<16xf32>)  : i32 {
      %parallel_loop3A_314 = arith.constant 16 : i32
      %parallel_loop3A_315 = arith.muli %parallel_loop3A_312, %parallel_loop3A_314 : i32
      %parallel_loop3A_316 = arith.constant 0 : i32
      %parallel_loop3A_317 = arith.index_cast %parallel_loop3A_316 : i32 to index
      %parallel_loop3A_318 = arith.index_cast %parallel_loop3A_315 : i32 to index
      %parallel_loop3A_319 = tpu.vector_load %arg10[%parallel_loop3A_317, %parallel_loop3A_318] {strides = array<i32>} : memref<16x640xf32, #tpu.memory_space<vmem>>, vector<16xf32>,
      %parallel_loop3A_320 = arith.constant 16 : i32
      %parallel_loop3A_321 = arith.muli %parallel_loop3A_312, %parallel_loop3A_320 : i32
      %parallel_loop3A_322 = arith.constant 1 : i32
      %parallel_loop3A_323 = arith.index_cast %parallel_loop3A_322 : i32 to index
      %parallel_loop3A_324 = arith.index_cast %parallel_loop3A_321 : i32 to index
      %parallel_loop3A_325 = tpu.vector_load %arg10[%parallel_loop3A_323, %parallel_loop3A_324] {strides = array<i32>} : memref<16x640xf32, #tpu.memory_space<vmem>>, vector<16xf32>,
      %parallel_loop3A_326 = arith.addf %parallel_loop3A_319, %parallel_loop3A_325 : vector<16xf32>
      %parallel_loop3A_327 = arith.constant 16 : i32
      %parallel_loop3A_328 = arith.muli %parallel_loop3A_312, %parallel_loop3A_327 : i32
      %parallel_loop3A_329 = arith.constant 2 : i32
      %parallel_loop3A_330 = arith.index_cast %parallel_loop3A_329 : i32 to index
      %parallel_loop3A_331 = arith.index_cast %parallel_loop3A_328 : i32 to index
      %parallel_loop3A_332 = tpu.vector_load %arg10[%parallel_loop3A_330, %parallel_loop3A_331] {strides = array<i32>} : memref<16x640xf32, #tpu.memory_space<vmem>>, vector<16xf32>,
      %parallel_loop3A_333 = arith.addf %parallel_loop3A_326, %parallel_loop3A_332 : vector<16xf32>
      %parallel_loop3A_334 = arith.constant 16 : i32
      %parallel_loop3A_335 = arith.muli %parallel_loop3A_312, %parallel_loop3A_334 : i32
      %parallel_loop3A_336 = arith.constant 3 : i32
      %parallel_loop3A_337 = arith.index_cast %parallel_loop3A_336 : i32 to index
      %parallel_loop3A_338 = arith.index_cast %parallel_loop3A_335 : i32 to index
      %parallel_loop3A_339 = tpu.vector_load %arg10[%parallel_loop3A_337, %parallel_loop3A_338] {strides = array<i32>} : memref<16x640xf32, #tpu.memory_space<vmem>>, vector<16xf32>,
      %parallel_loop3A_340 = arith.addf %parallel_loop3A_333, %parallel_loop3A_339 : vector<16xf32>
      %parallel_loop3A_341 = arith.constant 16 : i32
      %parallel_loop3A_342 = arith.muli %parallel_loop3A_312, %parallel_loop3A_341 : i32
      %parallel_loop3A_343 = arith.constant 4 : i32
      %parallel_loop3A_344 = arith.index_cast %parallel_loop3A_343 : i32 to index
      %parallel_loop3A_345 = arith.index_cast %parallel_loop3A_342 : i32 to index
      %parallel_loop3A_346 = tpu.vector_load %arg10[%parallel_loop3A_344, %parallel_loop3A_345] {strides = array<i32>} : memref<16x640xf32, #tpu.memory_space<vmem>>, vector<16xf32>,
      %parallel_loop3A_347 = arith.addf %parallel_loop3A_340, %parallel_loop3A_346 : vector<16xf32>
      %parallel_loop3A_348 = arith.constant 16 : i32
      %parallel_loop3A_349 = arith.muli %parallel_loop3A_312, %parallel_loop3A_348 : i32
      %parallel_loop3A_350 = arith.constant 5 : i32
      %parallel_loop3A_351 = arith.index_cast %parallel_loop3A_350 : i32 to index
      %parallel_loop3A_352 = arith.index_cast %parallel_loop3A_349 : i32 to index
      %parallel_loop3A_353 = tpu.vector_load %arg10[%parallel_loop3A_351, %parallel_loop3A_352] {strides = array<i32>} : memref<16x640xf32, #tpu.memory_space<vmem>>, vector<16xf32>,
      %parallel_loop3A_354 = arith.addf %parallel_loop3A_347, %parallel_loop3A_353 : vector<16xf32>
      %parallel_loop3A_355 = arith.constant 16 : i32
      %parallel_loop3A_356 = arith.muli %parallel_loop3A_312, %parallel_loop3A_355 : i32
      %parallel_loop3A_357 = arith.constant 6 : i32
      %parallel_loop3A_358 = arith.index_cast %parallel_loop3A_357 : i32 to index
      %parallel_loop3A_359 = arith.index_cast %parallel_loop3A_356 : i32 to index
      %parallel_loop3A_360 = tpu.vector_load %arg10[%parallel_loop3A_358, %parallel_loop3A_359] {strides = array<i32>} : memref<16x640xf32, #tpu.memory_space<vmem>>, vector<16xf32>,
      %parallel_loop3A_361 = arith.addf %parallel_loop3A_354, %parallel_loop3A_360 : vector<16xf32>
      %parallel_loop3A_362 = arith.constant 16 : i32
      %parallel_loop3A_363 = arith.muli %parallel_loop3A_312, %parallel_loop3A_362 : i32
      %parallel_loop3A_364 = arith.constant 7 : i32
      %parallel_loop3A_365 = arith.index_cast %parallel_loop3A_364 : i32 to index
      %parallel_loop3A_366 = arith.index_cast %parallel_loop3A_363 : i32 to index
      %parallel_loop3A_367 = tpu.vector_load %arg10[%parallel_loop3A_365, %parallel_loop3A_366] {strides = array<i32>} : memref<16x640xf32, #tpu.memory_space<vmem>>, vector<16xf32>,
      %parallel_loop3A_368 = arith.addf %parallel_loop3A_361, %parallel_loop3A_367 : vector<16xf32>
      %parallel_loop3A_369 = arith.constant 16 : i32
      %parallel_loop3A_370 = arith.muli %parallel_loop3A_312, %parallel_loop3A_369 : i32
      %parallel_loop3A_371 = arith.constant 8 : i32
      %parallel_loop3A_372 = arith.index_cast %parallel_loop3A_371 : i32 to index
      %parallel_loop3A_373 = arith.index_cast %parallel_loop3A_370 : i32 to index
      %parallel_loop3A_374 = tpu.vector_load %arg10[%parallel_loop3A_372, %parallel_loop3A_373] {strides = array<i32>} : memref<16x640xf32, #tpu.memory_space<vmem>>, vector<16xf32>,
      %parallel_loop3A_375 = arith.addf %parallel_loop3A_368, %parallel_loop3A_374 : vector<16xf32>
      %parallel_loop3A_376 = arith.constant 16 : i32
      %parallel_loop3A_377 = arith.muli %parallel_loop3A_312, %parallel_loop3A_376 : i32
      %parallel_loop3A_378 = arith.constant 9 : i32
      %parallel_loop3A_379 = arith.index_cast %parallel_loop3A_378 : i32 to index
      %parallel_loop3A_380 = arith.index_cast %parallel_loop3A_377 : i32 to index
      %parallel_loop3A_381 = tpu.vector_load %arg10[%parallel_loop3A_379, %parallel_loop3A_380] {strides = array<i32>} : memref<16x640xf32, #tpu.memory_space<vmem>>, vector<16xf32>,
      %parallel_loop3A_382 = arith.addf %parallel_loop3A_375, %parallel_loop3A_381 : vector<16xf32>
      %parallel_loop3A_383 = arith.constant 16 : i32
      %parallel_loop3A_384 = arith.muli %parallel_loop3A_312, %parallel_loop3A_383 : i32
      %parallel_loop3A_385 = arith.constant 10 : i32
      %parallel_loop3A_386 = arith.index_cast %parallel_loop3A_385 : i32 to index
      %parallel_loop3A_387 = arith.index_cast %parallel_loop3A_384 : i32 to index
      %parallel_loop3A_388 = tpu.vector_load %arg10[%parallel_loop3A_386, %parallel_loop3A_387] {strides = array<i32>} : memref<16x640xf32, #tpu.memory_space<vmem>>, vector<16xf32>,
      %parallel_loop3A_389 = arith.addf %parallel_loop3A_382, %parallel_loop3A_388 : vector<16xf32>
      %parallel_loop3A_390 = arith.constant 16 : i32
      %parallel_loop3A_391 = arith.muli %parallel_loop3A_312, %parallel_loop3A_390 : i32
      %parallel_loop3A_392 = arith.constant 11 : i32
      %parallel_loop3A_393 = arith.index_cast %parallel_loop3A_392 : i32 to index
      %parallel_loop3A_394 = arith.index_cast %parallel_loop3A_391 : i32 to index
      %parallel_loop3A_395 = tpu.vector_load %arg10[%parallel_loop3A_393, %parallel_loop3A_394] {strides = array<i32>} : memref<16x640xf32, #tpu.memory_space<vmem>>, vector<16xf32>,
      %parallel_loop3A_396 = arith.addf %parallel_loop3A_389, %parallel_loop3A_395 : vector<16xf32>
      %parallel_loop3A_397 = arith.constant 16 : i32
      %parallel_loop3A_398 = arith.muli %parallel_loop3A_312, %parallel_loop3A_397 : i32
      %parallel_loop3A_399 = arith.constant 12 : i32
      %parallel_loop3A_400 = arith.index_cast %parallel_loop3A_399 : i32 to index
      %parallel_loop3A_401 = arith.index_cast %parallel_loop3A_398 : i32 to index
      %parallel_loop3A_402 = tpu.vector_load %arg10[%parallel_loop3A_400, %parallel_loop3A_401] {strides = array<i32>} : memref<16x640xf32, #tpu.memory_space<vmem>>, vector<16xf32>,
      %parallel_loop3A_403 = arith.addf %parallel_loop3A_396, %parallel_loop3A_402 : vector<16xf32>
      %parallel_loop3A_404 = arith.constant 16 : i32
      %parallel_loop3A_405 = arith.muli %parallel_loop3A_312, %parallel_loop3A_404 : i32
      %parallel_loop3A_406 = arith.constant 13 : i32
      %parallel_loop3A_407 = arith.index_cast %parallel_loop3A_406 : i32 to index
      %parallel_loop3A_408 = arith.index_cast %parallel_loop3A_405 : i32 to index
      %parallel_loop3A_409 = tpu.vector_load %arg10[%parallel_loop3A_407, %parallel_loop3A_408] {strides = array<i32>} : memref<16x640xf32, #tpu.memory_space<vmem>>, vector<16xf32>,
      %parallel_loop3A_410 = arith.addf %parallel_loop3A_403, %parallel_loop3A_409 : vector<16xf32>
      %parallel_loop3A_411 = arith.constant 16 : i32
      %parallel_loop3A_412 = arith.muli %parallel_loop3A_312, %parallel_loop3A_411 : i32
      %parallel_loop3A_413 = arith.constant 14 : i32
      %parallel_loop3A_414 = arith.index_cast %parallel_loop3A_413 : i32 to index
      %parallel_loop3A_415 = arith.index_cast %parallel_loop3A_412 : i32 to index
      %parallel_loop3A_416 = tpu.vector_load %arg10[%parallel_loop3A_414, %parallel_loop3A_415] {strides = array<i32>} : memref<16x640xf32, #tpu.memory_space<vmem>>, vector<16xf32>,
      %parallel_loop3A_417 = arith.addf %parallel_loop3A_410, %parallel_loop3A_416 : vector<16xf32>
      %parallel_loop3A_418 = arith.constant 16 : i32
      %parallel_loop3A_419 = arith.muli %parallel_loop3A_312, %parallel_loop3A_418 : i32
      %parallel_loop3A_420 = arith.constant 15 : i32
      %parallel_loop3A_421 = arith.index_cast %parallel_loop3A_420 : i32 to index
      %parallel_loop3A_422 = arith.index_cast %parallel_loop3A_419 : i32 to index
      %parallel_loop3A_423 = tpu.vector_load %arg10[%parallel_loop3A_421, %parallel_loop3A_422] {strides = array<i32>} : memref<16x640xf32, #tpu.memory_space<vmem>>, vector<16xf32>,
      %parallel_loop3A_424 = arith.addf %parallel_loop3A_417, %parallel_loop3A_423 : vector<16xf32>
      %parallel_loop3A_425 = arith.constant 16 : i32
      %parallel_loop3A_426 = arith.muli %parallel_loop3A_312, %parallel_loop3A_425 : i32
      %parallel_loop3A_427 = arith.index_cast %parallel_loop3A_426 : i32 to index
      %parallel_loop3A_428 = tpu.vector_load %arg13[%parallel_loop3A_427] {strides = array<i32>} : memref<640xf32, #tpu.memory_space<vmem>>, vector<16xf32>,
      %parallel_loop3A_429 = arith.mulf %parallel_loop3A_428, %parallel_loop3A_424 : vector<16xf32>
      %parallel_loop3A_430 = arith.index_cast %parallel_loop3A_426 : i32 to index
      %parallel_loop3A_431 = tpu.vector_load %arg15[%parallel_loop3A_430] {strides = array<i32>} : memref<640xf32, #tpu.memory_space<vmem>>, vector<16xf32>,
      tpu.vector_store %arg15[%parallel_loop3A_430], %parallel_loop3A_429 {strides = array<i32>} : memref<640xf32, #tpu.memory_space<vmem>>, vector<16xf32>,
      %parallel_loop3A_432 = arith.index_cast %parallel_loop3A_426 : i32 to index
      %parallel_loop3A_433 = tpu.vector_load %arg14[%parallel_loop3A_432] {strides = array<i32>} : memref<640xf32, #tpu.memory_space<vmem>>, vector<16xf32>,
      %parallel_loop3A_434 = arith.mulf %parallel_loop3A_433, %parallel_loop3A_424 : vector<16xf32>
      %parallel_loop3A_435 = arith.addf %parallel_loop3A_313, %parallel_loop3A_434 : vector<16xf32>
      scf.yield %parallel_loop3A_435 : vector<16xf32>
    } {sc.loop_unroll_factor = 2 : i64, sc.parallel_access}
    %swap3A = arith.constant 1 : i32
    %swap3A_146 = arith.index_cast %swap3A : i32 to index
    %swap3A_147 = arith.constant 0 : index
    %swap3A_148 = tpu.vector_load %arg16[%swap3A_146, %swap3A_147] {strides = array<i32>} : memref<2x16xf32, #tpu.memory_space<vmem>>, vector<16xf32>,
    tpu.vector_store %arg16[%swap3A_146, %swap3A_147], %parallel_loop3A_145 {strides = array<i32>} : memref<2x16xf32, #tpu.memory_space<vmem>>, vector<16xf32>,
    "tpu.region"() ({
      %run_scoped3A = tpu.sem_alloc : memref<!tpu.dma_semaphore, #tpu.memory_space<semaphore_mem>>
      %dma_start3A_312 = tpu.memref_slice %arg5[%mul3A_4] : memref<10240xf32, #tpu.memory_space<hbm>> -> memref<640xf32, #tpu.memory_space<hbm>>
      %dma_start3A_313 = tpu.memref_slice %arg5[%mul3A_4] : memref<10240xf32, #tpu.memory_space<hbm>> -> memref<640xf32, #tpu.memory_space<hbm>>
      tpu.enqueue_dma source(%arg15 : memref<640xf32, #tpu.memory_space<vmem>>) target(%dma_start3A_313 : memref<640xf32, #tpu.memory_space<hbm>>) target_semaphore(%run_scoped3A : memref<!tpu.dma_semaphore, #tpu.memory_space<semaphore_mem>>)
      %dma_wait3A_314 = tpu.memref_slice %arg5[%mul3A_4] : memref<10240xf32, #tpu.memory_space<hbm>> -> memref<640xf32, #tpu.memory_space<hbm>>
      %dma_wait3A_315 = tpu.memref_slice %arg5[%mul3A_4] : memref<10240xf32, #tpu.memory_space<hbm>> -> memref<640xf32, #tpu.memory_space<hbm>>
      tpu.wait_dma2 semaphore(%run_scoped3A : memref<!tpu.dma_semaphore, #tpu.memory_space<semaphore_mem>>) src(%arg15 : memref<640xf32, #tpu.memory_space<vmem>>) dst(%dma_wait3A_315 : memref<640xf32, #tpu.memory_space<hbm>>)
      tpu.yield
    }) : () -> ()
    %barrier3A_149 = arith.constant 0 : index
    tpu.barrier barrier_id(%barrier3A_149)
    %rem3A_150 = arith.constant 4 : i32
    %rem3A_151 = arith.remsi %arg1, %rem3A_150 : i32
    %mul3A_152 = arith.constant 2560 : i32
    %mul3A_153 = arith.muli %rem3A_151, %mul3A_152 : i32
    %add3A_154 = arith.constant 1 : i32
    %add3A_155 = arith.addi %arg1, %add3A_154 : i32
    %rem3A_156 = arith.constant 4 : i32
    %rem3A_157 = arith.remsi %add3A_155, %rem3A_156 : i32
    %mul3A_158 = arith.constant 2560 : i32
    %mul3A_159 = arith.muli %rem3A_157, %mul3A_158 : i32
    %add3A_160 = arith.constant 2 : i32
    %add3A_161 = arith.addi %arg1, %add3A_160 : i32
    %rem3A_162 = arith.constant 4 : i32
    %rem3A_163 = arith.remsi %add3A_161, %rem3A_162 : i32
    %mul3A_164 = arith.constant 2560 : i32
    %mul3A_165 = arith.muli %rem3A_163, %mul3A_164 : i32
    %add3A_166 = arith.constant 3 : i32
    %add3A_167 = arith.addi %arg1, %add3A_166 : i32
    %rem3A_168 = arith.constant 4 : i32
    %rem3A_169 = arith.remsi %add3A_167, %rem3A_168 : i32
    %mul3A_170 = arith.constant 2560 : i32
    %mul3A_171 = arith.muli %rem3A_169, %mul3A_170 : i32
    %dma_start3A_172 = tpu.memref_slice %arg7[%mul3A_153] : memref<10240xf32, #tpu.memory_space<vmem>> -> memref<2560xf32, #tpu.memory_space<vmem>>
    %dma_start3A_173 = tpu.memref_slice %arg5[%mul3A_153] : memref<10240xf32, #tpu.memory_space<hbm>> -> memref<2560xf32, #tpu.memory_space<hbm>>
    %dma_start3A_174 = tpu.memref_slice %arg7[%mul3A_153] : memref<10240xf32, #tpu.memory_space<vmem>> -> memref<2560xf32, #tpu.memory_space<vmem>>
    %dma_start3A_175 = tpu.memref_slice %arg5[%mul3A_153] : memref<10240xf32, #tpu.memory_space<hbm>> -> memref<2560xf32, #tpu.memory_space<hbm>>
    tpu.enqueue_dma source(%dma_start3A_175 : memref<2560xf32, #tpu.memory_space<hbm>>) target(%dma_start3A_174 : memref<2560xf32, #tpu.memory_space<vmem>>) target_semaphore(%arg19 : memref<!tpu.dma_semaphore, #tpu.memory_space<semaphore_mem>>)
    %dma_start3A_176 = tpu.memref_slice %arg7[%mul3A_159] : memref<10240xf32, #tpu.memory_space<vmem>> -> memref<2560xf32, #tpu.memory_space<vmem>>
    %dma_start3A_177 = tpu.memref_slice %arg5[%mul3A_159] : memref<10240xf32, #tpu.memory_space<hbm>> -> memref<2560xf32, #tpu.memory_space<hbm>>
    %dma_start3A_178 = tpu.memref_slice %arg7[%mul3A_159] : memref<10240xf32, #tpu.memory_space<vmem>> -> memref<2560xf32, #tpu.memory_space<vmem>>
    %dma_start3A_179 = tpu.memref_slice %arg5[%mul3A_159] : memref<10240xf32, #tpu.memory_space<hbm>> -> memref<2560xf32, #tpu.memory_space<hbm>>
    tpu.enqueue_dma source(%dma_start3A_179 : memref<2560xf32, #tpu.memory_space<hbm>>) target(%dma_start3A_178 : memref<2560xf32, #tpu.memory_space<vmem>>) target_semaphore(%arg19 : memref<!tpu.dma_semaphore, #tpu.memory_space<semaphore_mem>>)
    %dma_start3A_180 = tpu.memref_slice %arg7[%mul3A_165] : memref<10240xf32, #tpu.memory_space<vmem>> -> memref<2560xf32, #tpu.memory_space<vmem>>
    %dma_start3A_181 = tpu.memref_slice %arg5[%mul3A_165] : memref<10240xf32, #tpu.memory_space<hbm>> -> memref<2560xf32, #tpu.memory_space<hbm>>
    %dma_start3A_182 = tpu.memref_slice %arg7[%mul3A_165] : memref<10240xf32, #tpu.memory_space<vmem>> -> memref<2560xf32, #tpu.memory_space<vmem>>
    %dma_start3A_183 = tpu.memref_slice %arg5[%mul3A_165] : memref<10240xf32, #tpu.memory_space<hbm>> -> memref<2560xf32, #tpu.memory_space<hbm>>
    tpu.enqueue_dma source(%dma_start3A_183 : memref<2560xf32, #tpu.memory_space<hbm>>) target(%dma_start3A_182 : memref<2560xf32, #tpu.memory_space<vmem>>) target_semaphore(%arg19 : memref<!tpu.dma_semaphore, #tpu.memory_space<semaphore_mem>>)
    %dma_start3A_184 = tpu.memref_slice %arg7[%mul3A_171] : memref<10240xf32, #tpu.memory_space<vmem>> -> memref<2560xf32, #tpu.memory_space<vmem>>
    %dma_start3A_185 = tpu.memref_slice %arg5[%mul3A_171] : memref<10240xf32, #tpu.memory_space<hbm>> -> memref<2560xf32, #tpu.memory_space<hbm>>
    %dma_start3A_186 = tpu.memref_slice %arg7[%mul3A_171] : memref<10240xf32, #tpu.memory_space<vmem>> -> memref<2560xf32, #tpu.memory_space<vmem>>
    %dma_start3A_187 = tpu.memref_slice %arg5[%mul3A_171] : memref<10240xf32, #tpu.memory_space<hbm>> -> memref<2560xf32, #tpu.memory_space<hbm>>
    tpu.enqueue_dma source(%dma_start3A_187 : memref<2560xf32, #tpu.memory_space<hbm>>) target(%dma_start3A_186 : memref<2560xf32, #tpu.memory_space<vmem>>) target_semaphore(%arg19 : memref<!tpu.dma_semaphore, #tpu.memory_space<semaphore_mem>>)
    %broadcast_in_dim3A_188 = arith.constant 0.000000e+00 : f32
    %broadcast_in_dim3A_189 = vector.broadcast %broadcast_in_dim3A_188 : f32 to vector<16xf32>
    %parallel_loop3A_190 = arith.constant 0 : i32
    %parallel_loop3A_191 = arith.constant 640 : i32
    %parallel_loop3A_192 = arith.constant 1 : i32
    scf.for %parallel_loop3A_312 = %parallel_loop3A_190 to %parallel_loop3A_191 step %parallel_loop3A_192  : i32 {
      %parallel_loop3A_313 = arith.constant 16 : i32
      %parallel_loop3A_314 = arith.muli %parallel_loop3A_312, %parallel_loop3A_313 : i32
      %parallel_loop3A_315 = arith.index_cast %parallel_loop3A_314 : i32 to index
      %parallel_loop3A_316 = tpu.vector_load %arg8[%parallel_loop3A_315] {strides = array<i32>} : memref<10240xf32, #tpu.memory_space<vmem>>, vector<16xf32>,
      tpu.vector_store %arg8[%parallel_loop3A_315], %broadcast_in_dim3A_189 {strides = array<i32>} : memref<10240xf32, #tpu.memory_space<vmem>>, vector<16xf32>,
    } {sc.loop_unroll_factor = 8 : i64, sc.parallel_access}
    %dma_wait3A_193 = tpu.memref_slice %arg7[%mul3A_153] : memref<10240xf32, #tpu.memory_space<vmem>> -> memref<2560xf32, #tpu.memory_space<vmem>>
    %dma_wait3A_194 = tpu.memref_slice %arg5[%mul3A_153] : memref<10240xf32, #tpu.memory_space<hbm>> -> memref<2560xf32, #tpu.memory_space<hbm>>
    %dma_wait3A_195 = tpu.memref_slice %arg7[%mul3A_153] : memref<10240xf32, #tpu.memory_space<vmem>> -> memref<2560xf32, #tpu.memory_space<vmem>>
    %dma_wait3A_196 = tpu.memref_slice %arg5[%mul3A_153] : memref<10240xf32, #tpu.memory_space<hbm>> -> memref<2560xf32, #tpu.memory_space<hbm>>
    tpu.wait_dma2 semaphore(%arg19 : memref<!tpu.dma_semaphore, #tpu.memory_space<semaphore_mem>>) src(%dma_wait3A_196 : memref<2560xf32, #tpu.memory_space<hbm>>) dst(%dma_wait3A_195 : memref<2560xf32, #tpu.memory_space<vmem>>)
    %dma_wait3A_197 = tpu.memref_slice %arg7[%mul3A_159] : memref<10240xf32, #tpu.memory_space<vmem>> -> memref<2560xf32, #tpu.memory_space<vmem>>
    %dma_wait3A_198 = tpu.memref_slice %arg5[%mul3A_159] : memref<10240xf32, #tpu.memory_space<hbm>> -> memref<2560xf32, #tpu.memory_space<hbm>>
    %dma_wait3A_199 = tpu.memref_slice %arg7[%mul3A_159] : memref<10240xf32, #tpu.memory_space<vmem>> -> memref<2560xf32, #tpu.memory_space<vmem>>
    %dma_wait3A_200 = tpu.memref_slice %arg5[%mul3A_159] : memref<10240xf32, #tpu.memory_space<hbm>> -> memref<2560xf32, #tpu.memory_space<hbm>>
    tpu.wait_dma2 semaphore(%arg19 : memref<!tpu.dma_semaphore, #tpu.memory_space<semaphore_mem>>) src(%dma_wait3A_200 : memref<2560xf32, #tpu.memory_space<hbm>>) dst(%dma_wait3A_199 : memref<2560xf32, #tpu.memory_space<vmem>>)
    %dma_wait3A_201 = tpu.memref_slice %arg7[%mul3A_165] : memref<10240xf32, #tpu.memory_space<vmem>> -> memref<2560xf32, #tpu.memory_space<vmem>>
    %dma_wait3A_202 = tpu.memref_slice %arg5[%mul3A_165] : memref<10240xf32, #tpu.memory_space<hbm>> -> memref<2560xf32, #tpu.memory_space<hbm>>
    %dma_wait3A_203 = tpu.memref_slice %arg7[%mul3A_165] : memref<10240xf32, #tpu.memory_space<vmem>> -> memref<2560xf32, #tpu.memory_space<vmem>>
    %dma_wait3A_204 = tpu.memref_slice %arg5[%mul3A_165] : memref<10240xf32, #tpu.memory_space<hbm>> -> memref<2560xf32, #tpu.memory_space<hbm>>
    tpu.wait_dma2 semaphore(%arg19 : memref<!tpu.dma_semaphore, #tpu.memory_space<semaphore_mem>>) src(%dma_wait3A_204 : memref<2560xf32, #tpu.memory_space<hbm>>) dst(%dma_wait3A_203 : memref<2560xf32, #tpu.memory_space<vmem>>)
    %dma_wait3A_205 = tpu.memref_slice %arg7[%mul3A_171] : memref<10240xf32, #tpu.memory_space<vmem>> -> memref<2560xf32, #tpu.memory_space<vmem>>
    %dma_wait3A_206 = tpu.memref_slice %arg5[%mul3A_171] : memref<10240xf32, #tpu.memory_space<hbm>> -> memref<2560xf32, #tpu.memory_space<hbm>>
    %dma_wait3A_207 = tpu.memref_slice %arg7[%mul3A_171] : memref<10240xf32, #tpu.memory_space<vmem>> -> memref<2560xf32, #tpu.memory_space<vmem>>
    %dma_wait3A_208 = tpu.memref_slice %arg5[%mul3A_171] : memref<10240xf32, #tpu.memory_space<hbm>> -> memref<2560xf32, #tpu.memory_space<hbm>>
    tpu.wait_dma2 semaphore(%arg19 : memref<!tpu.dma_semaphore, #tpu.memory_space<semaphore_mem>>) src(%dma_wait3A_208 : memref<2560xf32, #tpu.memory_space<hbm>>) dst(%dma_wait3A_207 : memref<2560xf32, #tpu.memory_space<vmem>>)
    %parallel_loop3A_209 = arith.constant 0 : i32
    %parallel_loop3A_210 = arith.constant 1250 : i32
    %parallel_loop3A_211 = arith.constant 1 : i32
    scf.for %parallel_loop3A_312 = %parallel_loop3A_209 to %parallel_loop3A_210 step %parallel_loop3A_211  : i32 {
      %parallel_loop3A_313 = arith.constant 16 : i32
      %parallel_loop3A_314 = arith.muli %parallel_loop3A_312, %parallel_loop3A_313 : i32
      %parallel_loop3A_315 = arith.addi %sub3A, %parallel_loop3A_314 : i32
      %parallel_loop3A_316 = arith.constant 1 : i32
      %parallel_loop3A_317 = arith.index_cast %parallel_loop3A_316 : i32 to index
      %parallel_loop3A_318 = arith.index_cast %parallel_loop3A_315 : i32 to index
      %parallel_loop3A_319 = tpu.vector_load %arg6[%parallel_loop3A_317, %parallel_loop3A_318] {strides = array<i32>} : memref<2x20096xi32, #tpu.memory_space<vmem>>, vector<16xi32>,
      %parallel_loop3A_320 = tpu.vector_load_idx %arg7[%parallel_loop3A_319] : memref<10240xf32, #tpu.memory_space<vmem>>[vector<16xi32>], vector<16xf32>,
      %parallel_loop3A_321 = arith.constant 0 : i32
      %parallel_loop3A_322 = arith.index_cast %parallel_loop3A_321 : i32 to index
      %parallel_loop3A_323 = arith.index_cast %parallel_loop3A_315 : i32 to index
      %parallel_loop3A_324 = tpu.vector_load %arg6[%parallel_loop3A_322, %parallel_loop3A_323] {strides = array<i32>} : memref<2x20096xi32, #tpu.memory_space<vmem>>, vector<16xi32>,
      tpu.vector_store_idx %arg8[%parallel_loop3A_324], %parallel_loop3A_320 {add = true} : memref<10240xf32, #tpu.memory_space<vmem>>[vector<16xi32>], vector<16xf32>,
    } {sc.loop_unroll_factor = 8 : i64, sc.parallel_access}
    "tpu.region"() ({
      %run_scoped3A = tpu.sem_alloc : memref<!tpu.dma_semaphore, #tpu.memory_space<semaphore_mem>>
      %dma_start3A_312 = arith.constant 0 : i32
      %dma_start3A_313 = tpu.memref_slice %arg17[%arg1, %dma_start3A_312] : memref<16x10240xf32, #tpu.memory_space<vmem_shared>> -> memref<1x10240xf32, #tpu.memory_space<vmem_shared>>
      %dma_start3A_314 = tpu.memref_squeeze %dma_start3A_313 : memref<1x10240xf32, #tpu.memory_space<vmem_shared>> -> memref<10240xf32, #tpu.memory_space<vmem_shared>>
      %dma_start3A_315 = arith.constant 0 : i32
      %dma_start3A_316 = tpu.memref_slice %arg17[%arg1, %dma_start3A_315] : memref<16x10240xf32, #tpu.memory_space<vmem_shared>> -> memref<1x10240xf32, #tpu.memory_space<vmem_shared>>
      %dma_start3A_317 = tpu.memref_squeeze %dma_start3A_316 : memref<1x10240xf32, #tpu.memory_space<vmem_shared>> -> memref<10240xf32, #tpu.memory_space<vmem_shared>>
      tpu.enqueue_dma source(%arg8 : memref<10240xf32, #tpu.memory_space<vmem>>) target(%dma_start3A_317 : memref<10240xf32, #tpu.memory_space<vmem_shared>>) target_semaphore(%run_scoped3A : memref<!tpu.dma_semaphore, #tpu.memory_space<semaphore_mem>>)
      %dma_wait3A_318 = arith.constant 0 : i32
      %dma_wait3A_319 = tpu.memref_slice %arg17[%arg1, %dma_wait3A_318] : memref<16x10240xf32, #tpu.memory_space<vmem_shared>> -> memref<1x10240xf32, #tpu.memory_space<vmem_shared>>
      %dma_wait3A_320 = tpu.memref_squeeze %dma_wait3A_319 : memref<1x10240xf32, #tpu.memory_space<vmem_shared>> -> memref<10240xf32, #tpu.memory_space<vmem_shared>>
      %dma_wait3A_321 = arith.constant 0 : i32
      %dma_wait3A_322 = tpu.memref_slice %arg17[%arg1, %dma_wait3A_321] : memref<16x10240xf32, #tpu.memory_space<vmem_shared>> -> memref<1x10240xf32, #tpu.memory_space<vmem_shared>>
      %dma_wait3A_323 = tpu.memref_squeeze %dma_wait3A_322 : memref<1x10240xf32, #tpu.memory_space<vmem_shared>> -> memref<10240xf32, #tpu.memory_space<vmem_shared>>
      tpu.wait_dma2 semaphore(%run_scoped3A : memref<!tpu.dma_semaphore, #tpu.memory_space<semaphore_mem>>) src(%arg8 : memref<10240xf32, #tpu.memory_space<vmem>>) dst(%dma_wait3A_323 : memref<10240xf32, #tpu.memory_space<vmem_shared>>)
      tpu.yield
    }) : () -> ()
    %barrier3A_212 = arith.constant 0 : index
    tpu.barrier barrier_id(%barrier3A_212)
    %dma_start3A_213 = arith.constant 0 : i32
    %dma_start3A_214 = tpu.memref_slice %arg17[%dma_start3A_213, %mul3A_4] : memref<16x10240xf32, #tpu.memory_space<vmem_shared>> -> memref<16x640xf32, #tpu.memory_space<vmem_shared>>
    %dma_start3A_215 = arith.constant 0 : i32
    %dma_start3A_216 = tpu.memref_slice %arg17[%dma_start3A_215, %mul3A_4] : memref<16x10240xf32, #tpu.memory_space<vmem_shared>> -> memref<16x640xf32, #tpu.memory_space<vmem_shared>>
    tpu.enqueue_dma source(%dma_start3A_216 : memref<16x640xf32, #tpu.memory_space<vmem_shared>>) target(%arg10 : memref<16x640xf32, #tpu.memory_space<vmem>>) target_semaphore(%arg19 : memref<!tpu.dma_semaphore, #tpu.memory_space<semaphore_mem>>)
    %dma_wait3A_217 = arith.constant 0 : i32
    %dma_wait3A_218 = tpu.memref_slice %arg17[%dma_wait3A_217, %mul3A_4] : memref<16x10240xf32, #tpu.memory_space<vmem_shared>> -> memref<16x640xf32, #tpu.memory_space<vmem_shared>>
    %dma_wait3A_219 = arith.constant 0 : i32
    %dma_wait3A_220 = tpu.memref_slice %arg17[%dma_wait3A_219, %mul3A_4] : memref<16x10240xf32, #tpu.memory_space<vmem_shared>> -> memref<16x640xf32, #tpu.memory_space<vmem_shared>>
    tpu.wait_dma2 semaphore(%arg19 : memref<!tpu.dma_semaphore, #tpu.memory_space<semaphore_mem>>) src(%dma_wait3A_220 : memref<16x640xf32, #tpu.memory_space<vmem_shared>>) dst(%arg10 : memref<16x640xf32, #tpu.memory_space<vmem>>)
    %broadcast_in_dim3A_221 = arith.constant 0.000000e+00 : f32
    %broadcast_in_dim3A_222 = vector.broadcast %broadcast_in_dim3A_221 : f32 to vector<16xf32>
    %parallel_loop3A_223 = arith.constant 0 : i32
    %parallel_loop3A_224 = arith.constant 40 : i32
    %parallel_loop3A_225 = arith.constant 1 : i32
    %parallel_loop3A_226 = scf.for %parallel_loop3A_312 = %parallel_loop3A_223 to %parallel_loop3A_224 step %parallel_loop3A_225 iter_args(%parallel_loop3A_313 = %broadcast_in_dim3A_222) -> (vector<16xf32>)  : i32 {
      %parallel_loop3A_314 = arith.constant 16 : i32
      %parallel_loop3A_315 = arith.muli %parallel_loop3A_312, %parallel_loop3A_314 : i32
      %parallel_loop3A_316 = arith.constant 0 : i32
      %parallel_loop3A_317 = arith.index_cast %parallel_loop3A_316 : i32 to index
      %parallel_loop3A_318 = arith.index_cast %parallel_loop3A_315 : i32 to index
      %parallel_loop3A_319 = tpu.vector_load %arg10[%parallel_loop3A_317, %parallel_loop3A_318] {strides = array<i32>} : memref<16x640xf32, #tpu.memory_space<vmem>>, vector<16xf32>,
      %parallel_loop3A_320 = arith.constant 16 : i32
      %parallel_loop3A_321 = arith.muli %parallel_loop3A_312, %parallel_loop3A_320 : i32
      %parallel_loop3A_322 = arith.constant 1 : i32
      %parallel_loop3A_323 = arith.index_cast %parallel_loop3A_322 : i32 to index
      %parallel_loop3A_324 = arith.index_cast %parallel_loop3A_321 : i32 to index
      %parallel_loop3A_325 = tpu.vector_load %arg10[%parallel_loop3A_323, %parallel_loop3A_324] {strides = array<i32>} : memref<16x640xf32, #tpu.memory_space<vmem>>, vector<16xf32>,
      %parallel_loop3A_326 = arith.addf %parallel_loop3A_319, %parallel_loop3A_325 : vector<16xf32>
      %parallel_loop3A_327 = arith.constant 16 : i32
      %parallel_loop3A_328 = arith.muli %parallel_loop3A_312, %parallel_loop3A_327 : i32
      %parallel_loop3A_329 = arith.constant 2 : i32
      %parallel_loop3A_330 = arith.index_cast %parallel_loop3A_329 : i32 to index
      %parallel_loop3A_331 = arith.index_cast %parallel_loop3A_328 : i32 to index
      %parallel_loop3A_332 = tpu.vector_load %arg10[%parallel_loop3A_330, %parallel_loop3A_331] {strides = array<i32>} : memref<16x640xf32, #tpu.memory_space<vmem>>, vector<16xf32>,
      %parallel_loop3A_333 = arith.addf %parallel_loop3A_326, %parallel_loop3A_332 : vector<16xf32>
      %parallel_loop3A_334 = arith.constant 16 : i32
      %parallel_loop3A_335 = arith.muli %parallel_loop3A_312, %parallel_loop3A_334 : i32
      %parallel_loop3A_336 = arith.constant 3 : i32
      %parallel_loop3A_337 = arith.index_cast %parallel_loop3A_336 : i32 to index
      %parallel_loop3A_338 = arith.index_cast %parallel_loop3A_335 : i32 to index
      %parallel_loop3A_339 = tpu.vector_load %arg10[%parallel_loop3A_337, %parallel_loop3A_338] {strides = array<i32>} : memref<16x640xf32, #tpu.memory_space<vmem>>, vector<16xf32>,
      %parallel_loop3A_340 = arith.addf %parallel_loop3A_333, %parallel_loop3A_339 : vector<16xf32>
      %parallel_loop3A_341 = arith.constant 16 : i32
      %parallel_loop3A_342 = arith.muli %parallel_loop3A_312, %parallel_loop3A_341 : i32
      %parallel_loop3A_343 = arith.constant 4 : i32
      %parallel_loop3A_344 = arith.index_cast %parallel_loop3A_343 : i32 to index
      %parallel_loop3A_345 = arith.index_cast %parallel_loop3A_342 : i32 to index
      %parallel_loop3A_346 = tpu.vector_load %arg10[%parallel_loop3A_344, %parallel_loop3A_345] {strides = array<i32>} : memref<16x640xf32, #tpu.memory_space<vmem>>, vector<16xf32>,
      %parallel_loop3A_347 = arith.addf %parallel_loop3A_340, %parallel_loop3A_346 : vector<16xf32>
      %parallel_loop3A_348 = arith.constant 16 : i32
      %parallel_loop3A_349 = arith.muli %parallel_loop3A_312, %parallel_loop3A_348 : i32
      %parallel_loop3A_350 = arith.constant 5 : i32
      %parallel_loop3A_351 = arith.index_cast %parallel_loop3A_350 : i32 to index
      %parallel_loop3A_352 = arith.index_cast %parallel_loop3A_349 : i32 to index
      %parallel_loop3A_353 = tpu.vector_load %arg10[%parallel_loop3A_351, %parallel_loop3A_352] {strides = array<i32>} : memref<16x640xf32, #tpu.memory_space<vmem>>, vector<16xf32>,
      %parallel_loop3A_354 = arith.addf %parallel_loop3A_347, %parallel_loop3A_353 : vector<16xf32>
      %parallel_loop3A_355 = arith.constant 16 : i32
      %parallel_loop3A_356 = arith.muli %parallel_loop3A_312, %parallel_loop3A_355 : i32
      %parallel_loop3A_357 = arith.constant 6 : i32
      %parallel_loop3A_358 = arith.index_cast %parallel_loop3A_357 : i32 to index
      %parallel_loop3A_359 = arith.index_cast %parallel_loop3A_356 : i32 to index
      %parallel_loop3A_360 = tpu.vector_load %arg10[%parallel_loop3A_358, %parallel_loop3A_359] {strides = array<i32>} : memref<16x640xf32, #tpu.memory_space<vmem>>, vector<16xf32>,
      %parallel_loop3A_361 = arith.addf %parallel_loop3A_354, %parallel_loop3A_360 : vector<16xf32>
      %parallel_loop3A_362 = arith.constant 16 : i32
      %parallel_loop3A_363 = arith.muli %parallel_loop3A_312, %parallel_loop3A_362 : i32
      %parallel_loop3A_364 = arith.constant 7 : i32
      %parallel_loop3A_365 = arith.index_cast %parallel_loop3A_364 : i32 to index
      %parallel_loop3A_366 = arith.index_cast %parallel_loop3A_363 : i32 to index
      %parallel_loop3A_367 = tpu.vector_load %arg10[%parallel_loop3A_365, %parallel_loop3A_366] {strides = array<i32>} : memref<16x640xf32, #tpu.memory_space<vmem>>, vector<16xf32>,
      %parallel_loop3A_368 = arith.addf %parallel_loop3A_361, %parallel_loop3A_367 : vector<16xf32>
      %parallel_loop3A_369 = arith.constant 16 : i32
      %parallel_loop3A_370 = arith.muli %parallel_loop3A_312, %parallel_loop3A_369 : i32
      %parallel_loop3A_371 = arith.constant 8 : i32
      %parallel_loop3A_372 = arith.index_cast %parallel_loop3A_371 : i32 to index
      %parallel_loop3A_373 = arith.index_cast %parallel_loop3A_370 : i32 to index
      %parallel_loop3A_374 = tpu.vector_load %arg10[%parallel_loop3A_372, %parallel_loop3A_373] {strides = array<i32>} : memref<16x640xf32, #tpu.memory_space<vmem>>, vector<16xf32>,
      %parallel_loop3A_375 = arith.addf %parallel_loop3A_368, %parallel_loop3A_374 : vector<16xf32>
      %parallel_loop3A_376 = arith.constant 16 : i32
      %parallel_loop3A_377 = arith.muli %parallel_loop3A_312, %parallel_loop3A_376 : i32
      %parallel_loop3A_378 = arith.constant 9 : i32
      %parallel_loop3A_379 = arith.index_cast %parallel_loop3A_378 : i32 to index
      %parallel_loop3A_380 = arith.index_cast %parallel_loop3A_377 : i32 to index
      %parallel_loop3A_381 = tpu.vector_load %arg10[%parallel_loop3A_379, %parallel_loop3A_380] {strides = array<i32>} : memref<16x640xf32, #tpu.memory_space<vmem>>, vector<16xf32>,
      %parallel_loop3A_382 = arith.addf %parallel_loop3A_375, %parallel_loop3A_381 : vector<16xf32>
      %parallel_loop3A_383 = arith.constant 16 : i32
      %parallel_loop3A_384 = arith.muli %parallel_loop3A_312, %parallel_loop3A_383 : i32
      %parallel_loop3A_385 = arith.constant 10 : i32
      %parallel_loop3A_386 = arith.index_cast %parallel_loop3A_385 : i32 to index
      %parallel_loop3A_387 = arith.index_cast %parallel_loop3A_384 : i32 to index
      %parallel_loop3A_388 = tpu.vector_load %arg10[%parallel_loop3A_386, %parallel_loop3A_387] {strides = array<i32>} : memref<16x640xf32, #tpu.memory_space<vmem>>, vector<16xf32>,
      %parallel_loop3A_389 = arith.addf %parallel_loop3A_382, %parallel_loop3A_388 : vector<16xf32>
      %parallel_loop3A_390 = arith.constant 16 : i32
      %parallel_loop3A_391 = arith.muli %parallel_loop3A_312, %parallel_loop3A_390 : i32
      %parallel_loop3A_392 = arith.constant 11 : i32
      %parallel_loop3A_393 = arith.index_cast %parallel_loop3A_392 : i32 to index
      %parallel_loop3A_394 = arith.index_cast %parallel_loop3A_391 : i32 to index
      %parallel_loop3A_395 = tpu.vector_load %arg10[%parallel_loop3A_393, %parallel_loop3A_394] {strides = array<i32>} : memref<16x640xf32, #tpu.memory_space<vmem>>, vector<16xf32>,
      %parallel_loop3A_396 = arith.addf %parallel_loop3A_389, %parallel_loop3A_395 : vector<16xf32>
      %parallel_loop3A_397 = arith.constant 16 : i32
      %parallel_loop3A_398 = arith.muli %parallel_loop3A_312, %parallel_loop3A_397 : i32
      %parallel_loop3A_399 = arith.constant 12 : i32
      %parallel_loop3A_400 = arith.index_cast %parallel_loop3A_399 : i32 to index
      %parallel_loop3A_401 = arith.index_cast %parallel_loop3A_398 : i32 to index
      %parallel_loop3A_402 = tpu.vector_load %arg10[%parallel_loop3A_400, %parallel_loop3A_401] {strides = array<i32>} : memref<16x640xf32, #tpu.memory_space<vmem>>, vector<16xf32>,
      %parallel_loop3A_403 = arith.addf %parallel_loop3A_396, %parallel_loop3A_402 : vector<16xf32>
      %parallel_loop3A_404 = arith.constant 16 : i32
      %parallel_loop3A_405 = arith.muli %parallel_loop3A_312, %parallel_loop3A_404 : i32
      %parallel_loop3A_406 = arith.constant 13 : i32
      %parallel_loop3A_407 = arith.index_cast %parallel_loop3A_406 : i32 to index
      %parallel_loop3A_408 = arith.index_cast %parallel_loop3A_405 : i32 to index
      %parallel_loop3A_409 = tpu.vector_load %arg10[%parallel_loop3A_407, %parallel_loop3A_408] {strides = array<i32>} : memref<16x640xf32, #tpu.memory_space<vmem>>, vector<16xf32>,
      %parallel_loop3A_410 = arith.addf %parallel_loop3A_403, %parallel_loop3A_409 : vector<16xf32>
      %parallel_loop3A_411 = arith.constant 16 : i32
      %parallel_loop3A_412 = arith.muli %parallel_loop3A_312, %parallel_loop3A_411 : i32
      %parallel_loop3A_413 = arith.constant 14 : i32
      %parallel_loop3A_414 = arith.index_cast %parallel_loop3A_413 : i32 to index
      %parallel_loop3A_415 = arith.index_cast %parallel_loop3A_412 : i32 to index
      %parallel_loop3A_416 = tpu.vector_load %arg10[%parallel_loop3A_414, %parallel_loop3A_415] {strides = array<i32>} : memref<16x640xf32, #tpu.memory_space<vmem>>, vector<16xf32>,
      %parallel_loop3A_417 = arith.addf %parallel_loop3A_410, %parallel_loop3A_416 : vector<16xf32>
      %parallel_loop3A_418 = arith.constant 16 : i32
      %parallel_loop3A_419 = arith.muli %parallel_loop3A_312, %parallel_loop3A_418 : i32
      %parallel_loop3A_420 = arith.constant 15 : i32
      %parallel_loop3A_421 = arith.index_cast %parallel_loop3A_420 : i32 to index
      %parallel_loop3A_422 = arith.index_cast %parallel_loop3A_419 : i32 to index
      %parallel_loop3A_423 = tpu.vector_load %arg10[%parallel_loop3A_421, %parallel_loop3A_422] {strides = array<i32>} : memref<16x640xf32, #tpu.memory_space<vmem>>, vector<16xf32>,
      %parallel_loop3A_424 = arith.addf %parallel_loop3A_417, %parallel_loop3A_423 : vector<16xf32>
      %parallel_loop3A_425 = arith.constant 16 : i32
      %parallel_loop3A_426 = arith.muli %parallel_loop3A_312, %parallel_loop3A_425 : i32
      %parallel_loop3A_427 = arith.index_cast %parallel_loop3A_426 : i32 to index
      %parallel_loop3A_428 = tpu.vector_load %arg13[%parallel_loop3A_427] {strides = array<i32>} : memref<640xf32, #tpu.memory_space<vmem>>, vector<16xf32>,
      %parallel_loop3A_429 = arith.mulf %parallel_loop3A_428, %parallel_loop3A_424 : vector<16xf32>
      %parallel_loop3A_430 = arith.index_cast %parallel_loop3A_426 : i32 to index
      %parallel_loop3A_431 = tpu.vector_load %arg15[%parallel_loop3A_430] {strides = array<i32>} : memref<640xf32, #tpu.memory_space<vmem>>, vector<16xf32>,
      tpu.vector_store %arg15[%parallel_loop3A_430], %parallel_loop3A_429 {strides = array<i32>} : memref<640xf32, #tpu.memory_space<vmem>>, vector<16xf32>,
      %parallel_loop3A_432 = arith.index_cast %parallel_loop3A_426 : i32 to index
      %parallel_loop3A_433 = tpu.vector_load %arg14[%parallel_loop3A_432] {strides = array<i32>} : memref<640xf32, #tpu.memory_space<vmem>>, vector<16xf32>,
      %parallel_loop3A_434 = arith.mulf %parallel_loop3A_433, %parallel_loop3A_424 : vector<16xf32>
      %parallel_loop3A_435 = arith.addf %parallel_loop3A_313, %parallel_loop3A_434 : vector<16xf32>
      scf.yield %parallel_loop3A_435 : vector<16xf32>
    } {sc.loop_unroll_factor = 2 : i64, sc.parallel_access}
    %swap3A_227 = arith.constant 0 : i32
    %swap3A_228 = arith.index_cast %swap3A_227 : i32 to index
    %swap3A_229 = arith.constant 0 : index
    %swap3A_230 = tpu.vector_load %arg16[%swap3A_228, %swap3A_229] {strides = array<i32>} : memref<2x16xf32, #tpu.memory_space<vmem>>, vector<16xf32>,
    tpu.vector_store %arg16[%swap3A_228, %swap3A_229], %parallel_loop3A_226 {strides = array<i32>} : memref<2x16xf32, #tpu.memory_space<vmem>>, vector<16xf32>,
    "tpu.region"() ({
      %run_scoped3A = tpu.sem_alloc : memref<!tpu.dma_semaphore, #tpu.memory_space<semaphore_mem>>
      %dma_start3A_312 = tpu.memref_slice %arg5[%mul3A_4] : memref<10240xf32, #tpu.memory_space<hbm>> -> memref<640xf32, #tpu.memory_space<hbm>>
      %dma_start3A_313 = tpu.memref_slice %arg5[%mul3A_4] : memref<10240xf32, #tpu.memory_space<hbm>> -> memref<640xf32, #tpu.memory_space<hbm>>
      tpu.enqueue_dma source(%arg15 : memref<640xf32, #tpu.memory_space<vmem>>) target(%dma_start3A_313 : memref<640xf32, #tpu.memory_space<hbm>>) target_semaphore(%run_scoped3A : memref<!tpu.dma_semaphore, #tpu.memory_space<semaphore_mem>>)
      %dma_wait3A_314 = tpu.memref_slice %arg5[%mul3A_4] : memref<10240xf32, #tpu.memory_space<hbm>> -> memref<640xf32, #tpu.memory_space<hbm>>
      %dma_wait3A_315 = tpu.memref_slice %arg5[%mul3A_4] : memref<10240xf32, #tpu.memory_space<hbm>> -> memref<640xf32, #tpu.memory_space<hbm>>
      tpu.wait_dma2 semaphore(%run_scoped3A : memref<!tpu.dma_semaphore, #tpu.memory_space<semaphore_mem>>) src(%arg15 : memref<640xf32, #tpu.memory_space<vmem>>) dst(%dma_wait3A_315 : memref<640xf32, #tpu.memory_space<hbm>>)
      tpu.yield
    }) : () -> ()
    %barrier3A_231 = arith.constant 0 : index
    tpu.barrier barrier_id(%barrier3A_231)
    %rem3A_232 = arith.constant 4 : i32
    %rem3A_233 = arith.remsi %arg1, %rem3A_232 : i32
    %mul3A_234 = arith.constant 2560 : i32
    %mul3A_235 = arith.muli %rem3A_233, %mul3A_234 : i32
    %add3A_236 = arith.constant 1 : i32
    %add3A_237 = arith.addi %arg1, %add3A_236 : i32
    %rem3A_238 = arith.constant 4 : i32
    %rem3A_239 = arith.remsi %add3A_237, %rem3A_238 : i32
    %mul3A_240 = arith.constant 2560 : i32
    %mul3A_241 = arith.muli %rem3A_239, %mul3A_240 : i32
    %add3A_242 = arith.constant 2 : i32
    %add3A_243 = arith.addi %arg1, %add3A_242 : i32
    %rem3A_244 = arith.constant 4 : i32
    %rem3A_245 = arith.remsi %add3A_243, %rem3A_244 : i32
    %mul3A_246 = arith.constant 2560 : i32
    %mul3A_247 = arith.muli %rem3A_245, %mul3A_246 : i32
    %add3A_248 = arith.constant 3 : i32
    %add3A_249 = arith.addi %arg1, %add3A_248 : i32
    %rem3A_250 = arith.constant 4 : i32
    %rem3A_251 = arith.remsi %add3A_249, %rem3A_250 : i32
    %mul3A_252 = arith.constant 2560 : i32
    %mul3A_253 = arith.muli %rem3A_251, %mul3A_252 : i32
    %dma_start3A_254 = tpu.memref_slice %arg7[%mul3A_235] : memref<10240xf32, #tpu.memory_space<vmem>> -> memref<2560xf32, #tpu.memory_space<vmem>>
    %dma_start3A_255 = tpu.memref_slice %arg5[%mul3A_235] : memref<10240xf32, #tpu.memory_space<hbm>> -> memref<2560xf32, #tpu.memory_space<hbm>>
    %dma_start3A_256 = tpu.memref_slice %arg7[%mul3A_235] : memref<10240xf32, #tpu.memory_space<vmem>> -> memref<2560xf32, #tpu.memory_space<vmem>>
    %dma_start3A_257 = tpu.memref_slice %arg5[%mul3A_235] : memref<10240xf32, #tpu.memory_space<hbm>> -> memref<2560xf32, #tpu.memory_space<hbm>>
    tpu.enqueue_dma source(%dma_start3A_257 : memref<2560xf32, #tpu.memory_space<hbm>>) target(%dma_start3A_256 : memref<2560xf32, #tpu.memory_space<vmem>>) target_semaphore(%arg19 : memref<!tpu.dma_semaphore, #tpu.memory_space<semaphore_mem>>)
    %dma_start3A_258 = tpu.memref_slice %arg7[%mul3A_241] : memref<10240xf32, #tpu.memory_space<vmem>> -> memref<2560xf32, #tpu.memory_space<vmem>>
    %dma_start3A_259 = tpu.memref_slice %arg5[%mul3A_241] : memref<10240xf32, #tpu.memory_space<hbm>> -> memref<2560xf32, #tpu.memory_space<hbm>>
    %dma_start3A_260 = tpu.memref_slice %arg7[%mul3A_241] : memref<10240xf32, #tpu.memory_space<vmem>> -> memref<2560xf32, #tpu.memory_space<vmem>>
    %dma_start3A_261 = tpu.memref_slice %arg5[%mul3A_241] : memref<10240xf32, #tpu.memory_space<hbm>> -> memref<2560xf32, #tpu.memory_space<hbm>>
    tpu.enqueue_dma source(%dma_start3A_261 : memref<2560xf32, #tpu.memory_space<hbm>>) target(%dma_start3A_260 : memref<2560xf32, #tpu.memory_space<vmem>>) target_semaphore(%arg19 : memref<!tpu.dma_semaphore, #tpu.memory_space<semaphore_mem>>)
    %dma_start3A_262 = tpu.memref_slice %arg7[%mul3A_247] : memref<10240xf32, #tpu.memory_space<vmem>> -> memref<2560xf32, #tpu.memory_space<vmem>>
    %dma_start3A_263 = tpu.memref_slice %arg5[%mul3A_247] : memref<10240xf32, #tpu.memory_space<hbm>> -> memref<2560xf32, #tpu.memory_space<hbm>>
    %dma_start3A_264 = tpu.memref_slice %arg7[%mul3A_247] : memref<10240xf32, #tpu.memory_space<vmem>> -> memref<2560xf32, #tpu.memory_space<vmem>>
    %dma_start3A_265 = tpu.memref_slice %arg5[%mul3A_247] : memref<10240xf32, #tpu.memory_space<hbm>> -> memref<2560xf32, #tpu.memory_space<hbm>>
    tpu.enqueue_dma source(%dma_start3A_265 : memref<2560xf32, #tpu.memory_space<hbm>>) target(%dma_start3A_264 : memref<2560xf32, #tpu.memory_space<vmem>>) target_semaphore(%arg19 : memref<!tpu.dma_semaphore, #tpu.memory_space<semaphore_mem>>)
    %dma_start3A_266 = tpu.memref_slice %arg7[%mul3A_253] : memref<10240xf32, #tpu.memory_space<vmem>> -> memref<2560xf32, #tpu.memory_space<vmem>>
    %dma_start3A_267 = tpu.memref_slice %arg5[%mul3A_253] : memref<10240xf32, #tpu.memory_space<hbm>> -> memref<2560xf32, #tpu.memory_space<hbm>>
    %dma_start3A_268 = tpu.memref_slice %arg7[%mul3A_253] : memref<10240xf32, #tpu.memory_space<vmem>> -> memref<2560xf32, #tpu.memory_space<vmem>>
    %dma_start3A_269 = tpu.memref_slice %arg5[%mul3A_253] : memref<10240xf32, #tpu.memory_space<hbm>> -> memref<2560xf32, #tpu.memory_space<hbm>>
    tpu.enqueue_dma source(%dma_start3A_269 : memref<2560xf32, #tpu.memory_space<hbm>>) target(%dma_start3A_268 : memref<2560xf32, #tpu.memory_space<vmem>>) target_semaphore(%arg19 : memref<!tpu.dma_semaphore, #tpu.memory_space<semaphore_mem>>)
    %broadcast_in_dim3A_270 = arith.constant 0.000000e+00 : f32
    %broadcast_in_dim3A_271 = vector.broadcast %broadcast_in_dim3A_270 : f32 to vector<16xf32>
    %parallel_loop3A_272 = arith.constant 0 : i32
    %parallel_loop3A_273 = arith.constant 640 : i32
    %parallel_loop3A_274 = arith.constant 1 : i32
    scf.for %parallel_loop3A_312 = %parallel_loop3A_272 to %parallel_loop3A_273 step %parallel_loop3A_274  : i32 {
      %parallel_loop3A_313 = arith.constant 16 : i32
      %parallel_loop3A_314 = arith.muli %parallel_loop3A_312, %parallel_loop3A_313 : i32
      %parallel_loop3A_315 = arith.index_cast %parallel_loop3A_314 : i32 to index
      %parallel_loop3A_316 = tpu.vector_load %arg8[%parallel_loop3A_315] {strides = array<i32>} : memref<10240xf32, #tpu.memory_space<vmem>>, vector<16xf32>,
      tpu.vector_store %arg8[%parallel_loop3A_315], %broadcast_in_dim3A_271 {strides = array<i32>} : memref<10240xf32, #tpu.memory_space<vmem>>, vector<16xf32>,
    } {sc.loop_unroll_factor = 8 : i64, sc.parallel_access}
    %dma_wait3A_275 = tpu.memref_slice %arg7[%mul3A_235] : memref<10240xf32, #tpu.memory_space<vmem>> -> memref<2560xf32, #tpu.memory_space<vmem>>
    %dma_wait3A_276 = tpu.memref_slice %arg5[%mul3A_235] : memref<10240xf32, #tpu.memory_space<hbm>> -> memref<2560xf32, #tpu.memory_space<hbm>>
    %dma_wait3A_277 = tpu.memref_slice %arg7[%mul3A_235] : memref<10240xf32, #tpu.memory_space<vmem>> -> memref<2560xf32, #tpu.memory_space<vmem>>
    %dma_wait3A_278 = tpu.memref_slice %arg5[%mul3A_235] : memref<10240xf32, #tpu.memory_space<hbm>> -> memref<2560xf32, #tpu.memory_space<hbm>>
    tpu.wait_dma2 semaphore(%arg19 : memref<!tpu.dma_semaphore, #tpu.memory_space<semaphore_mem>>) src(%dma_wait3A_278 : memref<2560xf32, #tpu.memory_space<hbm>>) dst(%dma_wait3A_277 : memref<2560xf32, #tpu.memory_space<vmem>>)
    %dma_wait3A_279 = tpu.memref_slice %arg7[%mul3A_241] : memref<10240xf32, #tpu.memory_space<vmem>> -> memref<2560xf32, #tpu.memory_space<vmem>>
    %dma_wait3A_280 = tpu.memref_slice %arg5[%mul3A_241] : memref<10240xf32, #tpu.memory_space<hbm>> -> memref<2560xf32, #tpu.memory_space<hbm>>
    %dma_wait3A_281 = tpu.memref_slice %arg7[%mul3A_241] : memref<10240xf32, #tpu.memory_space<vmem>> -> memref<2560xf32, #tpu.memory_space<vmem>>
    %dma_wait3A_282 = tpu.memref_slice %arg5[%mul3A_241] : memref<10240xf32, #tpu.memory_space<hbm>> -> memref<2560xf32, #tpu.memory_space<hbm>>
    tpu.wait_dma2 semaphore(%arg19 : memref<!tpu.dma_semaphore, #tpu.memory_space<semaphore_mem>>) src(%dma_wait3A_282 : memref<2560xf32, #tpu.memory_space<hbm>>) dst(%dma_wait3A_281 : memref<2560xf32, #tpu.memory_space<vmem>>)
    %dma_wait3A_283 = tpu.memref_slice %arg7[%mul3A_247] : memref<10240xf32, #tpu.memory_space<vmem>> -> memref<2560xf32, #tpu.memory_space<vmem>>
    %dma_wait3A_284 = tpu.memref_slice %arg5[%mul3A_247] : memref<10240xf32, #tpu.memory_space<hbm>> -> memref<2560xf32, #tpu.memory_space<hbm>>
    %dma_wait3A_285 = tpu.memref_slice %arg7[%mul3A_247] : memref<10240xf32, #tpu.memory_space<vmem>> -> memref<2560xf32, #tpu.memory_space<vmem>>
    %dma_wait3A_286 = tpu.memref_slice %arg5[%mul3A_247] : memref<10240xf32, #tpu.memory_space<hbm>> -> memref<2560xf32, #tpu.memory_space<hbm>>
    tpu.wait_dma2 semaphore(%arg19 : memref<!tpu.dma_semaphore, #tpu.memory_space<semaphore_mem>>) src(%dma_wait3A_286 : memref<2560xf32, #tpu.memory_space<hbm>>) dst(%dma_wait3A_285 : memref<2560xf32, #tpu.memory_space<vmem>>)
    %dma_wait3A_287 = tpu.memref_slice %arg7[%mul3A_253] : memref<10240xf32, #tpu.memory_space<vmem>> -> memref<2560xf32, #tpu.memory_space<vmem>>
    %dma_wait3A_288 = tpu.memref_slice %arg5[%mul3A_253] : memref<10240xf32, #tpu.memory_space<hbm>> -> memref<2560xf32, #tpu.memory_space<hbm>>
    %dma_wait3A_289 = tpu.memref_slice %arg7[%mul3A_253] : memref<10240xf32, #tpu.memory_space<vmem>> -> memref<2560xf32, #tpu.memory_space<vmem>>
    %dma_wait3A_290 = tpu.memref_slice %arg5[%mul3A_253] : memref<10240xf32, #tpu.memory_space<hbm>> -> memref<2560xf32, #tpu.memory_space<hbm>>
    tpu.wait_dma2 semaphore(%arg19 : memref<!tpu.dma_semaphore, #tpu.memory_space<semaphore_mem>>) src(%dma_wait3A_290 : memref<2560xf32, #tpu.memory_space<hbm>>) dst(%dma_wait3A_289 : memref<2560xf32, #tpu.memory_space<vmem>>)
    %parallel_loop3A_291 = arith.constant 0 : i32
    %parallel_loop3A_292 = arith.constant 1250 : i32
    %parallel_loop3A_293 = arith.constant 1 : i32
    scf.for %parallel_loop3A_312 = %parallel_loop3A_291 to %parallel_loop3A_292 step %parallel_loop3A_293  : i32 {
      %parallel_loop3A_313 = arith.constant 16 : i32
      %parallel_loop3A_314 = arith.muli %parallel_loop3A_312, %parallel_loop3A_313 : i32
      %parallel_loop3A_315 = arith.addi %sub3A, %parallel_loop3A_314 : i32
      %parallel_loop3A_316 = arith.constant 1 : i32
      %parallel_loop3A_317 = arith.index_cast %parallel_loop3A_316 : i32 to index
      %parallel_loop3A_318 = arith.index_cast %parallel_loop3A_315 : i32 to index
      %parallel_loop3A_319 = tpu.vector_load %arg6[%parallel_loop3A_317, %parallel_loop3A_318] {strides = array<i32>} : memref<2x20096xi32, #tpu.memory_space<vmem>>, vector<16xi32>,
      %parallel_loop3A_320 = tpu.vector_load_idx %arg7[%parallel_loop3A_319] : memref<10240xf32, #tpu.memory_space<vmem>>[vector<16xi32>], vector<16xf32>,
      %parallel_loop3A_321 = arith.constant 0 : i32
      %parallel_loop3A_322 = arith.index_cast %parallel_loop3A_321 : i32 to index
      %parallel_loop3A_323 = arith.index_cast %parallel_loop3A_315 : i32 to index
      %parallel_loop3A_324 = tpu.vector_load %arg6[%parallel_loop3A_322, %parallel_loop3A_323] {strides = array<i32>} : memref<2x20096xi32, #tpu.memory_space<vmem>>, vector<16xi32>,
      tpu.vector_store_idx %arg8[%parallel_loop3A_324], %parallel_loop3A_320 {add = true} : memref<10240xf32, #tpu.memory_space<vmem>>[vector<16xi32>], vector<16xf32>,
    } {sc.loop_unroll_factor = 8 : i64, sc.parallel_access}
    "tpu.region"() ({
      %run_scoped3A = tpu.sem_alloc : memref<!tpu.dma_semaphore, #tpu.memory_space<semaphore_mem>>
      %dma_start3A_312 = arith.constant 0 : i32
      %dma_start3A_313 = tpu.memref_slice %arg17[%arg1, %dma_start3A_312] : memref<16x10240xf32, #tpu.memory_space<vmem_shared>> -> memref<1x10240xf32, #tpu.memory_space<vmem_shared>>
      %dma_start3A_314 = tpu.memref_squeeze %dma_start3A_313 : memref<1x10240xf32, #tpu.memory_space<vmem_shared>> -> memref<10240xf32, #tpu.memory_space<vmem_shared>>
      %dma_start3A_315 = arith.constant 0 : i32
      %dma_start3A_316 = tpu.memref_slice %arg17[%arg1, %dma_start3A_315] : memref<16x10240xf32, #tpu.memory_space<vmem_shared>> -> memref<1x10240xf32, #tpu.memory_space<vmem_shared>>
      %dma_start3A_317 = tpu.memref_squeeze %dma_start3A_316 : memref<1x10240xf32, #tpu.memory_space<vmem_shared>> -> memref<10240xf32, #tpu.memory_space<vmem_shared>>
      tpu.enqueue_dma source(%arg8 : memref<10240xf32, #tpu.memory_space<vmem>>) target(%dma_start3A_317 : memref<10240xf32, #tpu.memory_space<vmem_shared>>) target_semaphore(%run_scoped3A : memref<!tpu.dma_semaphore, #tpu.memory_space<semaphore_mem>>)
      %dma_wait3A_318 = arith.constant 0 : i32
      %dma_wait3A_319 = tpu.memref_slice %arg17[%arg1, %dma_wait3A_318] : memref<16x10240xf32, #tpu.memory_space<vmem_shared>> -> memref<1x10240xf32, #tpu.memory_space<vmem_shared>>
      %dma_wait3A_320 = tpu.memref_squeeze %dma_wait3A_319 : memref<1x10240xf32, #tpu.memory_space<vmem_shared>> -> memref<10240xf32, #tpu.memory_space<vmem_shared>>
      %dma_wait3A_321 = arith.constant 0 : i32
      %dma_wait3A_322 = tpu.memref_slice %arg17[%arg1, %dma_wait3A_321] : memref<16x10240xf32, #tpu.memory_space<vmem_shared>> -> memref<1x10240xf32, #tpu.memory_space<vmem_shared>>
      %dma_wait3A_323 = tpu.memref_squeeze %dma_wait3A_322 : memref<1x10240xf32, #tpu.memory_space<vmem_shared>> -> memref<10240xf32, #tpu.memory_space<vmem_shared>>
      tpu.wait_dma2 semaphore(%run_scoped3A : memref<!tpu.dma_semaphore, #tpu.memory_space<semaphore_mem>>) src(%arg8 : memref<10240xf32, #tpu.memory_space<vmem>>) dst(%dma_wait3A_323 : memref<10240xf32, #tpu.memory_space<vmem_shared>>)
      tpu.yield
    }) : () -> ()
    %barrier3A_294 = arith.constant 0 : index
    tpu.barrier barrier_id(%barrier3A_294)
    %dma_start3A_295 = arith.constant 0 : i32
    %dma_start3A_296 = tpu.memref_slice %arg17[%dma_start3A_295, %mul3A_4] : memref<16x10240xf32, #tpu.memory_space<vmem_shared>> -> memref<16x640xf32, #tpu.memory_space<vmem_shared>>
    %dma_start3A_297 = arith.constant 0 : i32
    %dma_start3A_298 = tpu.memref_slice %arg17[%dma_start3A_297, %mul3A_4] : memref<16x10240xf32, #tpu.memory_space<vmem_shared>> -> memref<16x640xf32, #tpu.memory_space<vmem_shared>>
    tpu.enqueue_dma source(%dma_start3A_298 : memref<16x640xf32, #tpu.memory_space<vmem_shared>>) target(%arg10 : memref<16x640xf32, #tpu.memory_space<vmem>>) target_semaphore(%arg19 : memref<!tpu.dma_semaphore, #tpu.memory_space<semaphore_mem>>)
    %dma_wait3A_299 = arith.constant 0 : i32
    %dma_wait3A_300 = tpu.memref_slice %arg17[%dma_wait3A_299, %mul3A_4] : memref<16x10240xf32, #tpu.memory_space<vmem_shared>> -> memref<16x640xf32, #tpu.memory_space<vmem_shared>>
    %dma_wait3A_301 = arith.constant 0 : i32
    %dma_wait3A_302 = tpu.memref_slice %arg17[%dma_wait3A_301, %mul3A_4] : memref<16x10240xf32, #tpu.memory_space<vmem_shared>> -> memref<16x640xf32, #tpu.memory_space<vmem_shared>>
    tpu.wait_dma2 semaphore(%arg19 : memref<!tpu.dma_semaphore, #tpu.memory_space<semaphore_mem>>) src(%dma_wait3A_302 : memref<16x640xf32, #tpu.memory_space<vmem_shared>>) dst(%arg10 : memref<16x640xf32, #tpu.memory_space<vmem>>)
    %parallel_loop3A_303 = arith.constant 0 : i32
    %parallel_loop3A_304 = arith.constant 40 : i32
    %parallel_loop3A_305 = arith.constant 1 : i32
    scf.for %parallel_loop3A_312 = %parallel_loop3A_303 to %parallel_loop3A_304 step %parallel_loop3A_305  : i32 {
      %parallel_loop3A_313 = arith.constant 16 : i32
      %parallel_loop3A_314 = arith.muli %parallel_loop3A_312, %parallel_loop3A_313 : i32
      %parallel_loop3A_315 = arith.constant 0 : i32
      %parallel_loop3A_316 = arith.index_cast %parallel_loop3A_315 : i32 to index
      %parallel_loop3A_317 = arith.index_cast %parallel_loop3A_314 : i32 to index
      %parallel_loop3A_318 = tpu.vector_load %arg10[%parallel_loop3A_316, %parallel_loop3A_317] {strides = array<i32>} : memref<16x640xf32, #tpu.memory_space<vmem>>, vector<16xf32>,
      %parallel_loop3A_319 = arith.constant 16 : i32
      %parallel_loop3A_320 = arith.muli %parallel_loop3A_312, %parallel_loop3A_319 : i32
      %parallel_loop3A_321 = arith.constant 1 : i32
      %parallel_loop3A_322 = arith.index_cast %parallel_loop3A_321 : i32 to index
      %parallel_loop3A_323 = arith.index_cast %parallel_loop3A_320 : i32 to index
      %parallel_loop3A_324 = tpu.vector_load %arg10[%parallel_loop3A_322, %parallel_loop3A_323] {strides = array<i32>} : memref<16x640xf32, #tpu.memory_space<vmem>>, vector<16xf32>,
      %parallel_loop3A_325 = arith.addf %parallel_loop3A_318, %parallel_loop3A_324 : vector<16xf32>
      %parallel_loop3A_326 = arith.constant 16 : i32
      %parallel_loop3A_327 = arith.muli %parallel_loop3A_312, %parallel_loop3A_326 : i32
      %parallel_loop3A_328 = arith.constant 2 : i32
      %parallel_loop3A_329 = arith.index_cast %parallel_loop3A_328 : i32 to index
      %parallel_loop3A_330 = arith.index_cast %parallel_loop3A_327 : i32 to index
      %parallel_loop3A_331 = tpu.vector_load %arg10[%parallel_loop3A_329, %parallel_loop3A_330] {strides = array<i32>} : memref<16x640xf32, #tpu.memory_space<vmem>>, vector<16xf32>,
      %parallel_loop3A_332 = arith.addf %parallel_loop3A_325, %parallel_loop3A_331 : vector<16xf32>
      %parallel_loop3A_333 = arith.constant 16 : i32
      %parallel_loop3A_334 = arith.muli %parallel_loop3A_312, %parallel_loop3A_333 : i32
      %parallel_loop3A_335 = arith.constant 3 : i32
      %parallel_loop3A_336 = arith.index_cast %parallel_loop3A_335 : i32 to index
      %parallel_loop3A_337 = arith.index_cast %parallel_loop3A_334 : i32 to index
      %parallel_loop3A_338 = tpu.vector_load %arg10[%parallel_loop3A_336, %parallel_loop3A_337] {strides = array<i32>} : memref<16x640xf32, #tpu.memory_space<vmem>>, vector<16xf32>,
      %parallel_loop3A_339 = arith.addf %parallel_loop3A_332, %parallel_loop3A_338 : vector<16xf32>
      %parallel_loop3A_340 = arith.constant 16 : i32
      %parallel_loop3A_341 = arith.muli %parallel_loop3A_312, %parallel_loop3A_340 : i32
      %parallel_loop3A_342 = arith.constant 4 : i32
      %parallel_loop3A_343 = arith.index_cast %parallel_loop3A_342 : i32 to index
      %parallel_loop3A_344 = arith.index_cast %parallel_loop3A_341 : i32 to index
      %parallel_loop3A_345 = tpu.vector_load %arg10[%parallel_loop3A_343, %parallel_loop3A_344] {strides = array<i32>} : memref<16x640xf32, #tpu.memory_space<vmem>>, vector<16xf32>,
      %parallel_loop3A_346 = arith.addf %parallel_loop3A_339, %parallel_loop3A_345 : vector<16xf32>
      %parallel_loop3A_347 = arith.constant 16 : i32
      %parallel_loop3A_348 = arith.muli %parallel_loop3A_312, %parallel_loop3A_347 : i32
      %parallel_loop3A_349 = arith.constant 5 : i32
      %parallel_loop3A_350 = arith.index_cast %parallel_loop3A_349 : i32 to index
      %parallel_loop3A_351 = arith.index_cast %parallel_loop3A_348 : i32 to index
      %parallel_loop3A_352 = tpu.vector_load %arg10[%parallel_loop3A_350, %parallel_loop3A_351] {strides = array<i32>} : memref<16x640xf32, #tpu.memory_space<vmem>>, vector<16xf32>,
      %parallel_loop3A_353 = arith.addf %parallel_loop3A_346, %parallel_loop3A_352 : vector<16xf32>
      %parallel_loop3A_354 = arith.constant 16 : i32
      %parallel_loop3A_355 = arith.muli %parallel_loop3A_312, %parallel_loop3A_354 : i32
      %parallel_loop3A_356 = arith.constant 6 : i32
      %parallel_loop3A_357 = arith.index_cast %parallel_loop3A_356 : i32 to index
      %parallel_loop3A_358 = arith.index_cast %parallel_loop3A_355 : i32 to index
      %parallel_loop3A_359 = tpu.vector_load %arg10[%parallel_loop3A_357, %parallel_loop3A_358] {strides = array<i32>} : memref<16x640xf32, #tpu.memory_space<vmem>>, vector<16xf32>,
      %parallel_loop3A_360 = arith.addf %parallel_loop3A_353, %parallel_loop3A_359 : vector<16xf32>
      %parallel_loop3A_361 = arith.constant 16 : i32
      %parallel_loop3A_362 = arith.muli %parallel_loop3A_312, %parallel_loop3A_361 : i32
      %parallel_loop3A_363 = arith.constant 7 : i32
      %parallel_loop3A_364 = arith.index_cast %parallel_loop3A_363 : i32 to index
      %parallel_loop3A_365 = arith.index_cast %parallel_loop3A_362 : i32 to index
      %parallel_loop3A_366 = tpu.vector_load %arg10[%parallel_loop3A_364, %parallel_loop3A_365] {strides = array<i32>} : memref<16x640xf32, #tpu.memory_space<vmem>>, vector<16xf32>,
      %parallel_loop3A_367 = arith.addf %parallel_loop3A_360, %parallel_loop3A_366 : vector<16xf32>
      %parallel_loop3A_368 = arith.constant 16 : i32
      %parallel_loop3A_369 = arith.muli %parallel_loop3A_312, %parallel_loop3A_368 : i32
      %parallel_loop3A_370 = arith.constant 8 : i32
      %parallel_loop3A_371 = arith.index_cast %parallel_loop3A_370 : i32 to index
      %parallel_loop3A_372 = arith.index_cast %parallel_loop3A_369 : i32 to index
      %parallel_loop3A_373 = tpu.vector_load %arg10[%parallel_loop3A_371, %parallel_loop3A_372] {strides = array<i32>} : memref<16x640xf32, #tpu.memory_space<vmem>>, vector<16xf32>,
      %parallel_loop3A_374 = arith.addf %parallel_loop3A_367, %parallel_loop3A_373 : vector<16xf32>
      %parallel_loop3A_375 = arith.constant 16 : i32
      %parallel_loop3A_376 = arith.muli %parallel_loop3A_312, %parallel_loop3A_375 : i32
      %parallel_loop3A_377 = arith.constant 9 : i32
      %parallel_loop3A_378 = arith.index_cast %parallel_loop3A_377 : i32 to index
      %parallel_loop3A_379 = arith.index_cast %parallel_loop3A_376 : i32 to index
      %parallel_loop3A_380 = tpu.vector_load %arg10[%parallel_loop3A_378, %parallel_loop3A_379] {strides = array<i32>} : memref<16x640xf32, #tpu.memory_space<vmem>>, vector<16xf32>,
      %parallel_loop3A_381 = arith.addf %parallel_loop3A_374, %parallel_loop3A_380 : vector<16xf32>
      %parallel_loop3A_382 = arith.constant 16 : i32
      %parallel_loop3A_383 = arith.muli %parallel_loop3A_312, %parallel_loop3A_382 : i32
      %parallel_loop3A_384 = arith.constant 10 : i32
      %parallel_loop3A_385 = arith.index_cast %parallel_loop3A_384 : i32 to index
      %parallel_loop3A_386 = arith.index_cast %parallel_loop3A_383 : i32 to index
      %parallel_loop3A_387 = tpu.vector_load %arg10[%parallel_loop3A_385, %parallel_loop3A_386] {strides = array<i32>} : memref<16x640xf32, #tpu.memory_space<vmem>>, vector<16xf32>,
      %parallel_loop3A_388 = arith.addf %parallel_loop3A_381, %parallel_loop3A_387 : vector<16xf32>
      %parallel_loop3A_389 = arith.constant 16 : i32
      %parallel_loop3A_390 = arith.muli %parallel_loop3A_312, %parallel_loop3A_389 : i32
      %parallel_loop3A_391 = arith.constant 11 : i32
      %parallel_loop3A_392 = arith.index_cast %parallel_loop3A_391 : i32 to index
      %parallel_loop3A_393 = arith.index_cast %parallel_loop3A_390 : i32 to index
      %parallel_loop3A_394 = tpu.vector_load %arg10[%parallel_loop3A_392, %parallel_loop3A_393] {strides = array<i32>} : memref<16x640xf32, #tpu.memory_space<vmem>>, vector<16xf32>,
      %parallel_loop3A_395 = arith.addf %parallel_loop3A_388, %parallel_loop3A_394 : vector<16xf32>
      %parallel_loop3A_396 = arith.constant 16 : i32
      %parallel_loop3A_397 = arith.muli %parallel_loop3A_312, %parallel_loop3A_396 : i32
      %parallel_loop3A_398 = arith.constant 12 : i32
      %parallel_loop3A_399 = arith.index_cast %parallel_loop3A_398 : i32 to index
      %parallel_loop3A_400 = arith.index_cast %parallel_loop3A_397 : i32 to index
      %parallel_loop3A_401 = tpu.vector_load %arg10[%parallel_loop3A_399, %parallel_loop3A_400] {strides = array<i32>} : memref<16x640xf32, #tpu.memory_space<vmem>>, vector<16xf32>,
      %parallel_loop3A_402 = arith.addf %parallel_loop3A_395, %parallel_loop3A_401 : vector<16xf32>
      %parallel_loop3A_403 = arith.constant 16 : i32
      %parallel_loop3A_404 = arith.muli %parallel_loop3A_312, %parallel_loop3A_403 : i32
      %parallel_loop3A_405 = arith.constant 13 : i32
      %parallel_loop3A_406 = arith.index_cast %parallel_loop3A_405 : i32 to index
      %parallel_loop3A_407 = arith.index_cast %parallel_loop3A_404 : i32 to index
      %parallel_loop3A_408 = tpu.vector_load %arg10[%parallel_loop3A_406, %parallel_loop3A_407] {strides = array<i32>} : memref<16x640xf32, #tpu.memory_space<vmem>>, vector<16xf32>,
      %parallel_loop3A_409 = arith.addf %parallel_loop3A_402, %parallel_loop3A_408 : vector<16xf32>
      %parallel_loop3A_410 = arith.constant 16 : i32
      %parallel_loop3A_411 = arith.muli %parallel_loop3A_312, %parallel_loop3A_410 : i32
      %parallel_loop3A_412 = arith.constant 14 : i32
      %parallel_loop3A_413 = arith.index_cast %parallel_loop3A_412 : i32 to index
      %parallel_loop3A_414 = arith.index_cast %parallel_loop3A_411 : i32 to index
      %parallel_loop3A_415 = tpu.vector_load %arg10[%parallel_loop3A_413, %parallel_loop3A_414] {strides = array<i32>} : memref<16x640xf32, #tpu.memory_space<vmem>>, vector<16xf32>,
      %parallel_loop3A_416 = arith.addf %parallel_loop3A_409, %parallel_loop3A_415 : vector<16xf32>
      %parallel_loop3A_417 = arith.constant 16 : i32
      %parallel_loop3A_418 = arith.muli %parallel_loop3A_312, %parallel_loop3A_417 : i32
      %parallel_loop3A_419 = arith.constant 15 : i32
      %parallel_loop3A_420 = arith.index_cast %parallel_loop3A_419 : i32 to index
      %parallel_loop3A_421 = arith.index_cast %parallel_loop3A_418 : i32 to index
      %parallel_loop3A_422 = tpu.vector_load %arg10[%parallel_loop3A_420, %parallel_loop3A_421] {strides = array<i32>} : memref<16x640xf32, #tpu.memory_space<vmem>>, vector<16xf32>,
      %parallel_loop3A_423 = arith.addf %parallel_loop3A_416, %parallel_loop3A_422 : vector<16xf32>
      %parallel_loop3A_424 = arith.constant 16 : i32
      %parallel_loop3A_425 = arith.muli %parallel_loop3A_312, %parallel_loop3A_424 : i32
      %parallel_loop3A_426 = arith.index_cast %parallel_loop3A_425 : i32 to index
      %parallel_loop3A_427 = tpu.vector_load %arg14[%parallel_loop3A_426] {strides = array<i32>} : memref<640xf32, #tpu.memory_space<vmem>>, vector<16xf32>,
      %parallel_loop3A_428 = arith.mulf %parallel_loop3A_427, %parallel_loop3A_423 : vector<16xf32>
      %parallel_loop3A_429 = arith.index_cast %parallel_loop3A_425 : i32 to index
      %parallel_loop3A_430 = tpu.vector_load %arg15[%parallel_loop3A_429] {strides = array<i32>} : memref<640xf32, #tpu.memory_space<vmem>>, vector<16xf32>,
      tpu.vector_store %arg15[%parallel_loop3A_429], %parallel_loop3A_428 {strides = array<i32>} : memref<640xf32, #tpu.memory_space<vmem>>, vector<16xf32>,
    } {sc.loop_unroll_factor = 2 : i64, sc.parallel_access}
    %lt3A = arith.constant 15 : i32
    %lt3A_306 = arith.cmpi slt, %arg1, %lt3A : i32
    %convert_element_type3A = arith.extui %lt3A_306 : i1 to i32
    %cond3A = arith.constant 0 : i32
    %cond3A_307 = arith.cmpi ne, %convert_element_type3A, %cond3A : i32
    scf.if %cond3A_307 {
      "tpu.region"() ({
        %run_scoped3A = tpu.sem_alloc : memref<!tpu.dma_semaphore, #tpu.memory_space<semaphore_mem>>
        %dma_start3A_312 = tpu.memref_slice %arg3[%mul3A_4] : memref<10000xf32, #tpu.memory_space<hbm>> -> memref<640xf32, #tpu.memory_space<hbm>>
        %dma_start3A_313 = tpu.memref_slice %arg3[%mul3A_4] : memref<10000xf32, #tpu.memory_space<hbm>> -> memref<640xf32, #tpu.memory_space<hbm>>
        tpu.enqueue_dma source(%arg15 : memref<640xf32, #tpu.memory_space<vmem>>) target(%dma_start3A_313 : memref<640xf32, #tpu.memory_space<hbm>>) target_semaphore(%run_scoped3A : memref<!tpu.dma_semaphore, #tpu.memory_space<semaphore_mem>>)
        %dma_wait3A_314 = tpu.memref_slice %arg3[%mul3A_4] : memref<10000xf32, #tpu.memory_space<hbm>> -> memref<640xf32, #tpu.memory_space<hbm>>
        %dma_wait3A_315 = tpu.memref_slice %arg3[%mul3A_4] : memref<10000xf32, #tpu.memory_space<hbm>> -> memref<640xf32, #tpu.memory_space<hbm>>
        tpu.wait_dma2 semaphore(%run_scoped3A : memref<!tpu.dma_semaphore, #tpu.memory_space<semaphore_mem>>) src(%arg15 : memref<640xf32, #tpu.memory_space<vmem>>) dst(%dma_wait3A_315 : memref<640xf32, #tpu.memory_space<hbm>>)
        tpu.yield
      }) : () -> ()
    } else {
    }
    %eq3A = arith.constant 15 : i32
    %eq3A_308 = arith.cmpi eq, %arg1, %eq3A : i32
    %convert_element_type3A_309 = arith.extui %eq3A_308 : i1 to i32
    %cond3A_310 = arith.constant 0 : i32
    %cond3A_311 = arith.cmpi ne, %convert_element_type3A_309, %cond3A_310 : i32
    scf.if %cond3A_311 {
      "tpu.region"() ({
        %run_scoped3A = tpu.sem_alloc : memref<!tpu.dma_semaphore, #tpu.memory_space<semaphore_mem>>
        %dma_start3A_312 = arith.constant 0 : i32
        %dma_start3A_313 = tpu.memref_slice %arg15[%dma_start3A_312] : memref<640xf32, #tpu.memory_space<vmem>> -> memref<400xf32, #tpu.memory_space<vmem>>
        %dma_start3A_314 = tpu.memref_slice %arg3[%mul3A_4] : memref<10000xf32, #tpu.memory_space<hbm>> -> memref<400xf32, #tpu.memory_space<hbm>>
        %dma_start3A_315 = tpu.memref_slice %arg3[%mul3A_4] : memref<10000xf32, #tpu.memory_space<hbm>> -> memref<400xf32, #tpu.memory_space<hbm>>
        %dma_start3A_316 = arith.constant 0 : i32
        %dma_start3A_317 = tpu.memref_slice %arg15[%dma_start3A_316] : memref<640xf32, #tpu.memory_space<vmem>> -> memref<400xf32, #tpu.memory_space<vmem>>
        tpu.enqueue_dma source(%dma_start3A_317 : memref<400xf32, #tpu.memory_space<vmem>>) target(%dma_start3A_315 : memref<400xf32, #tpu.memory_space<hbm>>) target_semaphore(%run_scoped3A : memref<!tpu.dma_semaphore, #tpu.memory_space<semaphore_mem>>)
        %dma_wait3A_318 = arith.constant 0 : i32
        %dma_wait3A_319 = tpu.memref_slice %arg15[%dma_wait3A_318] : memref<640xf32, #tpu.memory_space<vmem>> -> memref<400xf32, #tpu.memory_space<vmem>>
        %dma_wait3A_320 = tpu.memref_slice %arg3[%mul3A_4] : memref<10000xf32, #tpu.memory_space<hbm>> -> memref<400xf32, #tpu.memory_space<hbm>>
        %dma_wait3A_321 = tpu.memref_slice %arg3[%mul3A_4] : memref<10000xf32, #tpu.memory_space<hbm>> -> memref<400xf32, #tpu.memory_space<hbm>>
        %dma_wait3A_322 = arith.constant 0 : i32
        %dma_wait3A_323 = tpu.memref_slice %arg15[%dma_wait3A_322] : memref<640xf32, #tpu.memory_space<vmem>> -> memref<400xf32, #tpu.memory_space<vmem>>
        tpu.wait_dma2 semaphore(%run_scoped3A : memref<!tpu.dma_semaphore, #tpu.memory_space<semaphore_mem>>) src(%dma_wait3A_323 : memref<400xf32, #tpu.memory_space<vmem>>) dst(%dma_wait3A_321 : memref<400xf32, #tpu.memory_space<hbm>>)
        tpu.yield
      }) : () -> ()
    } else {
    }
    "tpu.region"() ({
      %run_scoped3A = tpu.sem_alloc : memref<!tpu.dma_semaphore, #tpu.memory_space<semaphore_mem>>
      %dma_start3A_312 = arith.constant 0 : i32
      %dma_start3A_313 = arith.constant 0 : i32
      %dma_start3A_314 = tpu.memref_slice %arg4[%dma_start3A_312, %arg1, %dma_start3A_313] : memref<2x16x16xf32, #tpu.memory_space<hbm>> -> memref<2x1x16xf32, #tpu.memory_space<hbm>>
      %dma_start3A_315 = tpu.memref_squeeze %dma_start3A_314 : memref<2x1x16xf32, #tpu.memory_space<hbm>> -> memref<2x16xf32, #tpu.memory_space<hbm>>
      %dma_start3A_316 = arith.constant 0 : i32
      %dma_start3A_317 = arith.constant 0 : i32
      %dma_start3A_318 = tpu.memref_slice %arg4[%dma_start3A_316, %arg1, %dma_start3A_317] : memref<2x16x16xf32, #tpu.memory_space<hbm>> -> memref<2x1x16xf32, #tpu.memory_space<hbm>>
      %dma_start3A_319 = tpu.memref_squeeze %dma_start3A_318 : memref<2x1x16xf32, #tpu.memory_space<hbm>> -> memref<2x16xf32, #tpu.memory_space<hbm>>
      tpu.enqueue_dma source(%arg16 : memref<2x16xf32, #tpu.memory_space<vmem>>) target(%dma_start3A_319 : memref<2x16xf32, #tpu.memory_space<hbm>>) target_semaphore(%run_scoped3A : memref<!tpu.dma_semaphore, #tpu.memory_space<semaphore_mem>>)
      %dma_wait3A_320 = arith.constant 0 : i32
      %dma_wait3A_321 = arith.constant 0 : i32
      %dma_wait3A_322 = tpu.memref_slice %arg4[%dma_wait3A_320, %arg1, %dma_wait3A_321] : memref<2x16x16xf32, #tpu.memory_space<hbm>> -> memref<2x1x16xf32, #tpu.memory_space<hbm>>
      %dma_wait3A_323 = tpu.memref_squeeze %dma_wait3A_322 : memref<2x1x16xf32, #tpu.memory_space<hbm>> -> memref<2x16xf32, #tpu.memory_space<hbm>>
      %dma_wait3A_324 = arith.constant 0 : i32
      %dma_wait3A_325 = arith.constant 0 : i32
      %dma_wait3A_326 = tpu.memref_slice %arg4[%dma_wait3A_324, %arg1, %dma_wait3A_325] : memref<2x16x16xf32, #tpu.memory_space<hbm>> -> memref<2x1x16xf32, #tpu.memory_space<hbm>>
      %dma_wait3A_327 = tpu.memref_squeeze %dma_wait3A_326 : memref<2x1x16xf32, #tpu.memory_space<hbm>> -> memref<2x16xf32, #tpu.memory_space<hbm>>
      tpu.wait_dma2 semaphore(%run_scoped3A : memref<!tpu.dma_semaphore, #tpu.memory_space<semaphore_mem>>) src(%arg16 : memref<2x16xf32, #tpu.memory_space<vmem>>) dst(%dma_wait3A_327 : memref<2x16xf32, #tpu.memory_space<hbm>>)
      tpu.yield
    }) : () -> ()
    return
  }
}

module attributes {stable_mosaic.version = 14 : i64} {
  func.func @_head_body(%arg0: memref<1x10000xf32, #tpu.memory_space<vmem>>, %arg1: memref<10000x128xf32, #tpu.memory_space<vmem>>, %arg2: memref<2x16x16xf32, #tpu.memory_space<vmem>>, %arg3: memref<128x128xf32, #tpu.memory_space<vmem>>, %arg4: memref<1x128xf32, #tpu.memory_space<vmem>>, %arg5: memref<128x128xf32, #tpu.memory_space<vmem>>, %arg6: memref<1x128xf32, #tpu.memory_space<vmem>>, %arg7: memref<128x128xf32, #tpu.memory_space<vmem>>, %arg8: memref<1x128xf32, #tpu.memory_space<vmem>>, %arg9: memref<128x64xf32, #tpu.memory_space<vmem>>, %arg10: memref<1x64xf32, #tpu.memory_space<vmem>>, %arg11: memref<1x64xf32, #tpu.memory_space<vmem>>) attributes {dimension_semantics = [], scalar_prefetch = 0 : i64, scratch_operands = 0 : i64, tpu.core_type = #tpu.core_type<tc>} {
    %get3A = arith.constant 1 : index
    %get3A_0 = arith.constant 0 : index
    %get3A_1 = arith.constant 0 : index
    %get3A_2 = vector.load %arg2[%get3A, %get3A_0, %get3A_1] : memref<2x16x16xf32, #tpu.memory_space<vmem>>, vector<1x16x16xf32>
    %get3A_3 = vector.shape_cast %get3A_2 : vector<1x16x16xf32> to vector<16x16xf32>
    %reduce_sum3A = vector.shape_cast %get3A_3 : vector<16x16xf32> to vector<1x16x16xf32>
    %reduce_sum3A_4 = arith.constant dense<0.000000e+00> : vector<1xf32>
    %reduce_sum3A_5 = vector.multi_reduction <add>, %reduce_sum3A, %reduce_sum3A_4 [1, 2] : vector<1x16x16xf32> to vector<1xf32>
    %reduce_sum3A_6 = vector.shape_cast %reduce_sum3A_5 : vector<1xf32> to vector<1x1x1xf32>
    %reduce_sum3A_7 = vector.extract %reduce_sum3A_6[0, 0, 0] : f32 from vector<1x1x1xf32>
    %get3A_8 = arith.constant 0 : index
    %get3A_9 = arith.constant 0 : index
    %get3A_10 = arith.constant 0 : index
    %get3A_11 = vector.load %arg2[%get3A_8, %get3A_9, %get3A_10] : memref<2x16x16xf32, #tpu.memory_space<vmem>>, vector<1x16x16xf32>
    %get3A_12 = vector.shape_cast %get3A_11 : vector<1x16x16xf32> to vector<16x16xf32>
    %reduce_sum3A_13 = vector.shape_cast %get3A_12 : vector<16x16xf32> to vector<1x16x16xf32>
    %reduce_sum3A_14 = arith.constant dense<0.000000e+00> : vector<1xf32>
    %reduce_sum3A_15 = vector.multi_reduction <add>, %reduce_sum3A_13, %reduce_sum3A_14 [1, 2] : vector<1x16x16xf32> to vector<1xf32>
    %reduce_sum3A_16 = vector.shape_cast %reduce_sum3A_15 : vector<1xf32> to vector<1x1x1xf32>
    %reduce_sum3A_17 = vector.extract %reduce_sum3A_16[0, 0, 0] : f32 from vector<1x1x1xf32>
    %get3A_18 = arith.constant 0 : index
    %get3A_19 = arith.constant 0 : index
    %get3A_20 = vector.load %arg0[%get3A_18, %get3A_19] : memref<1x10000xf32, #tpu.memory_space<vmem>>, vector<1x10000xf32>
    %get3A_21 = arith.constant 0 : index
    %get3A_22 = arith.constant 0 : index
    %get3A_23 = vector.load %arg1[%get3A_21, %get3A_22] : memref<10000x128xf32, #tpu.memory_space<vmem>>, vector<10000x128xf32>
    %dot_general3A = arith.constant dense<0.000000e+00> : vector<1x128xf32>
    %dot_general3A_24 = tpu.matmul %get3A_20, %get3A_23, %dot_general3A {dimension_numbers = #tpu.dot_dimension_numbers<[1], [0], [0], [1], [0, 0, 1, 1], [], []>, transpose_lhs_hint = false} : vector<1x10000xf32>, vector<10000x128xf32>, vector<1x128xf32> -> vector<1x128xf32>
    %get3A_25 = arith.constant 0 : index
    %get3A_26 = arith.constant 0 : index
    %get3A_27 = vector.load %arg3[%get3A_25, %get3A_26] : memref<128x128xf32, #tpu.memory_space<vmem>>, vector<128x128xf32>
    %dot_general3A_28 = arith.constant dense<0.000000e+00> : vector<1x128xf32>
    %dot_general3A_29 = tpu.matmul %dot_general3A_24, %get3A_27, %dot_general3A_28 {dimension_numbers = #tpu.dot_dimension_numbers<[1], [0], [0], [1], [0, 0, 1, 1], [], []>, transpose_lhs_hint = false} : vector<1x128xf32>, vector<128x128xf32>, vector<1x128xf32> -> vector<1x128xf32>
    %get3A_30 = arith.constant 0 : index
    %get3A_31 = arith.constant 0 : index
    %get3A_32 = vector.load %arg4[%get3A_30, %get3A_31] : memref<1x128xf32, #tpu.memory_space<vmem>>, vector<1x128xf32>
    %mul3A = vector.broadcast %reduce_sum3A_7 : f32 to vector<1x128xf32>
    %mul3A_33 = arith.mulf %mul3A, %get3A_32 : vector<1x128xf32>
    %add3A = arith.addf %dot_general3A_29, %mul3A_33 : vector<1x128xf32>
    %get3A_34 = arith.constant 0 : index
    %get3A_35 = arith.constant 0 : index
    %get3A_36 = vector.load %arg5[%get3A_34, %get3A_35] : memref<128x128xf32, #tpu.memory_space<vmem>>, vector<128x128xf32>
    %dot_general3A_37 = arith.constant dense<0.000000e+00> : vector<1x128xf32>
    %dot_general3A_38 = tpu.matmul %add3A, %get3A_36, %dot_general3A_37 {dimension_numbers = #tpu.dot_dimension_numbers<[1], [0], [0], [1], [0, 0, 1, 1], [], []>, transpose_lhs_hint = false} : vector<1x128xf32>, vector<128x128xf32>, vector<1x128xf32> -> vector<1x128xf32>
    %get3A_39 = arith.constant 0 : index
    %get3A_40 = arith.constant 0 : index
    %get3A_41 = vector.load %arg6[%get3A_39, %get3A_40] : memref<1x128xf32, #tpu.memory_space<vmem>>, vector<1x128xf32>
    %mul3A_42 = vector.broadcast %reduce_sum3A_17 : f32 to vector<1x128xf32>
    %mul3A_43 = arith.mulf %mul3A_42, %get3A_41 : vector<1x128xf32>
    %add3A_44 = arith.addf %dot_general3A_38, %mul3A_43 : vector<1x128xf32>
    %get3A_45 = arith.constant 0 : index
    %get3A_46 = arith.constant 0 : index
    %get3A_47 = vector.load %arg7[%get3A_45, %get3A_46] : memref<128x128xf32, #tpu.memory_space<vmem>>, vector<128x128xf32>
    %dot_general3A_48 = arith.constant dense<0.000000e+00> : vector<1x128xf32>
    %dot_general3A_49 = tpu.matmul %add3A_44, %get3A_47, %dot_general3A_48 {dimension_numbers = #tpu.dot_dimension_numbers<[1], [0], [0], [1], [0, 0, 1, 1], [], []>, transpose_lhs_hint = false} : vector<1x128xf32>, vector<128x128xf32>, vector<1x128xf32> -> vector<1x128xf32>
    %get3A_50 = arith.constant 0 : index
    %get3A_51 = arith.constant 0 : index
    %get3A_52 = vector.load %arg8[%get3A_50, %get3A_51] : memref<1x128xf32, #tpu.memory_space<vmem>>, vector<1x128xf32>
    %add3A_53 = arith.addf %dot_general3A_49, %get3A_52 : vector<1x128xf32>
    %get3A_54 = arith.constant 0 : index
    %get3A_55 = arith.constant 0 : index
    %get3A_56 = vector.load %arg9[%get3A_54, %get3A_55] : memref<128x64xf32, #tpu.memory_space<vmem>>, vector<128x64xf32>
    %dot_general3A_57 = arith.constant dense<0.000000e+00> : vector<1x64xf32>
    %dot_general3A_58 = tpu.matmul %add3A_53, %get3A_56, %dot_general3A_57 {dimension_numbers = #tpu.dot_dimension_numbers<[1], [0], [0], [1], [0, 0, 1, 1], [], []>, transpose_lhs_hint = false} : vector<1x128xf32>, vector<128x64xf32>, vector<1x64xf32> -> vector<1x64xf32>
    %get3A_59 = arith.constant 0 : index
    %get3A_60 = arith.constant 0 : index
    %get3A_61 = vector.load %arg10[%get3A_59, %get3A_60] : memref<1x64xf32, #tpu.memory_space<vmem>>, vector<1x64xf32>
    %add3A_62 = arith.addf %dot_general3A_58, %get3A_61 : vector<1x64xf32>
    %swap3A = arith.constant 0 : index
    %swap3A_63 = arith.constant 0 : index
    %swap3A_64 = vector.load %arg11[%swap3A, %swap3A_63] : memref<1x64xf32, #tpu.memory_space<vmem>>, vector<1x64xf32>
    tpu.vector_store %arg11[%swap3A, %swap3A_63], %add3A_62 {strides = array<i32>} : memref<1x64xf32, #tpu.memory_space<vmem>>, vector<1x64xf32>,
    return
  }
}

</mosaic_0001>

<sc_bundles>
// kernel: kernel.4.cloned.1.call-start
scs
__scs_entry_jumppad:
0x0: {  	(pc) =	sbr.rel $0x88, $3  }
0x1: {  	(tag) =	ssettag $0x0;
	lr =	simm.s32 $0x1  }
0x2: {  	[smem:$0x3F97] =	sst lr;
	_ =	strace $0xD0000000  }
0x3: {  	_ = 	snop  }
0x4: {  	_ = 	snop  }
0x5: {  	_ = 	snop  }
0x6: {  	_ = 	snop  }
0x7: {  	_ = 	snop  }
__scs_overlays_trampoline_lowered:
0x8: {  	[smem:$0x3FA6] =	sst s0  }
0x9: {  	[smem:$0x3FA7] =	sst s1  }
0xa: {  	[smem:$0x3FA8] =	sst s2  }
0xb: {  	[smem:$0x3FA9] =	sst s3  }
0xc: {  	[smem:$0x3FAA] =	sst s4  }
0xd: {  	[smem:$0x3FAB] =	sst s5  }
0xe: {  	[smem:$0x3FAC] =	sst s6  }
0xf: {  	[smem:$0x3FAD] =	sst s7  }
0x10: {  	[smem:$0x3FAE] =	sst s8  }
0x11: {  	[smem:$0x3FAF] =	sst s9;
	s0 =	simm.s32 @!p0 $0x0  }
0x12: {  	s1 =	sld [smem:$0x3F95];
	s0 =	simm.s32 @p0 $0x1  }
0x13: {  	[smem:$0x3FB0] =	sst s0;
	s0 =	simm.s32 @!p1 $0x0  }
0x14: {  	s2 =	sld [smem:$0x3F94];
	s0 =	simm.s32 @p1 $0x1  }
0x15: {  	[smem:$0x3FB1] =	sst s0;
	s0 =	simm.s32 @!p2 $0x0  }
0x16: {  	s3 =	sld [smem:$0x3FDB];
	s0 =	simm.s32 @p2 $0x1  }
0x17: {  	s4 =	simm.s32 $0x1BF5;
	[smem:$0x3FB3] =	sst s0  }
0x18: {  	s0 =	sld [smem:$0x3F96];
	_ =	swait.ge [sflag:s4], $0x0  }
0x19: {  	s7 =	sld [smem:$0x3F97]  }
0x1a: {  	s8 =	sadd.s32 $0xFFFFE003, lr  }
0x1b: {  	s9 =	sadd.s32 $0xFFFFFEF7, lr;
	s5 =	simm.s32 $0xFFFFFFFF;
	p2 =	slt.u32 s8, $0xFFFFF086  }
0x1c: {  	p1 =	slt.u32 s9, $0xF7A;
	s5 =	simm.s32 @!p2 $0x0  }
0x1d: {  	s5 =	simm.s32 @p1 $0x1;
	p0 =	seq.s32 s7, s2  }
0x1e: {  	s7 =	smul.u32 @!p0 $0xF7A, s2;
	p2 =	seq.s32 @!p0 s5, $0x0  }
0x1f: {  	s9 =	smul.u32 $0xF7A, s1;
	s8 =	simm.s32 @!p0 $0x1BF5;
	p2 =	por !p2, p0  }
0x20: {  	[sflag:s8] =	ssyncset.s32 @!p0 $0xFFFFF086;
	s6 =	sadd.s32 @!p0 s3, s7;
	s7 =	simm.s32 @!p0 $0x108  }
0x21: {  	s3 =	sadd.s32 s3, s9;
	s6 =	sadd.s32 @!p0 $0x88, s6;
	s7 =	simm.s32 @p2 $0x1082  }
0x22: {  	[simem:s7], [sflag:s8] =	dma.local @!p0 [hbm:s6], $0xF7A  }
0x23: {  	s9 =	sor.u32 $0xD0000000, s2;
	s6 =	simm.s32 $0x108;
	_ =	swait.ge @!p0 [sflag:s8], $0x0  }
0x24: {  	s3 =	sadd.s32 $0x88, s3;
	s6 =	simm.s32 @!p1 $0x1082;
	[sflag:s4] =	ssyncset.s32 $0xFFFFF086  }
0x25: {  	[simem:s6], [sflag:s4] =	dma.local [hbm:s3], $0xF7A  }
0x26: {  	[smem:$0x3F97] =	sst s1;
	(tag) =	ssettag s2;
	_ =	strace s9  }
0x27: {  	s1 =	sld [smem:$0x3FA7]  }
0x28: {  	s2 =	sld [smem:$0x3FA8]  }
0x29: {  	s4 =	sld [smem:$0x3FAA]  }
0x2a: {  	p0 =	seq.s32 s5, $0x0;
	s5 =	sld [smem:$0x3FAB]  }
0x2b: {  	s6 =	sld [smem:$0x3FAC]  }
0x2c: {  	s7 =	sld [smem:$0x3FAD]  }
0x2d: {  	s3 =	simm.s32 $0x108;
	s8 =	sld [smem:$0x3FAE]  }
0x2e: {  	s3 =	simm.s32 @!p0 $0x1082;
	s9 =	sld [smem:$0x3FAF]  }
0x2f: {  	lr =	sadd.s32 s0, s3;
	s0 =	sld [smem:$0x3FA6]  }
0x30: {  	s3 =	sld [smem:$0x3FA9]  }
0x31: {  	[smem:$0x3FB2] =	sst s10  }
0x32: {  	s10 =	sld [smem:$0x3FB0];
	_ =	sdelay $0x3  }
0x33: {  	p0 =	seq.s32 s10, $0x1;
	s10 =	sld [smem:$0x3FB2];
	_ =	sdelay $0x3  }
0x34: {  	[smem:$0x3FB2] =	sst s10  }
0x35: {  	s10 =	sld [smem:$0x3FB1];
	_ =	sdelay $0x3  }
0x36: {  	p1 =	seq.s32 s10, $0x1;
	s10 =	sld [smem:$0x3FB2];
	_ =	sdelay $0x3  }
0x37: {  	[smem:$0x3FB2] =	sst s10  }
0x38: {  	s10 =	sld [smem:$0x3FB3]  }
0x39: {  	_ = 	snop;
	(pc) =	sbr.ind lr, $3  }
0x3a: {  	_ = 	snop  }
0x3b: {  	_ = 	snop  }
0x3c: {  	p2 =	seq.s32 s10, $0x1;
	s10 =	sld [smem:$0x3FB2]  }
0x3d: {  	_ =	shalt  }
0x3e: {  	_ =	shalt  }
0x3f: {  	_ =	shalt  }
0x40: {  	_ =	shalt  }
0x41: {  	_ =	shalt  }
0x42: {  	_ =	shalt  }
0x43: {  	_ =	shalt  }
0x44: {  	_ =	shalt  }
0x45: {  	_ =	shalt  }
0x46: {  	_ =	shalt  }
0x47: {  	_ =	shalt  }
0x48: {  	_ =	shalt  }
0x49: {  	_ =	shalt  }
0x4a: {  	_ =	shalt  }
0x4b: {  	_ =	shalt  }
0x4c: {  	_ =	shalt  }
0x4d: {  	_ =	shalt  }
0x4e: {  	_ =	shalt  }
0x4f: {  	_ =	shalt  }
0x50: {  	_ =	shalt  }
0x51: {  	_ =	shalt  }
0x52: {  	_ =	shalt  }
0x53: {  	_ =	shalt  }
0x54: {  	_ =	shalt  }
0x55: {  	_ =	shalt  }
0x56: {  	_ =	shalt  }
0x57: {  	_ =	shalt  }
0x58: {  	_ =	shalt  }
0x59: {  	_ =	shalt  }
0x5a: {  	_ =	shalt  }
0x5b: {  	_ =	shalt  }
0x5c: {  	_ =	shalt  }
0x5d: {  	_ =	shalt  }
0x5e: {  	_ =	shalt  }
0x5f: {  	_ =	shalt  }
0x60: {  	_ =	shalt  }
0x61: {  	_ =	shalt  }
0x62: {  	_ =	shalt  }
0x63: {  	_ =	shalt  }
0x64: {  	_ =	shalt  }
0x65: {  	_ =	shalt  }
0x66: {  	_ =	shalt  }
0x67: {  	_ =	shalt  }
0x68: {  	_ =	shalt  }
0x69: {  	_ =	shalt  }
0x6a: {  	_ =	shalt  }
0x6b: {  	_ =	shalt  }
0x6c: {  	_ =	shalt  }
0x6d: {  	_ =	shalt  }
0x6e: {  	_ =	shalt  }
0x6f: {  	_ =	shalt  }
0x70: {  	_ =	shalt  }
0x71: {  	_ =	shalt  }
0x72: {  	_ =	shalt  }
0x73: {  	_ =	shalt  }
0x74: {  	_ =	shalt  }
0x75: {  	_ =	shalt  }
0x76: {  	_ =	shalt  }
0x77: {  	_ =	shalt  }
0x78: {  	_ =	shalt  }
0x79: {  	_ =	shalt  }
0x7a: {  	_ =	shalt  }
0x7b: {  	_ =	shalt  }
0x7c: {  	_ =	shalt  }
0x7d: {  	_ =	shalt  }
0x7e: {  	_ =	shalt  }
0x7f: {  	_ =	shalt  }
0x80: {  	_ =	shalt  }
0x81: {  	_ =	shalt  }
0x82: {  	_ =	shalt  }
0x83: {  	_ =	shalt  }
0x84: {  	_ =	shalt  }
0x85: {  	_ =	shalt  }
0x86: {  	_ =	shalt  }
0x87: {  	_ =	shalt  }
.Lfunc_end0:
.L_simem_size_0:
called_computation_lowered:
.L_overlay_start_0:
0x88: {  	s0 =	sld [smem:$0x3FD9]  }
0x89: {  	s1 =	sld [smem:$0x3FFE];
	_ =	sdelay $0x3  }
0x8a: {  	s0 =	sadd.s32 s1, s0  }
0x8b: {  	[smem:$0x3FBE] =	sst s0  }
0x8c: {  	_ = 	snop  }
0x8d: {  	s0 =	sld [smem:$0x3FC8];
	(tm) =	ssettm $0x1  }
0x8e: {  	s16 =	sld [smem:$0x3FFB];
	_ =	sdelay $0x3  }
0x8f: {  	_ =	strace s16  }
0x90: {  	s1 =	sld [smem:$0x3FFC];
	_ =	sdelay $0x3  }
0x91: {  	_ =	strace s1  }
0x92: {  	s1 =	sld [smem:$0x3FFD];
	_ =	sdelay $0x3  }
0x93: {  	_ =	strace s1  }
0x94: {  	_ =	strace $0x8FFFFFFF  }
0x95: {  	s17 =	sld [smem:$0x3FDB];
	_ =	sdelay $0x1  }
0x96: {  	s2 =	simm.s32 $_scs_section_size  }
0x97: {  	s3 =	simm.s32 $_size__tile_overlayer_lowered;
	s4 =	simm.s32 $_tile_overlayer_lowered  }
0x98: {  	s20 =	simm.s32 $0x1BFF;
	s19 =	sshll.u32 s4, $0x1;
	s1 =	sadd.s32 s2, s17  }
0x99: {  	s5 =	simm.s32 $0x0;
	s18 =	sshll.u32 s3, $0x1;
	s3 =	sadd.s32 s19, s1  }
0x9a: {  	[timem:s5], [sflag:s20] =	dma.local [hbm:s3], s18  }
0x9b: {  	_ =	swait.ge [sflag:s20], s18  }
0x9c: {  	s2 =	ssub.s32 $0x0, s18;
	[sflag:s20] =	ssyncset.done $0x0  }
0x9d: {  	[sflag:s20] =	ssyncadd.s32 s2;
	_ =	sdelay $0x1  }
0x9e: {  	s21 =	simm.s32 $0x1B8B  }
0x9f: {  	_ =	swait.ge [sflag:s21], $0x1  }
0xa0: {  	[sflag:s21] =	ssyncset.done $0x0  }
0xa1: {  	s23 =	simm.s32 $0x1B8E;
	s22 =	sld [smem:$0x3FFE];
	[sflag:s21] =	ssyncadd.s32 $0xFFFFFFFF  }
0xa2: {  	s24 =	simm.s32 $execute0_lowered;
	[smem:$0x3FD2] =	sst s23  }
0xa3: {  	s3 =	sshll.u32 s24, $0x1;
	_ =	strace $0x80000046;
	[dreg:$0x1] =	wrdreg $0xFFFFFFFF  }
0xa4: {  	s25 =	simm.s32 $_size_execute0_lowered;
	s1 =	sadd.s32 s1, s3;
	[dreg:$0x0] =	wrdreg $0x0  }
0xa5: {  	s3 =	sshll.u32 s25, $0x1;
	[dreg:$0x2] =	wrdreg s1  }
0xa6: {  	[dreg:$0x3] =	wrdreg s3  }
0xa7: {  	[dreg:$0x4] =	wrdreg $0xC0  }
0xa8: {  	_ =	task [dreg:s5], $0x5FFFF  }
0xa9: {  	[dreg:$0x1] =	wrdreg $0xFFFFFFFF  }
0xaa: {  	[dreg:$0x0] =	wrdreg $0x60  }
0xab: {  	[dreg:$0x2] =	wrdreg s0  }
0xac: {  	[dreg:$0x3] =	wrdreg s22  }
0xad: {  	[dreg:$0x4] =	wrdreg $0x198000  }
0xae: {  	[dreg:$0x5] =	wrdreg $0x170000  }
0xaf: {  	[dreg:$0x6] =	wrdreg $0x9  }
0xb0: {  	_ =	task.clear_ibuf [dreg:s5], $0x7FFFF;
	_ =	strace $0x90000046  }
0xb1: {  	s26 =	simm.s32 $0x9;
	_ =	strace $0x80000048  }
0xb2: {  	_ =	swait.ge [sflag:s26], $0x1  }
0xb3: {  	[sflag:s26] =	ssyncadd.s32 $0xFFFFFFFF  }
0xb4: {  	_ =	strace $0x90000048  }
0xb5: {  	_ =	sfence  }
0xb6: {  	s28 =	sld [smem:$0x0];
	_ =	sdelay $0x1  }
0xb7: {  	s29 =	srdreg.scid  }
0xb8: {  	s30 =	sshll.u32 s29, $0xD;
	s31 =	sshrl.u32 s29, $0x2  }
0xb9: {  	s2 =	sand.u32 $0x4000, s30;
	s1 =	sand.u32 $0x1, s29;
	s0 =	sadd.s32 s31, s28  }
0xba: {  	s1 =	sor.u32 s2, s1;
	s0 =	sshll.u32 s0, $0x11  }
0xbb: {  	s0 =	sor.u32 s0, s1  }
0xbc: {  	s0 =	sadd.s32 $0x8F2B, s0  }
0xbd: {  	[sflag:s0] =	ssyncadd.remote.s32 $0x1  }
0xbe: {  	_ =	sfence.sel $0xFFFF  }
0xbf: {  	[dreg:$0x0] =	wrdreg $0xFFFFFFFF;
	(pc) =	sbr.abs _section_cstart, $3  }
0xc0: {  	[dreg:$0x1] =	wrdreg $0xFFFFFFFF  }
0xc1: {  	_ =	task.clear_ibuf [dreg:s5], $0x2FFFF;
	_ =	strace $0x9FFFFFFF  }
0xc2: {  	(tm) =	ssettm $0x7FFFFFFF  }
0xc3: {  	_ =	shalt  }
tec
execute0_lowered:
.L_overlay_start_1:
0x0: {  	(tag) =	ssettag $0x1  }
0x1: {  	s0 =	rddreg [dreg:$0x0];
	s30 =	stileid.u32  }
0x2: {  	s2 =	rddreg [dreg:$0x1];
	s3 =	smul.u32 $0x1388, s30  }
0x3: {  	s1 =	rddreg [dreg:$0x2];
	s4 =	simm.s32 $0x0  }
0x4: {  	[smem:$0x7FF] =	sst s4;
	s3 =	sand.u32 $0x1FFE0, s3  }
0x5: {  	s18 =	rddreg [dreg:$0x3];
	_ =	strace $0x80000047;
	s0 =	sadd.s32 s0, s3  }
0x6: {  	[tilespmem:s4], [sflag:$0x1] =	stream.linear.gather [hbm4b:s0+s4], $0x9D00, $0x38;
	[tilespmem:$0x1C000] =	vst v63  }
0x7: {  	v0 =	vimm.f32 $0.0e+00;
	s0 =	simm.s32 $0xED40  }
0x8: {  	[tilespmem:s0+$0xFFFFFFC0] =	vst v0  }
0x9: {  	[tilespmem:s0+$0x30] =	vst v0  }
0xa: {  	[tilespmem:s0+$0x20] =	vst v0  }
0xb: {  	[tilespmem:s0+$0x10] =	vst v0  }
0xc: {  	s29 =	sadd.s32 $0x2200, s2;
	[tilespmem:s0+$0x0] =	vst v0  }
0xd: {  	[dreg:$0x6] =	wrdreg s29  }
0xe: {  	s31 =	sadd.s32 $0x2800, s2;
	[tilespmem:s0+$0xFFFFFFF0] =	vst v0  }
0xf: {  	[dreg:$0x5] =	wrdreg s31  }
0x10: {  	s16 =	sadd.s32 $0x1C00, s2;
	s2 =	simm.s32 $0x0;
	[tilespmem:s0+$0xFFFFFFE0] =	vst v0  }
.LBB2_1:
0x11: {  	s2 =	sadd.s32 $0x8, s2;
	[tilespmem:s0+$0xFFFFFFD0] =	vst v0;
	s0 =	sadd.s32 $0x80, s0  }
0x12: {  	[tilespmem:s0+$0xFFFFFFC0] =	vst v0;
	p0 =	slt.u32 s2, $0x278  }
0x13: {  	[tilespmem:s0+$0x30] =	vst v0  }
.Ltmp0:
0x14: {  	[tilespmem:s0+$0x20] =	vst v0;
	(pc) =	sbr.rel @p0 .LBB2_1-.Ltmp0, $4  }
0x15: {  	[tilespmem:s0+$0x10] =	vst v0  }
0x16: {  	[tilespmem:s0+$0x0] =	vst v0  }
0x17: {  	[tilespmem:s0+$0xFFFFFFF0] =	vst v0  }
0x18: {  	[tilespmem:s0+$0xFFFFFFE0] =	vst v0  }
0x19: {  	s2 =	sshll.u32 s30, $0x5;
	s25 =	simm.s32 $0x1  }
0x1a: {  	[tilespmem:s0+$0xFFFFFFD0] =	vst v0;
	s9 =	sand.u32 $0x3, s30;
	s26 =	sshll.u32 s30, $0x1;
	s31 =	sadd.s32 $0xFFFFFFFF, s30  }
0x1b: {  	s20 =	sadd.s32 $0x1, s30;
	s17 =	sand.u32 $0x60, s2;
	_ =	swait.ge [sflag:s25], $0x9D00  }
0x1c: {  	s3 =	sshll.u32 s9, $0x8;
	s4 =	sadd.s32 $0x6, s26;
	s10 =	sand.u32 $0x3, s31  }
0x1d: {  	s7 =	sadd.s32 $0x4, s26;
	s2 =	sadd.s32 $0x2, s26;
	[sflag:s25] =	ssyncset.done $0x0  }
0x1e: {  	s5 =	sadd.s32 $0x380, s3;
	s4 =	sand.u32 $0x6, s4;
	s29 =	sxor.u32 $0x40, s17  }
0x1f: {  	s6 =	sadd.s32 $0x3FC, s3;
	s8 =	sshll.u32 s10, $0x7;
	s11 =	sadd.s32 $0x280, s3  }
0x20: {  	s12 =	sand.u32 $0x6, s7;
	s13 =	sadd.s32 $0x200, s3;
	s19 =	sadd.s32 $0x180, s3  }
0x21: {  	s2 =	sand.u32 $0x6, s2;
	s3 =	sadd.s32 $0x100, s3;
	[sflag:s25] =	ssyncadd.s32 $0xFFFF6300  }
0x22: {  	s28 =	sand.u32 $0x400, s5;
	s4 =	sshll.u32 s4, $0x6;
	s6 =	sand.u32 $0x400, s6  }
0x23: {  	s14 =	sand.u32 $0x400, s13;
	s5 =	sshll.u32 s29, $0x2;
	s25 =	sshll.u32 s9, $0x7  }
0x24: {  	s2 =	sshll.u32 s2, $0x6;
	s22 =	sand.u32 $0x400, s3;
	s0 =	sor.u32 s4, s28  }
0x25: {  	s23 =	sor.u32 s8, s6;
	s4 =	sand.u32 $0x400, s11;
	s6 =	sshll.u32 s12, $0x6  }
0x26: {  	s24 =	sor.u32 s5, s14;
	s8 =	sor.u32 $0x240, s25;
	s11 =	sand.u32 $0x3, s20  }
0x27: {  	s0 =	sor.u32 $0x240, s0;
	s4 =	sor.u32 s6, s4;
	s8 =	sshrl.u32 s8, $0x2  }
0x28: {  	s15 =	sor.u32 $0x200, s23;
	s5 =	sor.u32 $0x200, s24;
	s0 =	sshrl.u32 s0, $0x2;
	v4 =	vmov s8  }
0x29: {  	s6 =	sand.u32 $0x400, s19;
	s26 =	sshll.u32 s11, $0x7;
	s21 =	sshrl.u32 s15, $0x2;
	v0 =	vmov s0  }
0x2a: {  	s4 =	sor.u32 $0x240, s4;
	s2 =	sor.u32 s2, s6;
	s28 =	sshrl.u32 s5, $0x2;
	v5 =	vmov s21  }
0x2b: {  	s4 =	sshrl.u32 s4, $0x2;
	s2 =	sor.u32 $0x240, s2;
	s0 =	sor.u32 s26, s22;
	v6 =	vmov s28  }
0x2c: {  	v1 =	vmov s4;
	s29 =	sor.u32 $0x200, s0;
	s0 =	simm.s32 $0x0;
	s2 =	sshrl.u32 s2, $0x2  }
0x2d: {  	s31 =	sshrl.u32 s29, $0x2;
	v2 =	vmov s2;
	v9 =	vld.idx.msk [tilespmem:v4+s0+$0xFFFFFFF0 ss:$0x1], $0xffff  }
0x2e: {  	v3 =	vmov s31;
	v10 =	vld.idx.msk [tilespmem:v0+s0+$0x0 ss:$0x1], $0xffff  }
0x2f: {  	v11 =	vld.idx.msk [tilespmem:v5+s0+$0x0 ss:$0x1], $0xffff  }
0x30: {  	v13 =	vld.idx.msk [tilespmem:v6+s0+$0x0 ss:$0x1], $0xffff  }
0x31: {  	v12 =	vld.idx.msk [tilespmem:v1+s0+$0x0 ss:$0x1], $0xffff  }
0x32: {  	v14 =	vld.idx.msk [tilespmem:v2+s0+$0x0 ss:$0x1], $0xffff  }
0x33: {  	v15 =	vld.idx.msk [tilespmem:v3+s0+$0x0 ss:$0x1], $0xffff  }
0x34: {  	v7 =	vimm.f32 $1.000000000e+00;
	s2 =	simm.s32 $0xED00;
	v8 =	vld.idx.msk [tilespmem:v4+s0+$0x0 ss:$0x1], $0xffff  }
0x35: {  	[tilespmem:v9+s2+$0x0] =	vst.idx.add.f32.msk $0xffff, v7  }
0x36: {  	[tilespmem:v10+s2+$0x0] =	vst.idx.add.f32.msk $0xffff, v7  }
0x37: {  	[tilespmem:v11+s2+$0x0] =	vst.idx.add.f32.msk $0xffff, v7  }
0x38: {  	[tilespmem:v13+s2+$0x0] =	vst.idx.add.f32.msk $0xffff, v7  }
0x39: {  	[tilespmem:v12+s2+$0x0] =	vst.idx.add.f32.msk $0xffff, v7  }
0x3a: {  	[tilespmem:v14+s2+$0x0] =	vst.idx.add.f32.msk $0xffff, v7  }
0x3b: {  	s3 =	simm.s32 $0x0;
	[tilespmem:v15+s2+$0x0] =	vst.idx.add.f32.msk $0xffff, v7  }
.LBB2_3:
0x3c: {  	s3 =	sadd.s32 $0x8, s3;
	[tilespmem:v8+s2+$0x0] =	vst.idx.add.f32.msk $0xffff, v7;
	s0 =	sadd.s32 $0x100, s0  }
0x3d: {  	v9 =	vld.idx.msk [tilespmem:v4+s0+$0xFFFFFFF0 ss:$0x1], $0xffff;
	p0 =	slt.u32 s3, $0x4D8  }
0x3e: {  	v10 =	vld.idx.msk [tilespmem:v0+s0+$0x0 ss:$0x1], $0xffff  }
0x3f: {  	v11 =	vld.idx.msk [tilespmem:v5+s0+$0x0 ss:$0x1], $0xffff  }
0x40: {  	v12 =	vld.idx.msk [tilespmem:v1+s0+$0x0 ss:$0x1], $0xffff  }
0x41: {  	v13 =	vld.idx.msk [tilespmem:v6+s0+$0x0 ss:$0x1], $0xffff  }
0x42: {  	v14 =	vld.idx.msk [tilespmem:v2+s0+$0x0 ss:$0x1], $0xffff  }
0x43: {  	v15 =	vld.idx.msk [tilespmem:v3+s0+$0x0 ss:$0x1], $0xffff  }
0x44: {  	v8 =	vld.idx.msk [tilespmem:v4+s0+$0x0 ss:$0x1], $0xffff  }
0x45: {  	[tilespmem:v9+s2+$0x0] =	vst.idx.add.f32.msk $0xffff, v7  }
0x46: {  	[tilespmem:v10+s2+$0x0] =	vst.idx.add.f32.msk $0xffff, v7  }
.Ltmp1:
0x47: {  	[tilespmem:v11+s2+$0x0] =	vst.idx.add.f32.msk $0xffff, v7;
	(pc) =	sbr.rel @p0 .LBB2_3-.Ltmp1, $4  }
0x48: {  	[tilespmem:v12+s2+$0x0] =	vst.idx.add.f32.msk $0xffff, v7  }
0x49: {  	[tilespmem:v13+s2+$0x0] =	vst.idx.add.f32.msk $0xffff, v7  }
0x4a: {  	[tilespmem:v14+s2+$0x0] =	vst.idx.add.f32.msk $0xffff, v7  }
0x4b: {  	[tilespmem:v15+s2+$0x0] =	vst.idx.add.f32.msk $0xffff, v7  }
0x4c: {  	s0 =	sshll.u32 s9, $0x5  }
0x4d: {  	s3 =	sor.u32 $0x9C80, s0  }
0x4e: {  	v5 =	vmov s3;
	_ =	sdelay $0x1  }
0x4f: {  	[dreg:$0x9] =	wrdreg s0  }
0x50: {  	v4 =	vimm.f32 $1.000000000e+00;
	s0 =	simm.s32 $0x0;
	[tilespmem:v8+s2+$0x0] =	vst.idx.add.f32.msk $0xffff, v7;
	s2 =	simm.s32 $0xED00  }
.LBB2_5:
0x51: {  	s3 =	sshra.s32 s0, $0x2  }
0x52: {  	v6 =	vld.idx.msk [tilespmem:v5+s3+$0x0 ss:$0x1], $0xffff;
	_ =	sdelay $0x2  }
0x53: {  	p0 =	sne.s32 s0, $0x40  }
.Ltmp2:
0x54: {  	_ = 	snop;
	(pc) =	sbr.rel @p0 .LBB2_5-.Ltmp2, $2  }
0x55: {  	_ =	sdelay $0x2  }
0x56: {  	s0 =	sadd.s32 $0x40, s0;
	[tilespmem:v6+s2+$0x0] =	vst.idx.add.f32.msk $0xffff, v4  }
0x57: {  	s0 =	sshrl.u32 s30, $0x3  }
0x58: {  	s2 =	sshll.u32 s30, $0x7;
	[dreg:$0x7] =	wrdreg s0;
	s0 =	smul.u32 $0x14000, s0  }
0x59: {  	s19 =	simm.s32 $0x80;
	s2 =	sand.u32 $0x380, s2  }
0x5a: {  	s20 =	simm.s32 $0x400;
	s3 =	simm.s32 $0xED00;
	s22 =	sor.u32 s2, s0  }
0x5b: {  	s26 =	simm.s32 $0x3;
	[dreg:$0x8] =	wrdreg s2;
	s21 =	sadd.s32 s22, s1  }
0x5c: {  	[spmem:s21] =	stream.strided.scatter [tilespmem:s3], [sflag:$0x3], $0x2800, s20, s19, $0x38;
	[tilespmem:$0x1C000] =	vst v63  }
0x5d: {  	_ =	swait.ge [sflag:s26], $0x2800  }
0x5e: {  	s28 =	simm.s32 $0x1400;
	s20 =	smul.u32 $0x1400, s30;
	[sflag:s26] =	ssyncset.done $0x0  }
0x5f: {  	s29 =	simm.s32 $0x14000;
	s31 =	simm.s32 $0x13D00;
	[sflag:s26] =	ssyncadd.s32 $0xFFFFD800  }
0x60: {  	s0 =	simm.s32 $0xC540;
	s19 =	sadd.s32 s20, s1;
	[bflag:$0x0] =	sbarrier.arrive $0xFFFF  }
0x61: {  	v4 =	vimm.f32 $0.0e+00;
	[tilespmem:s31], [sflag:$0x2] =	stream.strided.gather [spmem:s19], $0x2800, s29, s28, $0x38;
	[tilespmem:$0x1C000] =	vst v63  }
0x62: {  	[tilespmem:s0+$0xFFFFFFC0] =	vst v4  }
0x63: {  	[tilespmem:s0+$0x30] =	vst v4  }
0x64: {  	[tilespmem:s0+$0x20] =	vst v4  }
0x65: {  	[tilespmem:s0+$0x10] =	vst v4  }
0x66: {  	[tilespmem:s0+$0x0] =	vst v4  }
0x67: {  	[tilespmem:s0+$0xFFFFFFF0] =	vst v4  }
0x68: {  	s1 =	simm.s32 $0x0;
	[tilespmem:s0+$0xFFFFFFE0] =	vst v4  }
.LBB2_7:
0x69: {  	s1 =	sadd.s32 $0x8, s1;
	[tilespmem:s0+$0xFFFFFFD0] =	vst v4;
	s0 =	sadd.s32 $0x80, s0  }
0x6a: {  	[tilespmem:s0+$0xFFFFFFC0] =	vst v4;
	p0 =	slt.u32 s1, $0x278  }
0x6b: {  	[tilespmem:s0+$0x30] =	vst v4  }
.Ltmp3:
0x6c: {  	[tilespmem:s0+$0x20] =	vst v4;
	(pc) =	sbr.rel @p0 .LBB2_7-.Ltmp3, $4  }
0x6d: {  	[tilespmem:s0+$0x10] =	vst v4  }
0x6e: {  	[tilespmem:s0+$0x0] =	vst v4  }
0x6f: {  	[tilespmem:s0+$0xFFFFFFF0] =	vst v4  }
0x70: {  	[tilespmem:s0+$0xFFFFFFE0] =	vst v4  }
0x71: {  	[tilespmem:s0+$0xFFFFFFD0] =	vst v4;
	s28 =	simm.s32 $0x2;
	s2 =	simm.s32 $0x0  }
0x72: {  	_ =	swait.ge [sflag:s28], $0x2800;
	s4 =	sand.u32 $0x60, s2;
	s3 =	sand.u32 $0x1C00, s2  }
0x73: {  	[sflag:s28] =	ssyncset.done $0x0;
	s5 =	sadd.s32 $0x13D00, s3;
	s1 =	sor.u32 $0x10, s4  }
0x74: {  	[sflag:s28] =	ssyncadd.s32 $0xFFFFD800;
	s29 =	sor.u32 s1, s5  }
0x75: {  	v4 =	vld [tilespmem:s29+$0x0]  }
0x76: {  	s5 =	sor.u32 s4, s5;
	v5 =	vld [tilespmem:s29+$0x80]  }
0x77: {  	v6 =	vld [tilespmem:s5+$0x0]  }
0x78: {  	v7 =	vld [tilespmem:s29+$0x100]  }
0x79: {  	v8 =	vld [tilespmem:s5+$0x80]  }
0x7a: {  	v9 =	vld [tilespmem:s29+$0x180]  }
0x7b: {  	v10 =	vld [tilespmem:s5+$0x100]  }
0x7c: {  	v11 =	vld [tilespmem:s29+$0x200]  }
0x7d: {  	v12 =	vld [tilespmem:s5+$0x180]  }
0x7e: {  	v13 =	vld [tilespmem:s29+$0x280]  }
0x7f: {  	v14 =	vld [tilespmem:s5+$0x200]  }
0x80: {  	v15 =	vld [tilespmem:s29+$0x300]  }
0x81: {  	v16 =	vld [tilespmem:s5+$0x280]  }
0x82: {  	s6 =	sadd.s32 $0x15100, s3;
	v17 =	vld [tilespmem:s29+$0x380]  }
0x83: {  	s31 =	sor.u32 s1, s6;
	v18 =	vld [tilespmem:s5+$0x300]  }
0x84: {  	s7 =	sadd.s32 $0x15180, s3;
	v19 =	vld [tilespmem:s31+$0x0]  }
0x85: {  	s8 =	sor.u32 s1, s7;
	v20 =	vld [tilespmem:s5+$0x380]  }
0x86: {  	s13 =	sadd.s32 $0x15200, s3;
	s12 =	sor.u32 s4, s6;
	v21 =	vld [tilespmem:s8+$0x0]  }
0x87: {  	s14 =	sor.u32 s1, s13;
	v22 =	vld [tilespmem:s12+$0x0]  }
0x88: {  	s26 =	sadd.s32 $0x15280, s3;
	s15 =	sor.u32 s4, s7;
	v23 =	vld [tilespmem:s14+$0x0]  }
0x89: {  	s28 =	sor.u32 s1, s26;
	v24 =	vld [tilespmem:s15+$0x0]  }
0x8a: {  	s29 =	sor.u32 s4, s13;
	v25 =	vld [tilespmem:s28+$0x0]  }
0x8b: {  	s31 =	sadd.s32 $0x15300, s3;
	s8 =	sor.u32 s4, s26;
	v26 =	vld [tilespmem:s29+$0x0]  }
0x8c: {  	s12 =	sadd.s32 $0x15380, s3;
	s5 =	sor.u32 s1, s31;
	v28 =	vld [tilespmem:s8+$0x0]  }
0x8d: {  	s15 =	sadd.s32 $0x15400, s3;
	s13 =	sor.u32 s1, s12;
	s14 =	sor.u32 s4, s31;
	v27 =	vld [tilespmem:s5+$0x0]  }
0x8e: {  	s26 =	sor.u32 s1, s15;
	s28 =	sor.u32 s4, s12;
	s12 =	simm.s32 $0x100;
	v29 =	vld [tilespmem:s13+$0x0]  }
0x8f: {  	s29 =	sadd.s32 $0x15480, s3;
	s8 =	simm.s32 $0x20;
	v30 =	vld [tilespmem:s26+$0x0];
	s0 =	sand.u32 $0x1C00, s12;
	v4 =	vadd.f32 v5, v4  }
0x90: {  	s31 =	sor.u32 s1, s29;
	s3 =	sand.u32 $0x60, s8;
	s13 =	sadd.s32 $0x13D00, s0;
	v5 =	vld [tilespmem:s14+$0x0];
	v6 =	vadd.f32 v8, v6  }
0x91: {  	s6 =	sor.u32 s4, s15;
	s15 =	sor.u32 s3, s13;
	v8 =	vld [tilespmem:s31+$0x0];
	v4 =	vadd.f32 v7, v4  }
0x92: {  	v38 =	vld [tilespmem:s15+$0x200];
	v6 =	vadd.f32 v10, v6  }
0x93: {  	s7 =	sor.u32 $0x10, s3;
	v39 =	vld [tilespmem:s15+$0x280];
	v4 =	vadd.f32 v9, v4  }
0x94: {  	s14 =	sor.u32 s7, s13;
	v41 =	vld [tilespmem:s15+$0x380];
	v6 =	vadd.f32 v12, v6  }
0x95: {  	v12 =	vld [tilespmem:s14+$0x80];
	v4 =	vadd.f32 v11, v4  }
0x96: {  	v11 =	vld [tilespmem:s14+$0x0];
	v6 =	vadd.f32 v14, v6  }
0x97: {  	v14 =	vld [tilespmem:s14+$0x100];
	v4 =	vadd.f32 v13, v4  }
0x98: {  	v13 =	vld [tilespmem:s15+$0x0];
	v6 =	vadd.f32 v16, v6  }
0x99: {  	v4 =	vadd.f32 v15, v4;
	v15 =	vld [tilespmem:s15+$0x80]  }
0x9a: {  	v36 =	vld [tilespmem:s14+$0x180];
	v6 =	vadd.f32 v18, v6  }
0x9b: {  	v11 =	vadd.f32 v12, v11;
	v12 =	vld [tilespmem:s15+$0x100];
	v4 =	vadd.f32 v17, v4  }
0x9c: {  	v37 =	vld [tilespmem:s14+$0x200];
	v6 =	vadd.f32 v20, v6  }
0x9d: {  	s26 =	sadd.s32 $0x15100, s0;
	v11 =	vadd.f32 v14, v11;
	v14 =	vld [tilespmem:s15+$0x180];
	v4 =	vadd.f32 v19, v4  }
0x9e: {  	s5 =	sor.u32 s3, s26;
	v6 =	vadd.f32 v22, v6;
	v13 =	vadd.f32 v15, v13;
	v15 =	vld [tilespmem:s14+$0x280]  }
0x9f: {  	v42 =	vld [tilespmem:s5+$0x0];
	v11 =	vadd.f32 v36, v11;
	v4 =	vadd.f32 v21, v4  }
0xa0: {  	v7 =	vld [tilespmem:s28+$0x0];
	v6 =	vadd.f32 v24, v6;
	v12 =	vadd.f32 v12, v13  }
0xa1: {  	v13 =	vld [tilespmem:s14+$0x300];
	v11 =	vadd.f32 v37, v11;
	v4 =	vadd.f32 v23, v4  }
0xa2: {  	v6 =	vadd.f32 v26, v6;
	v12 =	vadd.f32 v14, v12;
	v14 =	vld [tilespmem:s14+$0x380]  }
0xa3: {  	s4 =	sor.u32 s4, s29;
	v4 =	vadd.f32 v25, v4;
	v11 =	vadd.f32 v15, v11;
	v15 =	vld [tilespmem:s15+$0x300]  }
0xa4: {  	v10 =	vld [tilespmem:s4+$0x0];
	s28 =	sor.u32 s7, s26;
	v12 =	vadd.f32 v38, v12  }
0xa5: {  	s12 =	sadd.s32 $0x15180, s0;
	v40 =	vld [tilespmem:s28+$0x0];
	v6 =	vadd.f32 v28, v6;
	v4 =	vadd.f32 v27, v4  }
0xa6: {  	s29 =	sor.u32 s7, s12;
	v9 =	vld [tilespmem:s6+$0x0];
	v11 =	vadd.f32 v13, v11;
	v12 =	vadd.f32 v39, v12  }
0xa7: {  	s12 =	sor.u32 s3, s12;
	s31 =	sadd.s32 $0x15200, s0;
	v13 =	vld [tilespmem:s29+$0x0];
	v5 =	vadd.f32 v5, v6;
	v4 =	vadd.f32 v29, v4  }
0xa8: {  	s13 =	sadd.s32 $0x15280, s0;
	s5 =	sor.u32 s7, s31;
	v11 =	vadd.f32 v14, v11;
	v14 =	vld [tilespmem:s12+$0x0];
	v6 =	vadd.f32 v15, v12  }
0xa9: {  	s14 =	sor.u32 s7, s13;
	v5 =	vadd.f32 v7, v5;
	v12 =	vld [tilespmem:s5+$0x0];
	v4 =	vadd.f32 v30, v4  }
0xaa: {  	s26 =	sadd.s32 $0x15300, s0;
	s15 =	sor.u32 s3, s31;
	v7 =	vld [tilespmem:s14+$0x0];
	v11 =	vadd.f32 v40, v11;
	v6 =	vadd.f32 v41, v6  }
0xab: {  	s28 =	sor.u32 s7, s26;
	v5 =	vadd.f32 v9, v5;
	v4 =	vadd.f32 v8, v4;
	v8 =	vld [tilespmem:s15+$0x0]  }
0xac: {  	s31 =	sadd.s32 $0x15380, s0;
	s29 =	sor.u32 s3, s13;
	v9 =	vld [tilespmem:s28+$0x0];
	v11 =	vadd.f32 v13, v11;
	v6 =	vadd.f32 v42, v6  }
0xad: {  	s5 =	sor.u32 s7, s31;
	v13 =	vld [tilespmem:s29+$0x0];
	v5 =	vadd.f32 v10, v5  }
0xae: {  	s13 =	sor.u32 s3, s26;
	s14 =	sadd.s32 $0x15400, s0;
	v10 =	vld [tilespmem:s5+$0x0];
	v11 =	vadd.f32 v12, v11;
	v4 =	vmax.f32 v4, $1.000000000e+00;
	v6 =	vadd.f32 v14, v6  }
0xaf: {  	s26 =	sor.u32 s3, s31;
	s12 =	simm.s32 $0x40;
	s31 =	sor.u32 s3, s14;
	v12 =	vshrl.u32 v4, $0x1;
	v4 =	vmul.f32 $5.000000000e-01, v4;
	v14 =	vld [tilespmem:s13+$0x0]  }
0xb0: {  	v15 =	vld [tilespmem:s26+$0x0];
	s15 =	sor.u32 s7, s14;
	s29 =	simm.s32 $0x200;
	s13 =	sadd.s32 $0x15480, s0;
	v7 =	vadd.f32 v7, v11;
	v11 =	vsub.s32 $0x5F3759DF, v12;
	v6 =	vadd.f32 v8, v6  }
0xb1: {  	s14 =	sand.u32 $0x60, s12;
	s0 =	sand.u32 $0x1C00, s29;
	s28 =	sor.u32 s7, s13;
	v8 =	vld [tilespmem:s15+$0x0];
	v12 =	vmul.f32 v11, v4  }
0xb2: {  	v43 =	vld [tilespmem:s31+$0x0];
	v5 =	vmax.f32 v5, $1.000000000e+00;
	s3 =	sor.u32 s3, s13;
	s6 =	sadd.s32 $0x13D00, s0;
	s13 =	sor.u32 $0x10, s14;
	v7 =	vadd.f32 v9, v7;
	v6 =	vadd.f32 v13, v6  }
0xb3: {  	s15 =	sor.u32 s13, s6;
	v9 =	vshrl.u32 v5, $0x1;
	v5 =	vmul.f32 $5.000000000e-01, v5;
	v13 =	vld [tilespmem:s28+$0x0];
	v12 =	vmul.f32 v11, v12  }
0xb4: {  	v44 =	vld [tilespmem:s15+$0x0];
	v9 =	vsub.s32 $0x5F3759DF, v9;
	v7 =	vadd.f32 v10, v7;
	v6 =	vadd.f32 v14, v6  }
0xb5: {  	s26 =	sor.u32 s14, s6;
	v10 =	vld [tilespmem:s3+$0x0];
	v14 =	vmul.f32 v9, v5;
	v12 =	vsub.f32 $1.500000000e+00, v12  }
0xb6: {  	v45 =	vld [tilespmem:s26+$0x80];
	v7 =	vadd.f32 v8, v7;
	v6 =	vadd.f32 v15, v6  }
0xb7: {  	v8 =	vld [tilespmem:s15+$0x80];
	v14 =	vmul.f32 v9, v14  }
0xb8: {  	v11 =	vmul.f32 v11, v12;
	v12 =	vld [tilespmem:s26+$0x0];
	v7 =	vadd.f32 v13, v7;
	v6 =	vadd.f32 v43, v6  }
0xb9: {  	v13 =	vld [tilespmem:s15+$0x100];
	v14 =	vsub.f32 $1.500000000e+00, v14  }
0xba: {  	v15 =	vmul.f32 v11, v4;
	v7 =	vmax.f32 v7, $1.000000000e+00;
	v6 =	vadd.f32 v10, v6  }
0xbb: {  	v46 =	vld [tilespmem:s15+$0x180];
	v10 =	vshrl.u32 v7, $0x1;
	v7 =	vmul.f32 $5.000000000e-01, v7;
	v9 =	vmul.f32 v9, v14  }
0xbc: {  	v14 =	vld [tilespmem:s26+$0x100];
	v8 =	vadd.f32 v8, v44;
	v15 =	vmul.f32 v15, v11;
	v10 =	vsub.s32 $0x5F3759DF, v10  }
0xbd: {  	v47 =	vld [tilespmem:s15+$0x200];
	v12 =	vadd.f32 v45, v12;
	v6 =	vmax.f32 v6, $1.000000000e+00;
	v48 =	vmul.f32 v10, v7  }
0xbe: {  	v49 =	vld [tilespmem:s26+$0x180];
	v8 =	vadd.f32 v13, v8;
	v13 =	vshrl.u32 v6, $0x1;
	v50 =	vmul.f32 $5.000000000e-01, v6  }
0xbf: {  	v51 =	vld [tilespmem:s15+$0x280];
	v6 =	vmul.f32 v9, v5;
	v13 =	vsub.s32 $0x5F3759DF, v13;
	v19 =	vmul.f32 v10, v48  }
0xc0: {  	v52 =	vld [tilespmem:s26+$0x200];
	v15 =	vsub.f32 $1.500000000e+00, v15;
	v8 =	vadd.f32 v46, v8;
	v53 =	vmul.f32 v13, v50  }
0xc1: {  	v6 =	vmul.f32 v6, v9;
	v12 =	vadd.f32 v14, v12;
	v14 =	vld [tilespmem:s15+$0x300];
	v19 =	vsub.f32 $1.500000000e+00, v19  }
0xc2: {  	v54 =	vld [tilespmem:s26+$0x280];
	v11 =	vmul.f32 v15, v11;
	v8 =	vadd.f32 v47, v8;
	v18 =	vmul.f32 v13, v53  }
0xc3: {  	s28 =	sadd.s32 $0x15100, s0;
	v15 =	vld [tilespmem:s15+$0x380];
	v6 =	vsub.f32 $1.500000000e+00, v6;
	v12 =	vadd.f32 v49, v12;
	v10 =	vmul.f32 v10, v19  }
0xc4: {  	v55 =	vld [tilespmem:s26+$0x300];
	s29 =	sor.u32 s13, s28;
	v4 =	vmul.f32 v11, v4;
	v8 =	vadd.f32 v51, v8;
	v18 =	vsub.f32 $1.500000000e+00, v18  }
0xc5: {  	s31 =	sadd.s32 $0x15180, s0;
	v6 =	vmul.f32 v6, v9;
	v9 =	vadd.f32 v52, v12;
	v12 =	vld [tilespmem:s29+$0x0];
	v19 =	vmul.f32 v10, v7  }
0xc6: {  	s15 =	sor.u32 s13, s31;
	v4 =	vmul.f32 v4, v11;
	v8 =	vadd.f32 v14, v8;
	v14 =	vld [tilespmem:s26+$0x380];
	v13 =	vmul.f32 v13, v18  }
0xc7: {  	s4 =	sor.u32 s14, s28;
	v56 =	vld [tilespmem:s15+$0x0];
	s26 =	sadd.s32 $0x15200, s0;
	v5 =	vmul.f32 v6, v5;
	v9 =	vadd.f32 v54, v9;
	v57 =	vmul.f32 v19, v10  }
0xc8: {  	v58 =	vld [tilespmem:s4+$0x0];
	v4 =	vsub.f32 $1.500000000e+00, v4;
	s28 =	sor.u32 s13, s26;
	v8 =	vadd.f32 v15, v8;
	v15 =	vmul.f32 v13, v50  }
0xc9: {  	s29 =	sor.u32 s14, s31;
	s31 =	sadd.s32 $0x15280, s0;
	v59 =	vld [tilespmem:s28+$0x0];
	v5 =	vmul.f32 v5, v6;
	v9 =	vadd.f32 v55, v9;
	v18 =	vsub.f32 $1.500000000e+00, v57  }
0xca: {  	s15 =	sor.u32 s13, s31;
	v11 =	vmul.f32 v4, v11;
	v8 =	vadd.f32 v12, v8;
	v12 =	vld [tilespmem:s29+$0x0];
	v15 =	vmul.f32 v15, v13  }
0xcb: {  	s26 =	sor.u32 s14, s26;
	s28 =	sadd.s32 $0x15300, s0;
	v5 =	vsub.f32 $1.500000000e+00, v5;
	v9 =	vadd.f32 v14, v9;
	v14 =	vld [tilespmem:s15+$0x0];
	v4 =	vmul.f32 v18, v10  }
0xcc: {  	s29 =	sor.u32 s13, s28;
	v8 =	vadd.f32 v56, v8;
	v10 =	vld [tilespmem:s26+$0x0];
	v15 =	vsub.f32 $1.500000000e+00, v15  }
0xcd: {  	s2 =	sand.u32 $0x380, s2;
	s6 =	sadd.s32 $0x15380, s0;
	s31 =	sor.u32 s14, s31;
	v61 =	vmul.f32 $9.999999740e-05, v11;
	v62 =	vld [tilespmem:s29+$0x0];
	v9 =	vadd.f32 v58, v9;
	v7 =	vmul.f32 v4, v7  }
0xce: {  	s15 =	sor.u32 s2, s1;
	s26 =	sor.u32 s13, s6;
	v60 =	vmul.f32 v5, v6;
	v6 =	vld [tilespmem:s31+$0x0];
	v16 =	vadd.f32 v59, v8;
	v5 =	vmul.f32 v15, v13  }
0xcf: {  	s3 =	simm.s32 $0x4;
	s28 =	sor.u32 s14, s28;
	s29 =	sadd.s32 $0x15400, s0;
	[tilespmem:s15+$0x16C80] =	vst v61;
	v8 =	vld [tilespmem:s26+$0x0];
	v12 =	vadd.f32 v12, v9;
	v7 =	vmul.f32 v7, v4  }
0xd0: {  	s4 =	simm.s32 $0x60;
	s1 =	simm.s32 $0x16500;
	[tilespmem:s15+$0x16500] =	vst v11;
	s31 =	sor.u32 s13, s29;
	v15 =	vmul.f32 $9.999999740e-05, v60;
	v9 =	vld [tilespmem:s28+$0x0];
	v14 =	vadd.f32 v14, v16;
	v63 =	vmul.f32 v5, v50  }
0xd1: {  	s2 =	simm.s32 $0x16C80;
	s15 =	sadd.s32 $0x15480, s0;
	s26 =	sor.u32 s14, s6;
	[tilespmem:s1+$0x0] =	vst v60;
	v13 =	vadd.f32 v10, v12;
	v12 =	vld [tilespmem:s31+$0x0];
	v7 =	vsub.f32 $1.500000000e+00, v7  }
0xd2: {  	s0 =	simm.s32 $0x300;
	s6 =	sor.u32 s14, s29;
	v11 =	vld [tilespmem:s26+$0x0];
	s26 =	sor.u32 s13, s15;
	[tilespmem:s2+$0x0] =	vst v15;
	v14 =	vadd.f32 v62, v14;
	v10 =	vmul.f32 v63, v5  }
.LBB2_9:
0xd3: {  	s5 =	sand.u32 $0x1C00, s0;
	v6 =	vadd.f32 v6, v13;
	s28 =	sor.u32 s14, s15;
	s14 =	sand.u32 $0x60, s4;
	v13 =	vld [tilespmem:s26+$0x0];
	v4 =	vmul.f32 v7, v4  }
0xd4: {  	s3 =	sadd.s32 $0x2, s3;
	s26 =	sadd.s32 $0x13D00, s5;
	s29 =	sor.u32 $0x10, s14;
	v7 =	vld [tilespmem:s6+$0x0];
	v8 =	vadd.f32 v8, v14;
	v10 =	vsub.f32 $1.500000000e+00, v10  }
0xd5: {  	s8 =	sand.u32 $0x380, s8;
	p0 =	slt.u32 s3, $0x26;
	s15 =	sor.u32 s29, s26;
	v6 =	vadd.f32 v9, v6;
	v9 =	vld [tilespmem:s28+$0x0];
	v14 =	vmul.f32 $9.999999740e-05, v4  }
0xd6: {  	s6 =	sor.u32 s14, s26;
	s26 =	sor.u32 s8, s7;
	s7 =	smov.u32 s13;
	v15 =	vld [tilespmem:s15+$0x0];
	v8 =	vadd.f32 v12, v8;
	v5 =	vmul.f32 v10, v5  }
0xd7: {  	s1 =	sadd.s32 $0x20, s1;
	s13 =	smov.u32 s29;
	s8 =	smov.u32 s12;
	v10 =	vld [tilespmem:s15+$0x80];
	v6 =	vadd.f32 v11, v6;
	[tilespmem:s26+$0x16C80] =	vst v14  }
0xd8: {  	s12 =	smov.u32 s4;
	v11 =	vld [tilespmem:s6+$0x0];
	v8 =	vadd.f32 v13, v8;
	[tilespmem:s1+$0x0] =	vst v5;
	v5 =	vmul.f32 $9.999999740e-05, v5  }
0xd9: {  	s2 =	sadd.s32 $0x20, s2;
	v12 =	vld [tilespmem:s15+$0x100];
	v6 =	vadd.f32 v7, v6;
	[tilespmem:s26+$0x16500] =	vst v4  }
0xda: {  	v4 =	vld [tilespmem:s6+$0x80];
	v7 =	vmax.f32 v8, $1.000000000e+00;
	[tilespmem:s2+$0x0] =	vst v5  }
0xdb: {  	v5 =	vld [tilespmem:s15+$0x180];
	v6 =	vadd.f32 v9, v6;
	v8 =	vshrl.u32 v7, $0x1;
	v7 =	vmul.f32 $5.000000000e-01, v7  }
0xdc: {  	v9 =	vld [tilespmem:s6+$0x100];
	v10 =	vadd.f32 v10, v15;
	v8 =	vsub.s32 $0x5F3759DF, v8  }
0xdd: {  	v13 =	vld [tilespmem:s15+$0x200];
	v6 =	vmax.f32 v6, $1.000000000e+00;
	v14 =	vmul.f32 v8, v7  }
0xde: {  	v15 =	vld [tilespmem:s6+$0x180];
	v10 =	vadd.f32 v12, v10;
	v12 =	vshrl.u32 v6, $0x1;
	v16 =	vmul.f32 $5.000000000e-01, v6  }
0xdf: {  	v4 =	vadd.f32 v4, v11;
	v6 =	vld [tilespmem:s15+$0x280];
	v11 =	vsub.s32 $0x5F3759DF, v12;
	v12 =	vmul.f32 v8, v14  }
0xe0: {  	v14 =	vld [tilespmem:s6+$0x200];
	v5 =	vadd.f32 v5, v10;
	v10 =	vmul.f32 v11, v16  }
0xe1: {  	v4 =	vadd.f32 v9, v4;
	v9 =	vld [tilespmem:s15+$0x300];
	v12 =	vsub.f32 $1.500000000e+00, v12  }
0xe2: {  	v17 =	vld [tilespmem:s6+$0x280];
	v5 =	vadd.f32 v13, v5;
	v10 =	vmul.f32 v11, v10  }
0xe3: {  	s26 =	sadd.s32 $0x15100, s5;
	v4 =	vadd.f32 v15, v4;
	v13 =	vld [tilespmem:s15+$0x380];
	v8 =	vmul.f32 v8, v12  }
0xe4: {  	s15 =	sor.u32 s14, s26;
	s26 =	sor.u32 s13, s26;
	v12 =	vld [tilespmem:s6+$0x300];
	v5 =	vadd.f32 v6, v5;
	v6 =	vsub.f32 $1.500000000e+00, v10  }
0xe5: {  	s28 =	sadd.s32 $0x15180, s5;
	v4 =	vadd.f32 v14, v4;
	v10 =	vld [tilespmem:s26+$0x0];
	v14 =	vmul.f32 v8, v7  }
0xe6: {  	s26 =	sor.u32 s13, s28;
	v15 =	vld [tilespmem:s6+$0x380];
	s6 =	sor.u32 s14, s28;
	v5 =	vadd.f32 v9, v5;
	v9 =	vmul.f32 v11, v6  }
0xe7: {  	s28 =	sadd.s32 $0x15200, s5;
	v4 =	vadd.f32 v17, v4;
	v6 =	vld [tilespmem:s26+$0x0];
	v11 =	vmul.f32 v14, v8  }
0xe8: {  	s26 =	sor.u32 s13, s28;
	v14 =	vld [tilespmem:s15+$0x0];
	s15 =	sor.u32 s14, s28;
	v5 =	vadd.f32 v13, v5;
	v13 =	vmul.f32 v9, v16  }
0xe9: {  	s28 =	sadd.s32 $0x15280, s5;
	v4 =	vadd.f32 v12, v4;
	v12 =	vld [tilespmem:s26+$0x0];
	v11 =	vsub.f32 $1.500000000e+00, v11  }
0xea: {  	s26 =	sor.u32 s13, s28;
	v17 =	vld [tilespmem:s6+$0x0];
	s6 =	sor.u32 s14, s28;
	v5 =	vadd.f32 v10, v5;
	v10 =	vmul.f32 v13, v9  }
0xeb: {  	s28 =	sadd.s32 $0x15300, s5;
	v13 =	vadd.f32 v15, v4;
	v15 =	vld [tilespmem:s26+$0x0];
	v4 =	vmul.f32 v11, v8  }
0xec: {  	s26 =	sor.u32 s13, s28;
	v11 =	vld [tilespmem:s15+$0x0];
	s15 =	sor.u32 s14, s28;
	v5 =	vadd.f32 v6, v5;
	v8 =	vsub.f32 $1.500000000e+00, v10  }
0xed: {  	s28 =	sadd.s32 $0x15380, s5;
	v10 =	vadd.f32 v14, v13;
	v14 =	vld [tilespmem:s26+$0x0];
	v7 =	vmul.f32 v4, v7  }
.Ltmp4:
0xee: {  	s26 =	sor.u32 s14, s28;
	v6 =	vld [tilespmem:s6+$0x0];
	v12 =	vadd.f32 v12, v5;
	s6 =	sor.u32 s13, s28;
	v5 =	vmul.f32 v8, v9;
	(pc) =	sbr.rel @p0 .LBB2_9-.Ltmp4, $4  }
0xef: {  	s28 =	sadd.s32 $0x15400, s5;
	v10 =	vadd.f32 v17, v10;
	v8 =	vld [tilespmem:s6+$0x0];
	v7 =	vmul.f32 v7, v4  }
0xf0: {  	s6 =	sor.u32 s14, s28;
	s28 =	sor.u32 s13, s28;
	v9 =	vld [tilespmem:s15+$0x0];
	v15 =	vadd.f32 v15, v12;
	v16 =	vmul.f32 v5, v16  }
0xf1: {  	s15 =	sadd.s32 $0x15480, s5;
	v13 =	vadd.f32 v11, v10;
	v12 =	vld [tilespmem:s28+$0x0];
	v7 =	vsub.f32 $1.500000000e+00, v7  }
0xf2: {  	s0 =	sadd.s32 $0x100, s0;
	s4 =	sadd.s32 $0x20, s4;
	v11 =	vld [tilespmem:s26+$0x0];
	v14 =	vadd.f32 v14, v15;
	s26 =	sor.u32 s13, s15;
	v10 =	vmul.f32 v16, v5  }
0xf3: {  	v6 =	vadd.f32 v6, v13;
	v50 =	vld [tilespmem:s26+$0x0]  }
0xf4: {  	v51 =	vld [tilespmem:s6+$0x0];
	v8 =	vadd.f32 v8, v14  }
0xf5: {  	s0 =	sor.u32 s14, s15;
	v6 =	vadd.f32 v9, v6  }
0xf6: {  	v52 =	vld [tilespmem:s0+$0x0];
	v8 =	vadd.f32 v12, v8  }
0xf7: {  	v6 =	vadd.f32 v11, v6  }
0xf8: {  	v8 =	vadd.f32 v50, v8  }
0xf9: {  	v6 =	vadd.f32 v51, v6  }
0xfa: {  	v8 =	vmax.f32 v8, $1.000000000e+00  }
0xfb: {  	v6 =	vadd.f32 v52, v6;
	v53 =	vshrl.u32 v8, $0x1;
	v8 =	vmul.f32 $5.000000000e-01, v8  }
0xfc: {  	v9 =	vsub.s32 $0x5F3759DF, v53  }
0xfd: {  	v6 =	vmax.f32 v6, $1.000000000e+00;
	v54 =	vmul.f32 v9, v8  }
0xfe: {  	v55 =	vshrl.u32 v6, $0x1;
	v6 =	vmul.f32 $5.000000000e-01, v6  }
0xff: {  	v12 =	vsub.s32 $0x5F3759DF, v55;
	v11 =	vmul.f32 v9, v54  }
0x100: {  	v56 =	vmul.f32 v12, v6  }
0x101: {  	v11 =	vsub.f32 $1.500000000e+00, v11  }
0x102: {  	v13 =	vmul.f32 v12, v56  }
0x103: {  	v9 =	vmul.f32 v9, v11  }
0x104: {  	v57 =	vsub.f32 $1.500000000e+00, v13  }
0x105: {  	v58 =	vmul.f32 v9, v8  }
0x106: {  	v11 =	vmul.f32 v12, v57  }
0x107: {  	v59 =	vmul.f32 v58, v9  }
0x108: {  	v60 =	vmul.f32 v11, v6  }
0x109: {  	v12 =	vsub.f32 $1.500000000e+00, v59  }
0x10a: {  	v13 =	vmul.f32 v60, v11  }
0x10b: {  	v9 =	vmul.f32 v12, v9  }
0x10c: {  	v61 =	vsub.f32 $1.500000000e+00, v13  }
0x10d: {  	v8 =	vmul.f32 v9, v8  }
0x10e: {  	v11 =	vmul.f32 v61, v11  }
0x10f: {  	v4 =	vmul.f32 v7, v4;
	v62 =	vsub.f32 $1.500000000e+00, v10;
	v7 =	vmul.f32 v8, v9  }
0x110: {  	s5 =	sand.u32 $0x380, s8;
	v6 =	vmul.f32 v11, v6  }
0x111: {  	s0 =	sor.u32 s5, s7;
	v5 =	vmul.f32 v62, v5;
	v7 =	vsub.f32 $1.500000000e+00, v7  }
0x112: {  	s1 =	sadd.s32 $0x20, s1;
	v63 =	vmul.f32 $9.999999740e-05, v4;
	[tilespmem:s0+$0x16500] =	vst v4;
	v6 =	vmul.f32 v6, v11  }
0x113: {  	[tilespmem:s1+$0x0] =	vst v5;
	v5 =	vmul.f32 $9.999999740e-05, v5;
	v7 =	vmul.f32 v7, v9  }
0x114: {  	s6 =	sadd.s32 $0x20, s2;
	s7 =	sand.u32 $0x380, s12;
	[tilespmem:s0+$0x16C80] =	vst v63;
	v6 =	vsub.f32 $1.500000000e+00, v6  }
0x115: {  	s2 =	sor.u32 s7, s13;
	[tilespmem:s6+$0x0] =	vst v5;
	v4 =	vmul.f32 $9.999999740e-05, v7  }
0x116: {  	[tilespmem:s2+$0x16500] =	vst v7;
	v5 =	vmul.f32 v6, v11  }
0x117: {  	s3 =	smul.u32 $0x50, s30;
	s1 =	sadd.s32 $0x20, s1;
	[tilespmem:s2+$0x16C80] =	vst v4  }
0x118: {  	s8 =	smul.u32 $0xA00, s9;
	[tilespmem:s1+$0x0] =	vst v5;
	v4 =	vmul.f32 $9.999999740e-05, v5  }
0x119: {  	s14 =	smul.u32 $0xA00, s11;
	s0 =	sadd.s32 $0x20, s6;
	[dreg:$0xa] =	wrdreg s3  }
0x11a: {  	s15 =	sxor.u32 $0x2, s9;
	s4 =	simm.s32 $0x3;
	s3 =	sadd.s32 s16, s3;
	[tilespmem:s0+$0x0] =	vst v4  }
0x11b: {  	s12 =	simm.s32 $0x0;
	s13 =	simm.s32 $0x16C80;
	[dreg:$0xb] =	wrdreg s3  }
0x11c: {  	[hbm4b:s3+s12] =	stream.linear.scatter [tilespmem:s13], [sflag:$0x3], $0x280, $0x38;
	[tilespmem:$0x1C000] =	vst v63  }
0x11d: {  	s5 =	smul.u32 $0xA00, s10;
	s29 =	sshrl.u32 s14, $0x3;
	_ =	swait.ge [sflag:s4], $0x280  }
0x11e: {  	s26 =	sadd.s32 $0x9D00, s8;
	s7 =	sadd.s32 s16, s29;
	[sflag:s4] =	ssyncset.done $0x0  }
0x11f: {  	s31 =	sshrl.u32 s5, $0x3;
	s0 =	sshrl.u32 s8, $0x3;
	[sflag:s4] =	ssyncadd.s32 $0xFFFFFD80  }
0x120: {  	s3 =	smul.u32 $0xA00, s15;
	s28 =	sadd.s32 s16, s0;
	[bflag:$0x0] =	sbarrier.arrive $0xFFFF  }
0x121: {  	[tilespmem:s26], [sflag:$0x1] =	stream.linear.gather [hbm4b:s28+s12], $0xA00, $0x38;
	[tilespmem:$0x1C000] =	vst v63  }
0x122: {  	s6 =	sadd.s32 $0x9D00, s14;
	s15 =	sadd.s32 $0x9D00, s5;
	s30 =	sshrl.u32 s3, $0x3  }
0x123: {  	[tilespmem:s6], [sflag:$0x1] =	stream.linear.gather [hbm4b:s7+s12], $0xA00, $0x38;
	[tilespmem:$0x1C000] =	vst v63  }
0x124: {  	s8 =	sadd.s32 $0x9D00, s3;
	s9 =	sadd.s32 s16, s30;
	[dreg:$0xc] =	wrdreg s26  }
0x125: {  	[tilespmem:s8], [sflag:$0x1] =	stream.linear.gather [hbm4b:s9+s12], $0xA00, $0x38;
	[tilespmem:$0x1C000] =	vst v63  }
0x126: {  	s0 =	simm.s32 $0xED40;
	s16 =	sadd.s32 s16, s31;
	[dreg:$0xd] =	wrdreg s28  }
0x127: {  	v4 =	vimm.f32 $0.0e+00;
	[tilespmem:s15], [sflag:$0x1] =	stream.linear.gather [hbm4b:s16+s12], $0xA00, $0x38;
	[tilespmem:$0x1C000] =	vst v63  }
0x128: {  	[tilespmem:s0+$0xFFFFFFC0] =	vst v4  }
0x129: {  	[tilespmem:s0+$0x30] =	vst v4  }
0x12a: {  	[tilespmem:s0+$0x20] =	vst v4  }
0x12b: {  	[tilespmem:s0+$0x10] =	vst v4  }
0x12c: {  	[tilespmem:s0+$0x0] =	vst v4  }
0x12d: {  	[tilespmem:s0+$0xFFFFFFF0] =	vst v4  }
0x12e: {  	s1 =	simm.s32 $0x0;
	[tilespmem:s0+$0xFFFFFFE0] =	vst v4  }
.LBB2_11:
0x12f: {  	s1 =	sadd.s32 $0x8, s1;
	[tilespmem:s0+$0xFFFFFFD0] =	vst v4;
	s0 =	sadd.s32 $0x80, s0  }
0x130: {  	[tilespmem:s0+$0xFFFFFFC0] =	vst v4;
	p0 =	slt.u32 s1, $0x278  }
0x131: {  	[tilespmem:s0+$0x30] =	vst v4  }
.Ltmp5:
0x132: {  	[tilespmem:s0+$0x20] =	vst v4;
	(pc) =	sbr.rel @p0 .LBB2_11-.Ltmp5, $4  }
0x133: {  	[tilespmem:s0+$0x10] =	vst v4  }
0x134: {  	[tilespmem:s0+$0x0] =	vst v4  }
0x135: {  	[tilespmem:s0+$0xFFFFFFF0] =	vst v4  }
0x136: {  	[tilespmem:s0+$0xFFFFFFE0] =	vst v4  }
0x137: {  	[tilespmem:s0+$0xFFFFFFD0] =	vst v4;
	s29 =	simm.s32 $0x1  }
0x138: {  	_ =	swait.ge [sflag:s29], $0xA00  }
0x139: {  	[sflag:s29] =	ssyncset.done $0x0  }
0x13a: {  	[sflag:s29] =	ssyncadd.s32 $0xFFFFF600  }
0x13b: {  	_ =	swait.ge [sflag:s29], $0xA00  }
0x13c: {  	[sflag:s29] =	ssyncset.done $0x0  }
0x13d: {  	[sflag:s29] =	ssyncadd.s32 $0xFFFFF600  }
0x13e: {  	s1 =	sor.u32 $0x200, s25;
	_ =	swait.ge [sflag:s29], $0xA00  }
0x13f: {  	s1 =	sshrl.u32 s1, $0x2;
	[sflag:s29] =	ssyncset.done $0x0  }
0x140: {  	v4 =	vmov s1;
	[sflag:s29] =	ssyncadd.s32 $0xFFFFF600  }
0x141: {  	_ =	swait.ge [sflag:s29], $0xA00  }
0x142: {  	s30 =	sshrl.u32 s24, $0x2;
	[sflag:s29] =	ssyncset.done $0x0  }
0x143: {  	s0 =	simm.s32 $0x0;
	v5 =	vmov s30;
	[sflag:s29] =	ssyncadd.s32 $0xFFFFF600  }
0x144: {  	v7 =	vld.idx.msk [tilespmem:v0+s0+$0x0 ss:$0x1], $0xffff  }
0x145: {  	s31 =	sshrl.u32 s23, $0x2;
	v8 =	vld.idx.msk [tilespmem:v4+s0+$0x10 ss:$0x1], $0xffff  }
0x146: {  	v6 =	vmov s31;
	v9 =	vld.idx.msk [tilespmem:v3+s0+$0x0 ss:$0x1], $0xffff  }
0x147: {  	v10 =	vld.idx.msk [tilespmem:v2+s0+$0x0 ss:$0x1], $0xffff  }
0x148: {  	v11 =	vld.idx.msk [tilespmem:v5+s0+$0x80 ss:$0x1], $0xffff  }
0x149: {  	v12 =	vld.idx.msk [tilespmem:v1+s0+$0x0 ss:$0x1], $0xffff  }
0x14a: {  	v13 =	vld.idx.msk [tilespmem:v0+s0+$0xFFFFFF80 ss:$0x1], $0xffff  }
0x14b: {  	v14 =	vld.idx.msk [tilespmem:v6+s0+$0x80 ss:$0x1], $0xffff  }
0x14c: {  	v16 =	vld.idx.msk [tilespmem:v4+s0+$0x0 ss:$0x1], $0xffff  }
0x14d: {  	v62 =	vld.idx.msk [tilespmem:v4+s0+$0xFFFFFF80 ss:$0x1], $0xffff  }
0x14e: {  	v63 =	vld.idx.msk [tilespmem:v4+s0+$0xFFFFFF90 ss:$0x1], $0xffff  }
0x14f: {  	v18 =	vld.idx.msk [tilespmem:v3+s0+$0xFFFFFF80 ss:$0x1], $0xffff  }
0x150: {  	v19 =	vld.idx.msk [tilespmem:v2+s0+$0xFFFFFF80 ss:$0x1], $0xffff  }
0x151: {  	v20 =	vld.idx.msk [tilespmem:v5+s0+$0x0 ss:$0x1], $0xffff  }
0x152: {  	s1 =	simm.s32 $0x9D00;
	v21 =	vld.idx.msk [tilespmem:v1+s0+$0xFFFFFF80 ss:$0x1], $0xffff  }
0x153: {  	v15 =	vld.idx.msk [tilespmem:v7+s1+$0x0], $0xffff  }
0x154: {  	v17 =	vld.idx.msk [tilespmem:v8+s1+$0x0], $0xffff  }
0x155: {  	v9 =	vld.idx.msk [tilespmem:v9+s1+$0x0], $0xffff  }
0x156: {  	v10 =	vld.idx.msk [tilespmem:v10+s1+$0x0], $0xffff  }
0x157: {  	v11 =	vld.idx.msk [tilespmem:v11+s1+$0x0], $0xffff  }
0x158: {  	v61 =	vld.idx.msk [tilespmem:v16+s1+$0x0], $0xffff  }
0x159: {  	v12 =	vld.idx.msk [tilespmem:v12+s1+$0x0], $0xffff  }
0x15a: {  	v14 =	vld.idx.msk [tilespmem:v14+s1+$0x0], $0xffff  }
0x15b: {  	s2 =	simm.s32 $0xC500;
	v8 =	vld.idx.msk [tilespmem:v6+s0+$0x0 ss:$0x1], $0xffff  }
0x15c: {  	[tilespmem:v13+s2+$0x0] =	vst.idx.add.f32.msk $0xffff, v15  }
0x15d: {  	[tilespmem:v62+s2+$0x0] =	vst.idx.add.f32.msk $0xffff, v61  }
0x15e: {  	[tilespmem:v63+s2+$0x0] =	vst.idx.add.f32.msk $0xffff, v17  }
0x15f: {  	[tilespmem:v18+s2+$0x0] =	vst.idx.add.f32.msk $0xffff, v9  }
0x160: {  	[tilespmem:v19+s2+$0x0] =	vst.idx.add.f32.msk $0xffff, v10  }
0x161: {  	[tilespmem:v20+s2+$0x0] =	vst.idx.add.f32.msk $0xffff, v11  }
0x162: {  	s3 =	simm.s32 $0xED00;
	v7 =	vimm.f32 $1.000000000e+00;
	[tilespmem:v21+s2+$0x0] =	vst.idx.add.f32.msk $0xffff, v12  }
0x163: {  	[tilespmem:v13+s3+$0x0] =	vst.idx.add.f32.msk $0xffff, v7  }
0x164: {  	[tilespmem:v62+s3+$0x0] =	vst.idx.add.f32.msk $0xffff, v7  }
0x165: {  	[tilespmem:v63+s3+$0x0] =	vst.idx.add.f32.msk $0xffff, v7  }
0x166: {  	[tilespmem:v18+s3+$0x0] =	vst.idx.add.f32.msk $0xffff, v7  }
0x167: {  	[tilespmem:v19+s3+$0x0] =	vst.idx.add.f32.msk $0xffff, v7  }
0x168: {  	[tilespmem:v20+s3+$0x0] =	vst.idx.add.f32.msk $0xffff, v7  }
0x169: {  	[tilespmem:v21+s3+$0x0] =	vst.idx.add.f32.msk $0xffff, v7  }
0x16a: {  	s4 =	simm.s32 $0x0;
	s5 =	simm.s32 $0x100;
	[tilespmem:v8+s2+$0x0] =	vst.idx.add.f32.msk $0xffff, v14  }
.LBB2_13:
0x16b: {  	v9 =	vld.idx.msk [tilespmem:v0+s5+$0x0 ss:$0x1], $0xffff  }
0x16c: {  	s4 =	sadd.s32 $0x8, s4;
	v10 =	vld.idx.msk [tilespmem:v4+s5+$0x10 ss:$0x1], $0xffff  }
0x16d: {  	p0 =	slt.u32 s4, $0x4D8;
	v11 =	vld.idx.msk [tilespmem:v3+s5+$0x0 ss:$0x1], $0xffff  }
0x16e: {  	v12 =	vld.idx.msk [tilespmem:v2+s5+$0x0 ss:$0x1], $0xffff  }
0x16f: {  	v13 =	vld.idx.msk [tilespmem:v5+s5+$0x80 ss:$0x1], $0xffff  }
0x170: {  	v14 =	vld.idx.msk [tilespmem:v1+s5+$0x0 ss:$0x1], $0xffff  }
0x171: {  	v15 =	vld.idx.msk [tilespmem:v0+s5+$0xFFFFFF80 ss:$0x1], $0xffff  }
0x172: {  	v16 =	vld.idx.msk [tilespmem:v6+s5+$0x80 ss:$0x1], $0xffff  }
0x173: {  	v9 =	vld.idx.msk [tilespmem:v9+s1+$0x0], $0xffff  }
0x174: {  	v17 =	vld.idx.msk [tilespmem:v4+s5+$0x0 ss:$0x1], $0xffff  }
0x175: {  	v10 =	vld.idx.msk [tilespmem:v10+s1+$0x0], $0xffff  }
0x176: {  	v11 =	vld.idx.msk [tilespmem:v11+s1+$0x0], $0xffff  }
0x177: {  	v12 =	vld.idx.msk [tilespmem:v12+s1+$0x0], $0xffff  }
0x178: {  	v13 =	vld.idx.msk [tilespmem:v13+s1+$0x0], $0xffff  }
0x179: {  	[tilespmem:v15+s2+$0x0] =	vst.idx.add.f32.msk $0xffff, v9  }
0x17a: {  	[tilespmem:v15+s3+$0x0] =	vst.idx.add.f32.msk $0xffff, v7  }
0x17b: {  	v9 =	vld.idx.msk [tilespmem:v14+s1+$0x0], $0xffff  }
0x17c: {  	v14 =	vld.idx.msk [tilespmem:v17+s1+$0x0], $0xffff  }
0x17d: {  	v15 =	vld.idx.msk [tilespmem:v16+s1+$0x0], $0xffff  }
0x17e: {  	v16 =	vld.idx.msk [tilespmem:v4+s5+$0xFFFFFF80 ss:$0x1], $0xffff  }
0x17f: {  	v17 =	vld.idx.msk [tilespmem:v4+s5+$0xFFFFFF90 ss:$0x1], $0xffff  }
0x180: {  	v18 =	vld.idx.msk [tilespmem:v3+s5+$0xFFFFFF80 ss:$0x1], $0xffff  }
0x181: {  	v19 =	vld.idx.msk [tilespmem:v2+s5+$0xFFFFFF80 ss:$0x1], $0xffff  }
0x182: {  	v20 =	vld.idx.msk [tilespmem:v5+s5+$0x0 ss:$0x1], $0xffff  }
0x183: {  	v21 =	vld.idx.msk [tilespmem:v1+s5+$0xFFFFFF80 ss:$0x1], $0xffff  }
0x184: {  	v22 =	vld.idx.msk [tilespmem:v6+s5+$0x0 ss:$0x1], $0xffff  }
0x185: {  	[tilespmem:v8+s3+$0x0] =	vst.idx.add.f32.msk $0xffff, v7  }
0x186: {  	[tilespmem:v16+s2+$0x0] =	vst.idx.add.f32.msk $0xffff, v14  }
0x187: {  	[tilespmem:v16+s3+$0x0] =	vst.idx.add.f32.msk $0xffff, v7  }
0x188: {  	[tilespmem:v17+s2+$0x0] =	vst.idx.add.f32.msk $0xffff, v10  }
0x189: {  	[tilespmem:v17+s3+$0x0] =	vst.idx.add.f32.msk $0xffff, v7;
	v8 =	vmov v22  }
0x18a: {  	[tilespmem:v18+s2+$0x0] =	vst.idx.add.f32.msk $0xffff, v11  }
0x18b: {  	[tilespmem:v18+s3+$0x0] =	vst.idx.add.f32.msk $0xffff, v7  }
0x18c: {  	[tilespmem:v19+s2+$0x0] =	vst.idx.add.f32.msk $0xffff, v12  }
0x18d: {  	[tilespmem:v19+s3+$0x0] =	vst.idx.add.f32.msk $0xffff, v7  }
.Ltmp6:
0x18e: {  	[tilespmem:v20+s2+$0x0] =	vst.idx.add.f32.msk $0xffff, v13;
	(pc) =	sbr.rel @p0 .LBB2_13-.Ltmp6, $4  }
0x18f: {  	[tilespmem:v20+s3+$0x0] =	vst.idx.add.f32.msk $0xffff, v7  }
0x190: {  	[tilespmem:v21+s2+$0x0] =	vst.idx.add.f32.msk $0xffff, v9  }
0x191: {  	[tilespmem:v21+s3+$0x0] =	vst.idx.add.f32.msk $0xffff, v7  }
0x192: {  	s5 =	sadd.s32 $0x100, s5;
	[tilespmem:v22+s2+$0x0] =	vst.idx.add.f32.msk $0xffff, v15  }
0x193: {  	[dreg:$0x11] =	wrdreg s9  }
0x194: {  	[dreg:$0x10] =	wrdreg s8  }
0x195: {  	[dreg:$0xf] =	wrdreg s7  }
0x196: {  	[dreg:$0xe] =	wrdreg s6  }
0x197: {  	[tilespmem:v8+s3+$0x0] =	vst.idx.add.f32.msk $0xffff, v7;
	v7 =	vmov s17;
	_ =	sdelay $0x2  }
0x198: {  	s1 =	simm.s32 $0x9D00;
	s2 =	simm.s32 $0xC500;
	v8 =	vimm.f32 $1.000000000e+00;
	s3 =	simm.s32 $0xED00  }
.LBB2_15:
0x199: {  	s4 =	sshra.s32 s0, $0x2  }
0x19a: {  	v9 =	vld.idx.msk [tilespmem:v7+s4+$0x9C80 ss:$0x1], $0xffff;
	_ =	sdelay $0x4  }
0x19b: {  	v10 =	vld.idx.msk [tilespmem:v7+s4+$0x9C00 ss:$0x1], $0xffff;
	_ =	sdelay $0x2  }
0x19c: {  	v9 =	vld.idx.msk [tilespmem:v9+s1+$0x0], $0xffff  }
0x19d: {  	p0 =	sne.s32 s0, $0x40  }
.Ltmp7:
0x19e: {  	_ = 	snop;
	(pc) =	sbr.rel @p0 .LBB2_15-.Ltmp7, $3  }
0x19f: {  	_ =	sdelay $0x1  }
0x1a0: {  	[tilespmem:v10+s2+$0x0] =	vst.idx.add.f32.msk $0xffff, v9  }
0x1a1: {  	s0 =	sadd.s32 $0x40, s0;
	[tilespmem:v10+s3+$0x0] =	vst.idx.add.f32.msk $0xffff, v8  }
0x1a2: {  	s17 =	sadd.s32 s22, s18  }
0x1a3: {  	s0 =	simm.s32 $0x80;
	s1 =	simm.s32 $0x400;
	s2 =	simm.s32 $0xC500  }
0x1a4: {  	[spmem:s17] =	stream.strided.scatter [tilespmem:s2], [sflag:$0x1], $0x2800, s1, s0, $0x38;
	[tilespmem:$0x1C000] =	vst v63  }
0x1a5: {  	s23 =	simm.s32 $0xED00;
	s24 =	simm.s32 $0x1  }
0x1a6: {  	[spmem:s21] =	stream.strided.scatter [tilespmem:s23], [sflag:$0x2], $0x2800, s1, s0, $0x38;
	[tilespmem:$0x1C000] =	vst v63  }
0x1a7: {  	_ =	swait.ge [sflag:s24], $0x2800  }
0x1a8: {  	[sflag:s24] =	ssyncset.done $0x0  }
0x1a9: {  	s25 =	simm.s32 $0x2;
	[sflag:s24] =	ssyncadd.s32 $0xFFFFD800  }
0x1aa: {  	_ =	swait.ge [sflag:s25], $0x2800  }
0x1ab: {  	[sflag:s25] =	ssyncset.done $0x0  }
0x1ac: {  	s18 =	sadd.s32 s20, s18;
	s26 =	simm.s32 $0x1400;
	[sflag:s25] =	ssyncadd.s32 $0xFFFFD800  }
0x1ad: {  	s3 =	simm.s32 $0x14000;
	s4 =	simm.s32 $0x11500;
	[bflag:$0x0] =	sbarrier.arrive $0xFFFF  }
0x1ae: {  	[tilespmem:s4], [sflag:$0x1] =	stream.strided.gather [spmem:s18], $0x2800, s3, s26, $0x38;
	[tilespmem:$0x1C000] =	vst v63  }
0x1af: {  	s5 =	simm.s32 $0x13D00  }
0x1b0: {  	[tilespmem:s5], [sflag:$0x2] =	stream.strided.gather [spmem:s19], $0x2800, s3, s26, $0x38;
	[tilespmem:$0x1C000] =	vst v63  }
0x1b1: {  	_ =	swait.ge [sflag:s25], $0x2800  }
0x1b2: {  	[sflag:s25] =	ssyncset.done $0x0  }
0x1b3: {  	s23 =	simm.s32 $0x0;
	[sflag:s25] =	ssyncadd.s32 $0xFFFFD800  }
0x1b4: {  	s28 =	sand.u32 $0x1C00, s23;
	_ =	swait.ge [sflag:s24], $0x2800  }
0x1b5: {  	s29 =	sand.u32 $0x60, s23;
	s6 =	sadd.s32 $0x13D00, s28;
	[sflag:s24] =	ssyncset.done $0x0  }
0x1b6: {  	s7 =	sor.u32 s29, s6;
	[sflag:s24] =	ssyncadd.s32 $0xFFFFD800  }
0x1b7: {  	v8 =	vld [tilespmem:s7+$0x0]  }
0x1b8: {  	v9 =	vld [tilespmem:s7+$0x80]  }
0x1b9: {  	s24 =	sor.u32 $0x10, s29;
	v10 =	vld [tilespmem:s7+$0x100]  }
0x1ba: {  	s1 =	sor.u32 s24, s6;
	v12 =	vld [tilespmem:s7+$0x180]  }
0x1bb: {  	v11 =	vld [tilespmem:s1+$0x0]  }
0x1bc: {  	v13 =	vld [tilespmem:s1+$0x80]  }
0x1bd: {  	v14 =	vld [tilespmem:s1+$0x100];
	v8 =	vadd.f32 v9, v8  }
0x1be: {  	v9 =	vld [tilespmem:s7+$0x200]  }
0x1bf: {  	v15 =	vld [tilespmem:s1+$0x180];
	v8 =	vadd.f32 v10, v8  }
0x1c0: {  	v10 =	vld [tilespmem:s7+$0x280]  }
0x1c1: {  	v16 =	vld [tilespmem:s1+$0x200];
	v8 =	vadd.f32 v12, v8  }
0x1c2: {  	v12 =	vld [tilespmem:s7+$0x300]  }
0x1c3: {  	v17 =	vld [tilespmem:s1+$0x280];
	v8 =	vadd.f32 v9, v8  }
0x1c4: {  	s8 =	sadd.s32 $0x15100, s28;
	v9 =	vld [tilespmem:s7+$0x380]  }
0x1c5: {  	s9 =	sor.u32 s29, s8;
	v18 =	vld [tilespmem:s1+$0x300];
	v8 =	vadd.f32 v10, v8  }
0x1c6: {  	s10 =	sadd.s32 $0x15180, s28;
	v10 =	vld [tilespmem:s9+$0x0]  }
0x1c7: {  	s11 =	sor.u32 s29, s10;
	v19 =	vld [tilespmem:s1+$0x380];
	v8 =	vadd.f32 v12, v8  }
0x1c8: {  	s12 =	sadd.s32 $0x15200, s28;
	s0 =	sor.u32 s24, s8;
	v12 =	vld [tilespmem:s11+$0x0]  }
0x1c9: {  	s13 =	sor.u32 s29, s12;
	v20 =	vld [tilespmem:s0+$0x0];
	v8 =	vadd.f32 v9, v8  }
0x1ca: {  	s14 =	sadd.s32 $0x15280, s28;
	s2 =	sor.u32 s24, s10;
	v9 =	vld [tilespmem:s13+$0x0]  }
0x1cb: {  	s19 =	sor.u32 s29, s14;
	v21 =	vld [tilespmem:s2+$0x0];
	v8 =	vadd.f32 v10, v8  }
0x1cc: {  	s20 =	sadd.s32 $0x15300, s28;
	s3 =	sor.u32 s24, s12;
	v10 =	vld [tilespmem:s19+$0x0]  }
0x1cd: {  	s21 =	sor.u32 s29, s20;
	v22 =	vld [tilespmem:s3+$0x0];
	v8 =	vadd.f32 v12, v8  }
0x1ce: {  	s22 =	sadd.s32 $0x15380, s28;
	s1 =	sor.u32 s24, s14;
	v12 =	vld [tilespmem:s21+$0x0]  }
0x1cf: {  	s25 =	sor.u32 s29, s22;
	v23 =	vld [tilespmem:s1+$0x0];
	v8 =	vadd.f32 v9, v8  }
0x1d0: {  	s26 =	sadd.s32 $0x15400, s28;
	s0 =	sor.u32 s24, s20;
	v9 =	vld [tilespmem:s25+$0x0]  }
0x1d1: {  	s4 =	sor.u32 s29, s26;
	v24 =	vld [tilespmem:s0+$0x0];
	v8 =	vadd.f32 v10, v8  }
0x1d2: {  	s5 =	sadd.s32 $0x15480, s28;
	s8 =	simm.s32 $0x100;
	s2 =	sor.u32 s24, s22;
	v10 =	vld [tilespmem:s4+$0x0]  }
0x1d3: {  	s6 =	sor.u32 s29, s5;
	v25 =	vld [tilespmem:s2+$0x0];
	v11 =	vadd.f32 v13, v11;
	s19 =	simm.s32 $0x20;
	s25 =	sand.u32 $0x1C00, s8;
	v8 =	vadd.f32 v12, v8  }
0x1d4: {  	s3 =	sor.u32 s24, s26;
	s26 =	sand.u32 $0x60, s19;
	s9 =	sadd.s32 $0x13D00, s25;
	v12 =	vld [tilespmem:s6+$0x0]  }
0x1d5: {  	v26 =	vld [tilespmem:s3+$0x0];
	v11 =	vadd.f32 v14, v11;
	s20 =	sor.u32 $0x10, s26;
	s10 =	sor.u32 s26, s9;
	v8 =	vadd.f32 v9, v8  }
0x1d6: {  	s0 =	sor.u32 s20, s9;
	v13 =	vld [tilespmem:s10+$0x0]  }
0x1d7: {  	v11 =	vadd.f32 v15, v11;
	v14 =	vld [tilespmem:s0+$0x0];
	v8 =	vadd.f32 v10, v8  }
0x1d8: {  	v15 =	vld [tilespmem:s10+$0x100]  }
0x1d9: {  	v11 =	vadd.f32 v16, v11;
	v8 =	vadd.f32 v12, v8;
	v12 =	vld [tilespmem:s10+$0x80]  }
0x1da: {  	v16 =	vld [tilespmem:s0+$0x80]  }
0x1db: {  	v11 =	vadd.f32 v17, v11;
	v28 =	vld [tilespmem:s10+$0x180];
	v8 =	vmax.f32 v8, $1.000000000e+00  }
0x1dc: {  	v17 =	vld [tilespmem:s10+$0x200];
	v27 =	vshrl.u32 v8, $0x1;
	v8 =	vmul.f32 $5.000000000e-01, v8  }
0x1dd: {  	v11 =	vadd.f32 v18, v11;
	v18 =	vld [tilespmem:s10+$0x280];
	v27 =	vsub.s32 $0x5F3759DF, v27  }
0x1de: {  	v29 =	vmul.f32 v27, v8;
	v12 =	vadd.f32 v12, v13;
	v13 =	vld [tilespmem:s0+$0x100]  }
0x1df: {  	v11 =	vadd.f32 v19, v11;
	v19 =	vld [tilespmem:s0+$0x200]  }
0x1e0: {  	v29 =	vmul.f32 v27, v29;
	v12 =	vadd.f32 v15, v12;
	v15 =	vld [tilespmem:s0+$0x180]  }
0x1e1: {  	s7 =	sand.u32 $0x380, s23;
	v40 =	vld [tilespmem:s10+$0x300];
	v14 =	vadd.f32 v16, v14  }
0x1e2: {  	s3 =	sor.u32 s7, s24;
	v41 =	vld [tilespmem:s0+$0x380];
	v29 =	vsub.f32 $1.500000000e+00, v29;
	v12 =	vadd.f32 v28, v12  }
0x1e3: {  	v11 =	vadd.f32 v20, v11;
	v9 =	vld [tilespmem:s3+$0x16500];
	v13 =	vadd.f32 v13, v14  }
0x1e4: {  	v16 =	vmul.f32 v27, v29;
	v12 =	vadd.f32 v17, v12;
	v17 =	vld [tilespmem:s0+$0x280]  }
0x1e5: {  	v11 =	vadd.f32 v21, v11;
	s11 =	sadd.s32 $0x15100, s25;
	v14 =	vld [tilespmem:s10+$0x380];
	v13 =	vadd.f32 v15, v13  }
0x1e6: {  	s12 =	sor.u32 s26, s11;
	v20 =	vmul.f32 v16, v8;
	v12 =	vadd.f32 v18, v12;
	v18 =	vld [tilespmem:s0+$0x300]  }
0x1e7: {  	s1 =	sor.u32 s24, s5;
	s13 =	sadd.s32 $0x15180, s25;
	v11 =	vadd.f32 v22, v11;
	v15 =	vld [tilespmem:s12+$0x0];
	v13 =	vadd.f32 v19, v13  }
0x1e8: {  	s14 =	sor.u32 s26, s13;
	v10 =	vld [tilespmem:s1+$0x0];
	v20 =	vmul.f32 v20, v16;
	v12 =	vadd.f32 v40, v12  }
0x1e9: {  	s22 =	sadd.s32 $0x15200, s25;
	s21 =	sor.u32 s20, s11;
	v11 =	vadd.f32 v23, v11;
	v19 =	vld [tilespmem:s14+$0x0];
	v13 =	vadd.f32 v17, v13  }
0x1ea: {  	s5 =	sor.u32 s26, s22;
	v20 =	vsub.f32 $1.500000000e+00, v20;
	v12 =	vadd.f32 v14, v12;
	v14 =	vld [tilespmem:s21+$0x0]  }
0x1eb: {  	s7 =	sadd.s32 $0x15280, s25;
	s6 =	sor.u32 s20, s13;
	v11 =	vadd.f32 v24, v11;
	v17 =	vld [tilespmem:s5+$0x0];
	v13 =	vadd.f32 v18, v13  }
0x1ec: {  	s8 =	sor.u32 s26, s7;
	s10 =	sadd.s32 $0x15300, s25;
	v16 =	vmul.f32 v20, v16;
	v12 =	vadd.f32 v15, v12;
	v15 =	vld [tilespmem:s6+$0x0]  }
0x1ed: {  	v11 =	vadd.f32 v25, v11;
	s11 =	sor.u32 s26, s10;
	v18 =	vld [tilespmem:s8+$0x0];
	v13 =	vadd.f32 v41, v13  }
0x1ee: {  	s9 =	sor.u32 s20, s22;
	s13 =	sadd.s32 $0x15380, s25;
	v20 =	vld [tilespmem:s11+$0x0];
	v8 =	vmul.f32 v16, v8;
	v12 =	vadd.f32 v19, v12  }
0x1ef: {  	v11 =	vadd.f32 v26, v11;
	s14 =	sor.u32 s26, s13;
	v19 =	vld [tilespmem:s9+$0x0];
	v13 =	vadd.f32 v14, v13  }
0x1f0: {  	s22 =	sadd.s32 $0x15400, s25;
	s12 =	sor.u32 s20, s7;
	v14 =	vld [tilespmem:s14+$0x0];
	v8 =	vmul.f32 v8, v16;
	v12 =	vadd.f32 v17, v12  }
0x1f1: {  	v11 =	vadd.f32 v10, v11;
	s5 =	sor.u32 s26, s22;
	v17 =	vld [tilespmem:s12+$0x0];
	v13 =	vadd.f32 v15, v13  }
0x1f2: {  	s21 =	sor.u32 s20, s10;
	v15 =	vld [tilespmem:s5+$0x0];
	v8 =	vsub.f32 $1.500000000e+00, v8;
	v12 =	vadd.f32 v18, v12  }
0x1f3: {  	s2 =	simm.s32 $0x40;
	v11 =	vmax.f32 v11, $1.000000000e+00;
	s7 =	sadd.s32 $0x15480, s25;
	s6 =	sor.u32 s20, s13;
	v18 =	vld [tilespmem:s21+$0x0]  }
0x1f4: {  	s1 =	sor.u32 s20, s22;
	s22 =	simm.s32 $0x200;
	s8 =	sor.u32 s26, s7;
	v13 =	vadd.f32 v19, v13;
	v10 =	vmul.f32 v8, v16;
	v8 =	vadd.f32 v20, v12;
	v12 =	vld [tilespmem:s6+$0x0]  }
0x1f5: {  	s10 =	sand.u32 $0x380, s19;
	s11 =	sor.u32 s20, s7;
	s5 =	sand.u32 $0x1C00, s22;
	v19 =	vshrl.u32 v11, $0x1;
	v16 =	vld [tilespmem:s8+$0x0]  }
0x1f6: {  	s4 =	sand.u32 $0x60, s2;
	s31 =	sor.u32 s10, s20;
	v42 =	vld [tilespmem:s11+$0x0];
	s10 =	sadd.s32 $0x15200, s5;
	v20 =	vmul.f32 $5.000000000e-01, v11;
	v13 =	vadd.f32 v17, v13;
	v8 =	vadd.f32 v14, v8  }
0x1f7: {  	s12 =	sadd.s32 $0x13D00, s5;
	s11 =	sor.u32 s4, s10;
	v17 =	vld [tilespmem:s1+$0x0];
	v14 =	vsub.s32 $0x5F3759DF, v19  }
0x1f8: {  	s6 =	sor.u32 s4, s12;
	v59 =	vld [tilespmem:s11+$0x0];
	v19 =	vmul.f32 v14, v20;
	v13 =	vadd.f32 v18, v13;
	v15 =	vadd.f32 v15, v8  }
0x1f9: {  	v47 =	vld [tilespmem:s6+$0x200]  }
0x1fa: {  	s0 =	sor.u32 $0x10, s4;
	v18 =	vmul.f32 v14, v19;
	v19 =	vld [tilespmem:s6+$0x0];
	v12 =	vadd.f32 v12, v13;
	v15 =	vadd.f32 v16, v15  }
0x1fb: {  	s1 =	sor.u32 s0, s12;
	v13 =	vld [tilespmem:s6+$0x80]  }
0x1fc: {  	v44 =	vld [tilespmem:s1+$0x80];
	v12 =	vadd.f32 v17, v12;
	v15 =	vmax.f32 v15, $1.000000000e+00  }
0x1fd: {  	v16 =	vsub.f32 $1.500000000e+00, v18;
	v17 =	vld [tilespmem:s6+$0x100];
	v43 =	vshrl.u32 v15, $0x1;
	v15 =	vmul.f32 $5.000000000e-01, v15  }
0x1fe: {  	v18 =	vld [tilespmem:s1+$0x0];
	v12 =	vadd.f32 v42, v12;
	v22 =	vsub.s32 $0x5F3759DF, v43  }
0x1ff: {  	v14 =	vmul.f32 v14, v16;
	v16 =	vld [tilespmem:s6+$0x180];
	v45 =	vmul.f32 v22, v15  }
0x200: {  	v13 =	vadd.f32 v13, v19;
	v19 =	vld [tilespmem:s1+$0x100];
	v12 =	vmax.f32 v12, $1.000000000e+00  }
0x201: {  	v50 =	vld [tilespmem:s6+$0x280];
	v48 =	vshrl.u32 v12, $0x1;
	v49 =	vmul.f32 $5.000000000e-01, v12;
	v21 =	vmul.f32 v22, v45  }
0x202: {  	v12 =	vadd.f32 v17, v13;
	v13 =	vld [tilespmem:s1+$0x180];
	v17 =	vsub.s32 $0x5F3759DF, v48  }
0x203: {  	v54 =	vld [tilespmem:s6+$0x380];
	v18 =	vadd.f32 v44, v18;
	v51 =	vmul.f32 v17, v49;
	v21 =	vsub.f32 $1.500000000e+00, v21  }
0x204: {  	v46 =	vmul.f32 v14, v20;
	v12 =	vadd.f32 v16, v12;
	v16 =	vld [tilespmem:s1+$0x200]  }
0x205: {  	s14 =	sadd.s32 $0x15180, s5;
	v18 =	vadd.f32 v19, v18;
	v19 =	vld [tilespmem:s6+$0x300];
	v52 =	vmul.f32 v17, v51;
	v21 =	vmul.f32 v22, v21  }
0x206: {  	s8 =	sor.u32 s4, s14;
	v53 =	vld [tilespmem:s1+$0x280];
	v24 =	vmul.f32 v46, v14;
	v12 =	vadd.f32 v47, v12  }
0x207: {  	s13 =	sadd.s32 $0x15100, s5;
	v56 =	vld [tilespmem:s8+$0x0];
	v13 =	vadd.f32 v13, v18;
	v22 =	vsub.f32 $1.500000000e+00, v52;
	v18 =	vmul.f32 v21, v15  }
0x208: {  	s7 =	sor.u32 s4, s13;
	v55 =	vld [tilespmem:s1+$0x300];
	v24 =	vsub.f32 $1.500000000e+00, v24;
	v12 =	vadd.f32 v50, v12  }
0x209: {  	s21 =	simm.s32 $0x16A00;
	v13 =	vadd.f32 v16, v13;
	v16 =	vld [tilespmem:s7+$0x0];
	v17 =	vmul.f32 v17, v22;
	v18 =	vmul.f32 v18, v21  }
0x20a: {  	s9 =	simm.s32 $0x16500;
	[tilespmem:s21+$0x0] =	vst v10;
	v14 =	vmul.f32 v24, v14;
	v12 =	vadd.f32 v19, v12;
	v19 =	vld [tilespmem:s1+$0x380]  }
0x20b: {  	v11 =	vld [tilespmem:s9+$0x0];
	s9 =	sor.u32 s0, s13;
	v13 =	vadd.f32 v53, v13;
	v57 =	vmul.f32 v17, v49;
	v18 =	vsub.f32 $1.500000000e+00, v18  }
0x20c: {  	v58 =	vld [tilespmem:s9+$0x0];
	v20 =	vmul.f32 v14, v20;
	v12 =	vadd.f32 v54, v12  }
0x20d: {  	s12 =	sor.u32 s0, s14;
	s13 =	sadd.s32 $0x15280, s5;
	v8 =	vld [tilespmem:s31+$0x16500];
	v13 =	vadd.f32 v55, v13;
	v23 =	vmul.f32 v57, v17;
	v18 =	vmul.f32 v18, v21  }
0x20e: {  	s14 =	sor.u32 s4, s13;
	v20 =	vmul.f32 v20, v14;
	v12 =	vadd.f32 v16, v12;
	v16 =	vld [tilespmem:s12+$0x0]  }
0x20f: {  	s9 =	sor.u32 s0, s10;
	s10 =	sadd.s32 $0x15300, s5;
	v13 =	vadd.f32 v19, v13;
	v19 =	vld [tilespmem:s14+$0x0];
	v23 =	vsub.f32 $1.500000000e+00, v23;
	v15 =	vmul.f32 v18, v15  }
0x210: {  	v60 =	vld [tilespmem:s9+$0x0];
	v20 =	vsub.f32 $1.500000000e+00, v20;
	s12 =	sor.u32 s4, s10;
	v22 =	vadd.f32 v56, v12  }
0x211: {  	s13 =	sor.u32 s0, s13;
	v61 =	vld [tilespmem:s12+$0x0];
	s14 =	sadd.s32 $0x15380, s5;
	v13 =	vadd.f32 v58, v13;
	v12 =	vmul.f32 v23, v17;
	v15 =	vmul.f32 v15, v18  }
0x212: {  	v14 =	vmul.f32 v20, v14;
	v20 =	vld [tilespmem:s13+$0x0];
	s11 =	sor.u32 s4, s14;
	v17 =	vadd.f32 v59, v22  }
0x213: {  	s9 =	sadd.s32 $0x15400, s5;
	s6 =	sor.u32 s0, s10;
	v62 =	vld [tilespmem:s11+$0x0];
	v16 =	vadd.f32 v16, v13;
	v23 =	vmul.f32 v12, v49;
	v15 =	vsub.f32 $1.500000000e+00, v15  }
0x214: {  	s30 =	simm.s32 $0x2;
	v10 =	vmul.f32 v10, v11;
	s7 =	simm.s32 $0x4;
	s10 =	sor.u32 s4, s9;
	v63 =	vmul.f32 v14, v9;
	v13 =	vld [tilespmem:s6+$0x0];
	v17 =	vadd.f32 v19, v17  }
0x215: {  	s1 =	simm.s32 $0x16780;
	s5 =	sadd.s32 $0x15480, s5;
	s12 =	sor.u32 s0, s14;
	[tilespmem:s3+$0x16A00] =	vst v14;
	v14 =	vld [tilespmem:s10+$0x0];
	v19 =	vadd.f32 v60, v16;
	v11 =	vmul.f32 v23, v12;
	v9 =	vmul.f32 v15, v18  }
0x216: {  	[tilespmem:s1+$0x0] =	vst v10;
	s13 =	sand.u32 $0x380, s2;
	s14 =	sor.u32 s4, s5;
	s4 =	simm.s32 $0x16A20;
	v18 =	vadd.f32 v61, v17;
	v15 =	vld [tilespmem:s12+$0x0]  }
0x217: {  	s11 =	sor.u32 s0, s9;
	s10 =	sor.u32 s0, s5;
	s6 =	simm.s32 $0x16520;
	v16 =	vld [tilespmem:s14+$0x0];
	v17 =	vadd.f32 v20, v19;
	v11 =	vsub.f32 $1.500000000e+00, v11;
	[tilespmem:s4+$0x0] =	vst v9  }
0x218: {  	s5 =	simm.s32 $0x16780;
	[tilespmem:s3+$0x16780] =	vst v63;
	s3 =	sor.u32 s13, s0;
	s0 =	simm.s32 $0x300;
	v18 =	vadd.f32 v62, v18;
	v10 =	vld [tilespmem:s6+$0x0]  }
.LBB2_17:
0x219: {  	s9 =	sand.u32 $0x1C00, s0;
	v13 =	vadd.f32 v13, v17;
	v17 =	vld [tilespmem:s11+$0x0];
	s2 =	sadd.s32 $0x20, s2;
	v11 =	vmul.f32 v11, v12  }
0x21a: {  	s7 =	sadd.s32 $0x2, s7;
	s8 =	sand.u32 $0x60, s2;
	s11 =	sadd.s32 $0x13D00, s9;
	v12 =	vadd.f32 v14, v18;
	v14 =	vld [tilespmem:s10+$0x0]  }
0x21b: {  	p0 =	slt.u32 s7, $0x26;
	s12 =	sor.u32 s8, s11;
	s10 =	sor.u32 $0x10, s8;
	v13 =	vadd.f32 v15, v13;
	[tilespmem:s31+$0x16A00] =	vst v11;
	v11 =	vmul.f32 v11, v8;
	v8 =	vld [tilespmem:s3+$0x16500]  }
0x21c: {  	s13 =	sand.u32 $0x380, s2;
	v15 =	vld [tilespmem:s12+$0x0];
	s11 =	sor.u32 s10, s11;
	v12 =	vadd.f32 v16, v12  }
0x21d: {  	v16 =	vld [tilespmem:s12+$0x80];
	v9 =	vmul.f32 v9, v10;
	[tilespmem:s31+$0x16780] =	vst v11;
	s31 =	smov.u32 s3;
	s3 =	sor.u32 s13, s10  }
0x21e: {  	s5 =	sadd.s32 $0x20, s5;
	v10 =	vld [tilespmem:s11+$0x0];
	v11 =	vmax.f32 v12, $1.000000000e+00;
	v12 =	vadd.f32 v17, v13  }
0x21f: {  	v13 =	vld [tilespmem:s12+$0x100];
	v17 =	vshrl.u32 v11, $0x1;
	v11 =	vmul.f32 $5.000000000e-01, v11;
	[tilespmem:s5+$0x0] =	vst v9  }
0x220: {  	v9 =	vld [tilespmem:s11+$0x80];
	v17 =	vsub.s32 $0x5F3759DF, v17;
	v12 =	vadd.f32 v14, v12  }
0x221: {  	v14 =	vld [tilespmem:s12+$0x180];
	v18 =	vmul.f32 v17, v11  }
0x222: {  	v15 =	vadd.f32 v16, v15;
	v16 =	vld [tilespmem:s11+$0x100];
	v12 =	vmax.f32 v12, $1.000000000e+00  }
0x223: {  	v19 =	vld [tilespmem:s12+$0x200];
	v18 =	vmul.f32 v17, v18;
	v20 =	vshrl.u32 v12, $0x1;
	v21 =	vmul.f32 $5.000000000e-01, v12  }
0x224: {  	v12 =	vadd.f32 v13, v15;
	v13 =	vld [tilespmem:s11+$0x180];
	v15 =	vsub.s32 $0x5F3759DF, v20  }
0x225: {  	v20 =	vld [tilespmem:s12+$0x280];
	v9 =	vadd.f32 v9, v10;
	v10 =	vsub.f32 $1.500000000e+00, v18;
	v18 =	vmul.f32 v15, v21  }
0x226: {  	v12 =	vadd.f32 v14, v12;
	v14 =	vld [tilespmem:s11+$0x200]  }
0x227: {  	v22 =	vld [tilespmem:s12+$0x300];
	v9 =	vadd.f32 v16, v9;
	v10 =	vmul.f32 v17, v10;
	v16 =	vmul.f32 v15, v18  }
0x228: {  	v12 =	vadd.f32 v19, v12;
	v17 =	vld [tilespmem:s11+$0x280]  }
0x229: {  	v18 =	vld [tilespmem:s12+$0x380];
	s12 =	sadd.s32 $0x15100, s9;
	v9 =	vadd.f32 v13, v9;
	v13 =	vmul.f32 v10, v11;
	v16 =	vsub.f32 $1.500000000e+00, v16  }
0x22a: {  	v12 =	vadd.f32 v20, v12;
	s13 =	sor.u32 s8, s12;
	v19 =	vld [tilespmem:s11+$0x300];
	s12 =	sor.u32 s10, s12  }
0x22b: {  	v20 =	vld [tilespmem:s13+$0x0];
	s13 =	sadd.s32 $0x15180, s9;
	v9 =	vadd.f32 v14, v9;
	v13 =	vmul.f32 v13, v10;
	v14 =	vmul.f32 v15, v16  }
0x22c: {  	v12 =	vadd.f32 v22, v12;
	s14 =	sor.u32 s8, s13;
	v15 =	vld [tilespmem:s11+$0x380];
	s11 =	sor.u32 s10, s13  }
0x22d: {  	s13 =	sadd.s32 $0x15200, s9;
	v16 =	vld [tilespmem:s14+$0x0];
	v9 =	vadd.f32 v17, v9;
	v13 =	vsub.f32 $1.500000000e+00, v13;
	v17 =	vmul.f32 v14, v21  }
0x22e: {  	s14 =	sor.u32 s8, s13;
	v12 =	vadd.f32 v18, v12;
	v18 =	vld [tilespmem:s12+$0x0];
	s12 =	sor.u32 s10, s13  }
0x22f: {  	s13 =	sadd.s32 $0x15280, s9;
	v22 =	vld [tilespmem:s14+$0x0];
	v9 =	vadd.f32 v19, v9;
	v10 =	vmul.f32 v13, v10;
	v13 =	vmul.f32 v17, v14  }
0x230: {  	s14 =	sor.u32 s8, s13;
	v12 =	vadd.f32 v20, v12;
	v17 =	vld [tilespmem:s11+$0x0];
	s11 =	sor.u32 s10, s13  }
0x231: {  	s13 =	sadd.s32 $0x15300, s9;
	v19 =	vld [tilespmem:s14+$0x0];
	v9 =	vadd.f32 v15, v9;
	v11 =	vmul.f32 v10, v11;
	v13 =	vsub.f32 $1.500000000e+00, v13  }
0x232: {  	s14 =	sor.u32 s8, s13;
	v15 =	vadd.f32 v16, v12;
	v16 =	vld [tilespmem:s12+$0x0];
	s12 =	sor.u32 s10, s13  }
0x233: {  	s13 =	sadd.s32 $0x15380, s9;
	v20 =	vld [tilespmem:s14+$0x0];
	v9 =	vadd.f32 v18, v9;
	v11 =	vmul.f32 v11, v10;
	v12 =	vmul.f32 v13, v14  }
0x234: {  	s14 =	sor.u32 s8, s13;
	s13 =	sor.u32 s10, s13;
	v13 =	vadd.f32 v22, v15;
	v18 =	vld [tilespmem:s11+$0x0]  }
0x235: {  	s11 =	sadd.s32 $0x15400, s9;
	v22 =	vld [tilespmem:s14+$0x0];
	v9 =	vadd.f32 v17, v9;
	v11 =	vsub.f32 $1.500000000e+00, v11;
	v15 =	vmul.f32 v12, v21  }
.Ltmp8:
0x236: {  	s14 =	sor.u32 s8, s11;
	s11 =	sor.u32 s10, s11;
	v17 =	vadd.f32 v19, v13;
	v13 =	vld [tilespmem:s12+$0x0];
	(pc) =	sbr.rel @p0 .LBB2_17-.Ltmp8, $4  }
0x237: {  	s9 =	sadd.s32 $0x15480, s9;
	v14 =	vld [tilespmem:s14+$0x0];
	v19 =	vadd.f32 v16, v9;
	v9 =	vmul.f32 v11, v10;
	v10 =	vmul.f32 v15, v12  }
0x238: {  	s4 =	sadd.s32 $0x20, s4;
	s8 =	sor.u32 s8, s9;
	s10 =	sor.u32 s10, s9;
	v20 =	vadd.f32 v20, v17;
	v15 =	vld [tilespmem:s13+$0x0]  }
0x239: {  	s6 =	sadd.s32 $0x20, s6;
	v16 =	vld [tilespmem:s8+$0x0];
	v17 =	vadd.f32 v18, v19;
	[tilespmem:s4+$0x0] =	vst v9;
	v11 =	vsub.f32 $1.500000000e+00, v10  }
0x23a: {  	s0 =	sadd.s32 $0x100, s0;
	v18 =	vadd.f32 v22, v20;
	v10 =	vld [tilespmem:s6+$0x0]  }
0x23b: {  	_ = 	snop  }
0x23c: {  	v19 =	vld [tilespmem:s11+$0x0];
	v14 =	vadd.f32 v14, v18  }
0x23d: {  	v13 =	vadd.f32 v13, v17  }
0x23e: {  	v17 =	vld [tilespmem:s10+$0x0];
	v14 =	vadd.f32 v16, v14  }
0x23f: {  	v13 =	vadd.f32 v15, v13  }
0x240: {  	v14 =	vmax.f32 v14, $1.000000000e+00  }
0x241: {  	v13 =	vadd.f32 v19, v13;
	v15 =	vshrl.u32 v14, $0x1;
	v14 =	vmul.f32 $5.000000000e-01, v14  }
0x242: {  	v15 =	vsub.s32 $0x5F3759DF, v15  }
0x243: {  	v13 =	vadd.f32 v17, v13;
	v16 =	vmul.f32 v15, v14;
	_ =	sdelay $0x1  }
0x244: {  	v13 =	vmax.f32 v13, $1.000000000e+00;
	v16 =	vmul.f32 v15, v16  }
0x245: {  	v17 =	vshrl.u32 v13, $0x1;
	v13 =	vmul.f32 $5.000000000e-01, v13  }
0x246: {  	v17 =	vsub.s32 $0x5F3759DF, v17;
	v16 =	vsub.f32 $1.500000000e+00, v16  }
0x247: {  	v44 =	vmul.f32 v17, v13  }
0x248: {  	v15 =	vmul.f32 v15, v16  }
0x249: {  	v16 =	vmul.f32 v17, v44  }
0x24a: {  	v45 =	vmul.f32 v15, v14  }
0x24b: {  	v16 =	vsub.f32 $1.500000000e+00, v16  }
0x24c: {  	v18 =	vmul.f32 v45, v15  }
0x24d: {  	v16 =	vmul.f32 v17, v16  }
0x24e: {  	v17 =	vsub.f32 $1.500000000e+00, v18  }
0x24f: {  	v46 =	vmul.f32 v16, v13  }
0x250: {  	v15 =	vmul.f32 v17, v15  }
0x251: {  	v17 =	vmul.f32 v46, v16  }
0x252: {  	v14 =	vmul.f32 v15, v14  }
0x253: {  	v17 =	vsub.f32 $1.500000000e+00, v17  }
0x254: {  	v14 =	vmul.f32 v14, v15  }
0x255: {  	v16 =	vmul.f32 v17, v16  }
0x256: {  	v14 =	vsub.f32 $1.500000000e+00, v14  }
0x257: {  	v13 =	vmul.f32 v16, v13  }
0x258: {  	v14 =	vmul.f32 v14, v15  }
0x259: {  	s0 =	sadd.s32 $0x20, s4;
	v13 =	vmul.f32 v13, v16  }
0x25a: {  	v11 =	vmul.f32 v11, v12;
	v12 =	vld [tilespmem:s3+$0x16500];
	s11 =	sadd.s32 $0x20, s6;
	[tilespmem:s0+$0x0] =	vst v14  }
0x25b: {  	v13 =	vsub.f32 $1.500000000e+00, v13;
	v15 =	vld [tilespmem:s11+$0x0]  }
0x25c: {  	v8 =	vmul.f32 v11, v8  }
0x25d: {  	[tilespmem:s31+$0x16A00] =	vst v11;
	v9 =	vmul.f32 v9, v10;
	v10 =	vmul.f32 v13, v16  }
0x25e: {  	s12 =	sadd.s32 $0x20, s5;
	[tilespmem:s31+$0x16780] =	vst v8  }
0x25f: {  	[tilespmem:s12+$0x0] =	vst v9;
	v8 =	vmul.f32 v10, v12  }
0x260: {  	[tilespmem:s3+$0x16A00] =	vst v10;
	v9 =	vmul.f32 v14, v15  }
0x261: {  	s2 =	sadd.s32 $0x11500, s28;
	s0 =	sadd.s32 $0x20, s12;
	[tilespmem:s3+$0x16780] =	vst v8  }
0x262: {  	s13 =	sor.u32 s29, s2;
	[tilespmem:s0+$0x0] =	vst v9  }
0x263: {  	v8 =	vld [tilespmem:s13+$0x0]  }
0x264: {  	v9 =	vld [tilespmem:s13+$0x80];
	_ =	sdelay $0x1  }
0x265: {  	v10 =	vld [tilespmem:s13+$0x100];
	_ =	sdelay $0x1  }
0x266: {  	v11 =	vld [tilespmem:s13+$0x180]  }
0x267: {  	v12 =	vld [tilespmem:s13+$0x280];
	v8 =	vadd.f32 v9, v8  }
0x268: {  	s2 =	sor.u32 s24, s2;
	v9 =	vld [tilespmem:s13+$0x200]  }
0x269: {  	v13 =	vld [tilespmem:s2+$0x80];
	v8 =	vadd.f32 v10, v8  }
0x26a: {  	v14 =	vld [tilespmem:s2+$0x100]  }
0x26b: {  	v15 =	vld [tilespmem:s2+$0x180];
	v8 =	vadd.f32 v11, v8  }
0x26c: {  	v10 =	vld [tilespmem:s13+$0x300]  }
0x26d: {  	v16 =	vld [tilespmem:s2+$0x200];
	v8 =	vadd.f32 v9, v8  }
0x26e: {  	s0 =	sadd.s32 $0x12900, s28;
	v9 =	vld [tilespmem:s13+$0x380]  }
0x26f: {  	s14 =	sor.u32 s29, s0;
	v17 =	vld [tilespmem:s2+$0x280];
	v8 =	vadd.f32 v12, v8  }
0x270: {  	s31 =	sadd.s32 $0x12980, s28;
	v12 =	vld [tilespmem:s14+$0x0]  }
0x271: {  	s8 =	sor.u32 s29, s31;
	v47 =	vld [tilespmem:s2+$0x300];
	v8 =	vadd.f32 v10, v8  }
0x272: {  	s4 =	sadd.s32 $0x12A00, s28;
	v10 =	vld [tilespmem:s8+$0x0]  }
0x273: {  	s9 =	sor.u32 s29, s4;
	v48 =	vld [tilespmem:s2+$0x380];
	v8 =	vadd.f32 v9, v8  }
0x274: {  	s10 =	sadd.s32 $0x12A80, s28;
	s3 =	sor.u32 s24, s31;
	v9 =	vld [tilespmem:s9+$0x0]  }
0x275: {  	s11 =	sor.u32 s29, s10;
	v21 =	vld [tilespmem:s3+$0x0];
	v8 =	vadd.f32 v12, v8  }
0x276: {  	s12 =	sadd.s32 $0x12B00, s28;
	s0 =	sor.u32 s24, s0;
	v12 =	vld [tilespmem:s11+$0x0]  }
0x277: {  	s7 =	sor.u32 s29, s12;
	v20 =	vld [tilespmem:s0+$0x0];
	v8 =	vadd.f32 v10, v8  }
0x278: {  	v10 =	vld [tilespmem:s7+$0x0];
	s7 =	sadd.s32 $0x12B80, s28  }
0x279: {  	s23 =	sand.u32 $0x380, s23;
	v11 =	vld [tilespmem:s2+$0x0];
	s8 =	sor.u32 s29, s7;
	v8 =	vadd.f32 v9, v8  }
0x27a: {  	s2 =	sor.u32 s23, s24;
	s13 =	sadd.s32 $0x12C00, s28;
	v9 =	vld [tilespmem:s8+$0x0]  }
0x27b: {  	v49 =	vld [tilespmem:s2+$0x16780];
	s14 =	sor.u32 s29, s13;
	v8 =	vadd.f32 v12, v8  }
0x27c: {  	s9 =	sor.u32 s24, s10;
	s28 =	sadd.s32 $0x12C80, s28;
	v12 =	vld [tilespmem:s14+$0x0]  }
0x27d: {  	v23 =	vld [tilespmem:s9+$0x0];
	s31 =	sor.u32 s29, s28;
	v8 =	vadd.f32 v10, v8  }
0x27e: {  	s10 =	sor.u32 s24, s12;
	v10 =	vld [tilespmem:s31+$0x0]  }
0x27f: {  	s12 =	sadd.s32 $0x11500, s25;
	v24 =	vld [tilespmem:s10+$0x0];
	v8 =	vadd.f32 v9, v8  }
0x280: {  	s3 =	sor.u32 s20, s12;
	v9 =	vld [tilespmem:s1+$0x0]  }
0x281: {  	v52 =	vld [tilespmem:s3+$0x80];
	v8 =	vadd.f32 v12, v8  }
0x282: {  	v53 =	vld [tilespmem:s3+$0x100]  }
0x283: {  	v11 =	vadd.f32 v13, v11;
	v55 =	vld [tilespmem:s3+$0x180];
	s14 =	sor.u32 s26, s12;
	v8 =	vadd.f32 v10, v8  }
0x284: {  	v25 =	vld [tilespmem:s14+$0x0]  }
0x285: {  	v11 =	vadd.f32 v14, v11;
	v14 =	vld [tilespmem:s14+$0x80];
	v9 =	vmul.f32 v8, v9  }
0x286: {  	v57 =	vld [tilespmem:s3+$0x200];
	s1 =	simm.s32 $0x16C80  }
0x287: {  	v26 =	vld [tilespmem:s14+$0x100];
	[tilespmem:s1+$0x0] =	vst v9;
	v9 =	vadd.f32 v15, v11  }
0x288: {  	v58 =	vld [tilespmem:s3+$0x280]  }
0x289: {  	v9 =	vadd.f32 v16, v9;
	v16 =	vld [tilespmem:s14+$0x180]  }
0x28a: {  	v60 =	vld [tilespmem:s3+$0x300];
	v14 =	vadd.f32 v14, v25  }
0x28b: {  	s11 =	sor.u32 s24, s13;
	s13 =	sor.u32 s24, s7;
	v9 =	vadd.f32 v17, v9;
	v17 =	vld [tilespmem:s14+$0x200]  }
0x28c: {  	v13 =	vld [tilespmem:s13+$0x0];
	v14 =	vadd.f32 v26, v14  }
0x28d: {  	v51 =	vld [tilespmem:s14+$0x280];
	v9 =	vadd.f32 v47, v9  }
0x28e: {  	v50 =	vld [tilespmem:s14+$0x300];
	v14 =	vadd.f32 v16, v14  }
0x28f: {  	s8 =	sor.u32 s24, s4;
	v16 =	vld [tilespmem:s3+$0x0];
	v9 =	vadd.f32 v48, v9  }
0x290: {  	s0 =	sor.u32 s24, s28;
	s28 =	sadd.s32 $0x12900, s25;
	v22 =	vld [tilespmem:s8+$0x0];
	v14 =	vadd.f32 v17, v14  }
0x291: {  	s9 =	sadd.s32 $0x12B00, s25;
	s29 =	sor.u32 s26, s28;
	v17 =	vld [tilespmem:s14+$0x380];
	v9 =	vadd.f32 v20, v9  }
0x292: {  	s13 =	sor.u32 s26, s9;
	v54 =	vld [tilespmem:s29+$0x0];
	s31 =	sadd.s32 $0x12980, s25;
	v14 =	vadd.f32 v51, v14  }
0x293: {  	v61 =	vld [tilespmem:s13+$0x0];
	s7 =	sor.u32 s26, s31;
	v9 =	vadd.f32 v21, v9  }
0x294: {  	v56 =	vld [tilespmem:s7+$0x0];
	v16 =	vadd.f32 v52, v16;
	v14 =	vadd.f32 v50, v14  }
0x295: {  	s8 =	sadd.s32 $0x12A00, s25;
	v12 =	vld [tilespmem:s0+$0x0];
	v9 =	vadd.f32 v22, v9  }
0x296: {  	s10 =	sor.u32 s26, s8;
	v10 =	vld [tilespmem:s11+$0x0];
	v16 =	vadd.f32 v53, v16;
	v14 =	vadd.f32 v17, v14  }
0x297: {  	s0 =	sor.u32 s20, s28;
	s11 =	sadd.s32 $0x12A80, s25;
	v17 =	vld [tilespmem:s10+$0x0];
	v9 =	vadd.f32 v23, v9  }
0x298: {  	v62 =	vld [tilespmem:s0+$0x0];
	s12 =	sor.u32 s26, s11;
	v16 =	vadd.f32 v55, v16;
	v14 =	vadd.f32 v54, v14  }
0x299: {  	v59 =	vld [tilespmem:s12+$0x0];
	v9 =	vadd.f32 v24, v9  }
0x29a: {  	v11 =	vld [tilespmem:s21+$0x0];
	v16 =	vadd.f32 v57, v16;
	v14 =	vadd.f32 v56, v14  }
0x29b: {  	s5 =	sadd.s32 $0x12B80, s25;
	v9 =	vadd.f32 v13, v9;
	v13 =	vld [tilespmem:s3+$0x380]  }
0x29c: {  	v15 =	vld [tilespmem:s2+$0x16A00];
	s14 =	sor.u32 s26, s5;
	v16 =	vadd.f32 v58, v16;
	v14 =	vadd.f32 v17, v14  }
0x29d: {  	s6 =	sadd.s32 $0x12C00, s25;
	s24 =	sadd.s32 $0x12C80, s25;
	s25 =	sor.u32 s20, s31;
	v17 =	vld [tilespmem:s14+$0x0];
	v9 =	vadd.f32 v10, v9  }
0x29e: {  	s23 =	sor.u32 s26, s6;
	v63 =	vld [tilespmem:s25+$0x0];
	v10 =	vadd.f32 v59, v14;
	v14 =	vadd.f32 v60, v16  }
0x29f: {  	s28 =	sor.u32 s26, s24;
	v8 =	vmul.f32 v11, v8;
	v16 =	vld [tilespmem:s23+$0x0];
	v9 =	vadd.f32 v12, v9  }
0x2a0: {  	s29 =	sor.u32 s20, s8;
	v12 =	vimm.f32 $0.0e+00;
	v11 =	vadd.f32 v61, v10;
	v13 =	vadd.f32 v13, v14;
	v10 =	vld [tilespmem:s28+$0x0]  }
0x2a1: {  	s0 =	simm.s32 $0x167A0;
	v8 =	vadd.f32 v8, v12;
	v12 =	vld [tilespmem:s29+$0x0];
	v14 =	vmul.f32 v15, v9  }
0x2a2: {  	s31 =	sor.u32 s20, s11;
	v9 =	vmul.f32 v9, v49;
	v15 =	vadd.f32 v17, v11;
	v11 =	vld [tilespmem:s0+$0x0];
	v17 =	vadd.f32 v62, v13  }
0x2a3: {  	s3 =	sor.u32 s20, s24;
	v13 =	vld [tilespmem:s31+$0x0];
	v8 =	vadd.f32 v14, v8  }
0x2a4: {  	s7 =	sor.u32 s20, s9;
	[tilespmem:s2+$0x16C80] =	vst v9;
	v9 =	vld [tilespmem:s3+$0x0];
	s2 =	simm.s32 $0x40;
	v14 =	vadd.f32 v16, v15;
	v15 =	vadd.f32 v63, v17  }
.LBB2_19:
0x2a5: {  	s3 =	sand.u32 $0x60, s2;
	s4 =	sand.u32 $0x1C00, s22;
	v16 =	vld [tilespmem:s7+$0x0];
	s6 =	sor.u32 s20, s6  }
0x2a6: {  	s30 =	sadd.s32 $0x2, s30;
	s5 =	sor.u32 s20, s5;
	s7 =	sadd.s32 $0x11500, s4;
	v10 =	vadd.f32 v10, v14;
	v12 =	vadd.f32 v12, v15;
	v14 =	vld [tilespmem:s6+$0x0]  }
0x2a7: {  	p0 =	slt.u32 s30, $0x26;
	s6 =	sor.u32 s3, s7;
	v15 =	vld [tilespmem:s5+$0x0]  }
0x2a8: {  	v17 =	vld [tilespmem:s6+$0x0];
	v11 =	vmul.f32 v10, v11;
	v12 =	vadd.f32 v13, v12  }
0x2a9: {  	s1 =	sadd.s32 $0x20, s1;
	v13 =	vld [tilespmem:s6+$0x80]  }
0x2aa: {  	s21 =	sadd.s32 $0x20, s21;
	s5 =	sand.u32 $0x380, s19;
	s19 =	smov.u32 s2;
	v18 =	vld [tilespmem:s6+$0x100];
	[tilespmem:s1+$0x0] =	vst v11;
	v11 =	vadd.f32 v16, v12  }
0x2ab: {  	s5 =	sor.u32 s5, s20;
	v12 =	vld [tilespmem:s21+$0x0]  }
0x2ac: {  	v11 =	vadd.f32 v15, v11;
	v15 =	vld [tilespmem:s5+$0x16A00]  }
0x2ad: {  	v16 =	vld [tilespmem:s6+$0x180]  }
0x2ae: {  	v13 =	vadd.f32 v13, v17;
	v11 =	vadd.f32 v14, v11;
	v14 =	vld [tilespmem:s5+$0x16780]  }
0x2af: {  	v17 =	vld [tilespmem:s6+$0x200]  }
0x2b0: {  	s20 =	sor.u32 $0x10, s3;
	v13 =	vadd.f32 v18, v13;
	v18 =	vld [tilespmem:s6+$0x300];
	v10 =	vmul.f32 v12, v10;
	v9 =	vadd.f32 v9, v11  }
0x2b1: {  	s7 =	sor.u32 s20, s7;
	v11 =	vld [tilespmem:s6+$0x280]  }
0x2b2: {  	v12 =	vadd.f32 v16, v13;
	v13 =	vld [tilespmem:s7+$0x0];
	v8 =	vadd.f32 v10, v8;
	v10 =	vmul.f32 v15, v9  }
0x2b3: {  	v15 =	vld [tilespmem:s7+$0x80];
	v9 =	vmul.f32 v9, v14  }
0x2b4: {  	s8 =	sadd.s32 $0x12900, s4;
	v12 =	vadd.f32 v17, v12;
	v14 =	vld [tilespmem:s6+$0x380];
	v8 =	vadd.f32 v10, v8  }
0x2b5: {  	s6 =	sor.u32 s3, s8;
	v10 =	vld [tilespmem:s7+$0x100];
	[tilespmem:s5+$0x16C80] =	vst v9  }
0x2b6: {  	s9 =	sadd.s32 $0x12980, s4;
	v9 =	vadd.f32 v11, v12;
	v11 =	vld [tilespmem:s6+$0x0]  }
0x2b7: {  	s5 =	sor.u32 s3, s9;
	v12 =	vld [tilespmem:s7+$0x180]  }
0x2b8: {  	s10 =	sadd.s32 $0x12A00, s4;
	v9 =	vadd.f32 v18, v9;
	v16 =	vld [tilespmem:s5+$0x0];
	v13 =	vadd.f32 v15, v13  }
0x2b9: {  	s5 =	sor.u32 s3, s10;
	v15 =	vld [tilespmem:s7+$0x200]  }
0x2ba: {  	s11 =	sadd.s32 $0x12A80, s4;
	v9 =	vadd.f32 v14, v9;
	v14 =	vld [tilespmem:s5+$0x0];
	v10 =	vadd.f32 v10, v13  }
0x2bb: {  	s5 =	sor.u32 s3, s11;
	v13 =	vld [tilespmem:s7+$0x280]  }
0x2bc: {  	s12 =	sadd.s32 $0x12B00, s4;
	v9 =	vadd.f32 v11, v9;
	v11 =	vld [tilespmem:s5+$0x0];
	v10 =	vadd.f32 v12, v10  }
0x2bd: {  	s5 =	sor.u32 s3, s12;
	v12 =	vld [tilespmem:s7+$0x300]  }
0x2be: {  	v9 =	vadd.f32 v16, v9;
	v16 =	vld [tilespmem:s5+$0x0];
	s5 =	sadd.s32 $0x12B80, s4;
	v10 =	vadd.f32 v15, v10  }
0x2bf: {  	s6 =	sor.u32 s3, s5;
	v15 =	vld [tilespmem:s7+$0x380]  }
0x2c0: {  	s7 =	sor.u32 s20, s8;
	v9 =	vadd.f32 v14, v9;
	v14 =	vld [tilespmem:s6+$0x0];
	s6 =	sadd.s32 $0x12C00, s4;
	v10 =	vadd.f32 v13, v10  }
0x2c1: {  	s8 =	sor.u32 s3, s6;
	v13 =	vld [tilespmem:s7+$0x0]  }
0x2c2: {  	s4 =	sadd.s32 $0x12C80, s4;
	s7 =	sor.u32 s20, s9;
	v9 =	vadd.f32 v11, v9;
	v17 =	vld [tilespmem:s8+$0x0];
	v11 =	vadd.f32 v12, v10  }
0x2c3: {  	s3 =	sor.u32 s3, s4;
	v18 =	vld [tilespmem:s7+$0x0]  }
.Ltmp9:
0x2c4: {  	v9 =	vadd.f32 v16, v9;
	v10 =	vld [tilespmem:s3+$0x0];
	v15 =	vadd.f32 v15, v11;
	s3 =	sor.u32 s20, s10;
	(pc) =	sbr.rel @p0 .LBB2_19-.Ltmp9, $4  }
0x2c5: {  	s0 =	sadd.s32 $0x20, s0;
	v12 =	vld [tilespmem:s3+$0x0]  }
0x2c6: {  	s3 =	sor.u32 s20, s11;
	v9 =	vadd.f32 v14, v9;
	v11 =	vld [tilespmem:s0+$0x0];
	v15 =	vadd.f32 v13, v15  }
0x2c7: {  	v13 =	vld [tilespmem:s3+$0x0];
	s3 =	sor.u32 s20, s4  }
0x2c8: {  	s22 =	sadd.s32 $0x100, s22;
	s2 =	sadd.s32 $0x20, s2;
	s7 =	sor.u32 s20, s12;
	v14 =	vadd.f32 v17, v9;
	v15 =	vadd.f32 v18, v15;
	v9 =	vld [tilespmem:s3+$0x0]  }
0x2c9: {  	v16 =	vld [tilespmem:s7+$0x0]  }
0x2ca: {  	s0 =	sor.u32 s20, s5;
	v10 =	vadd.f32 v10, v14;
	v12 =	vadd.f32 v12, v15  }
0x2cb: {  	v59 =	vld [tilespmem:s0+$0x0]  }
0x2cc: {  	s12 =	sor.u32 s20, s6;
	v11 =	vmul.f32 v10, v11;
	v12 =	vadd.f32 v13, v12  }
0x2cd: {  	s13 =	sadd.s32 $0x20, s1;
	v60 =	vld [tilespmem:s12+$0x0]  }
0x2ce: {  	s14 =	sadd.s32 $0x20, s21;
	[tilespmem:s13+$0x0] =	vst v11;
	v11 =	vadd.f32 v16, v12  }
0x2cf: {  	s19 =	sand.u32 $0x380, s19;
	v61 =	vld [tilespmem:s14+$0x0]  }
0x2d0: {  	s21 =	sor.u32 s19, s20;
	v11 =	vadd.f32 v59, v11  }
0x2d1: {  	v62 =	vld [tilespmem:s21+$0x16A00]  }
0x2d2: {  	v63 =	vld [tilespmem:s21+$0x16780];
	v11 =	vadd.f32 v60, v11;
	_ =	sdelay $0x1  }
0x2d3: {  	v10 =	vmul.f32 v61, v10;
	v9 =	vadd.f32 v9, v11;
	_ =	sdelay $0x1  }
0x2d4: {  	v8 =	vadd.f32 v10, v8;
	v10 =	vmul.f32 v62, v9  }
0x2d5: {  	v9 =	vmul.f32 v9, v63  }
0x2d6: {  	v8 =	vadd.f32 v10, v8  }
0x2d7: {  	s22 =	simm.s32 $0x0;
	[tilespmem:s21+$0x16C80] =	vst v9  }
0x2d8: {  	s26 =	simm.s32 $0x16C80;
	s31 =	simm.s32 $0x3;
	s23 =	rddreg [dreg:$0xb];
	[tilespmem:$0x16F80] =	vst v8  }
0x2d9: {  	[hbm4b:s23+s22] =	stream.linear.scatter [tilespmem:s26], [sflag:$0x3], $0x280, $0x38;
	[tilespmem:$0x1C000] =	vst v63  }
0x2da: {  	_ =	swait.ge [sflag:s31], $0x280  }
0x2db: {  	[sflag:s31] =	ssyncset.done $0x0  }
0x2dc: {  	[sflag:s31] =	ssyncadd.s32 $0xFFFFFD80  }
0x2dd: {  	[bflag:$0x0] =	sbarrier.arrive $0xFFFF  }
0x2de: {  	s24 =	rddreg [dreg:$0xc]  }
0x2df: {  	s25 =	rddreg [dreg:$0xd]  }
0x2e0: {  	s26 =	rddreg [dreg:$0xe]  }
0x2e1: {  	s28 =	rddreg [dreg:$0xf]  }
0x2e2: {  	[tilespmem:s24], [sflag:$0x1] =	stream.linear.gather [hbm4b:s25+s22], $0xA00, $0x38;
	[tilespmem:$0x1C000] =	vst v63  }
0x2e3: {  	s29 =	rddreg [dreg:$0x10]  }
0x2e4: {  	[tilespmem:s26], [sflag:$0x1] =	stream.linear.gather [hbm4b:s28+s22], $0xA00, $0x38;
	[tilespmem:$0x1C000] =	vst v63  }
0x2e5: {  	s30 =	rddreg [dreg:$0x11]  }
0x2e6: {  	[tilespmem:s29], [sflag:$0x1] =	stream.linear.gather [hbm4b:s30+s22], $0xA00, $0x38;
	[tilespmem:$0x1C000] =	vst v63  }
0x2e7: {  	s0 =	simm.s32 $0xC540  }
0x2e8: {  	v8 =	vimm.f32 $0.0e+00;
	[tilespmem:s15], [sflag:$0x1] =	stream.linear.gather [hbm4b:s16+s22], $0xA00, $0x38;
	[tilespmem:$0x1C000] =	vst v63  }
0x2e9: {  	[tilespmem:s0+$0xFFFFFFC0] =	vst v8  }
0x2ea: {  	[tilespmem:s0+$0x30] =	vst v8  }
0x2eb: {  	[tilespmem:s0+$0x20] =	vst v8  }
0x2ec: {  	[tilespmem:s0+$0x10] =	vst v8  }
0x2ed: {  	[tilespmem:s0+$0x0] =	vst v8  }
0x2ee: {  	[tilespmem:s0+$0xFFFFFFF0] =	vst v8  }
0x2ef: {  	s1 =	simm.s32 $0x0;
	[tilespmem:s0+$0xFFFFFFE0] =	vst v8  }
.LBB2_21:
0x2f0: {  	s1 =	sadd.s32 $0x8, s1;
	[tilespmem:s0+$0xFFFFFFD0] =	vst v8;
	s0 =	sadd.s32 $0x80, s0  }
0x2f1: {  	[tilespmem:s0+$0xFFFFFFC0] =	vst v8;
	p0 =	slt.u32 s1, $0x278  }
0x2f2: {  	[tilespmem:s0+$0x30] =	vst v8  }
.Ltmp10:
0x2f3: {  	[tilespmem:s0+$0x20] =	vst v8;
	(pc) =	sbr.rel @p0 .LBB2_21-.Ltmp10, $4  }
0x2f4: {  	[tilespmem:s0+$0x10] =	vst v8  }
0x2f5: {  	[tilespmem:s0+$0x0] =	vst v8  }
0x2f6: {  	[tilespmem:s0+$0xFFFFFFF0] =	vst v8  }
0x2f7: {  	[tilespmem:s0+$0xFFFFFFE0] =	vst v8  }
0x2f8: {  	[tilespmem:s0+$0xFFFFFFD0] =	vst v8;
	s31 =	simm.s32 $0x1  }
0x2f9: {  	_ =	swait.ge [sflag:s31], $0xA00  }
0x2fa: {  	[sflag:s31] =	ssyncset.done $0x0  }
0x2fb: {  	[sflag:s31] =	ssyncadd.s32 $0xFFFFF600  }
0x2fc: {  	_ =	swait.ge [sflag:s31], $0xA00  }
0x2fd: {  	[sflag:s31] =	ssyncset.done $0x0  }
0x2fe: {  	[sflag:s31] =	ssyncadd.s32 $0xFFFFF600  }
0x2ff: {  	_ =	swait.ge [sflag:s31], $0xA00  }
0x300: {  	[sflag:s31] =	ssyncset.done $0x0  }
0x301: {  	[sflag:s31] =	ssyncadd.s32 $0xFFFFF600  }
0x302: {  	_ =	swait.ge [sflag:s31], $0xA00  }
0x303: {  	[sflag:s31] =	ssyncset.done $0x0  }
0x304: {  	s0 =	simm.s32 $0x0;
	[sflag:s31] =	ssyncadd.s32 $0xFFFFF600  }
0x305: {  	v8 =	vld.idx.msk [tilespmem:v0+s0+$0x0 ss:$0x1], $0xffff  }
0x306: {  	v9 =	vld.idx.msk [tilespmem:v4+s0+$0x10 ss:$0x1], $0xffff  }
0x307: {  	v10 =	vld.idx.msk [tilespmem:v3+s0+$0x0 ss:$0x1], $0xffff  }
0x308: {  	v11 =	vld.idx.msk [tilespmem:v2+s0+$0x0 ss:$0x1], $0xffff  }
0x309: {  	v12 =	vld.idx.msk [tilespmem:v5+s0+$0x80 ss:$0x1], $0xffff  }
0x30a: {  	v13 =	vld.idx.msk [tilespmem:v1+s0+$0x0 ss:$0x1], $0xffff  }
0x30b: {  	v14 =	vld.idx.msk [tilespmem:v0+s0+$0xFFFFFF80 ss:$0x1], $0xffff  }
0x30c: {  	v15 =	vld.idx.msk [tilespmem:v6+s0+$0x80 ss:$0x1], $0xffff  }
0x30d: {  	v16 =	vld.idx.msk [tilespmem:v4+s0+$0x0 ss:$0x1], $0xffff  }
0x30e: {  	v63 =	vld.idx.msk [tilespmem:v4+s0+$0xFFFFFF80 ss:$0x1], $0xffff  }
0x30f: {  	v18 =	vld.idx.msk [tilespmem:v4+s0+$0xFFFFFF90 ss:$0x1], $0xffff  }
0x310: {  	v19 =	vld.idx.msk [tilespmem:v3+s0+$0xFFFFFF80 ss:$0x1], $0xffff  }
0x311: {  	v20 =	vld.idx.msk [tilespmem:v2+s0+$0xFFFFFF80 ss:$0x1], $0xffff  }
0x312: {  	v21 =	vld.idx.msk [tilespmem:v5+s0+$0x0 ss:$0x1], $0xffff  }
0x313: {  	s1 =	simm.s32 $0x9D00;
	v22 =	vld.idx.msk [tilespmem:v1+s0+$0xFFFFFF80 ss:$0x1], $0xffff  }
0x314: {  	v8 =	vld.idx.msk [tilespmem:v8+s1+$0x0], $0xffff  }
0x315: {  	v17 =	vld.idx.msk [tilespmem:v9+s1+$0x0], $0xffff  }
0x316: {  	v10 =	vld.idx.msk [tilespmem:v10+s1+$0x0], $0xffff  }
0x317: {  	v11 =	vld.idx.msk [tilespmem:v11+s1+$0x0], $0xffff  }
0x318: {  	v12 =	vld.idx.msk [tilespmem:v12+s1+$0x0], $0xffff  }
0x319: {  	v62 =	vld.idx.msk [tilespmem:v16+s1+$0x0], $0xffff  }
0x31a: {  	v13 =	vld.idx.msk [tilespmem:v13+s1+$0x0], $0xffff  }
0x31b: {  	s2 =	simm.s32 $0xC500;
	v9 =	vld.idx.msk [tilespmem:v6+s0+$0x0 ss:$0x1], $0xffff  }
0x31c: {  	[tilespmem:v14+s2+$0x0] =	vst.idx.add.f32.msk $0xffff, v8  }
0x31d: {  	v8 =	vld.idx.msk [tilespmem:v15+s1+$0x0], $0xffff  }
0x31e: {  	[tilespmem:v63+s2+$0x0] =	vst.idx.add.f32.msk $0xffff, v62  }
0x31f: {  	[tilespmem:v18+s2+$0x0] =	vst.idx.add.f32.msk $0xffff, v17  }
0x320: {  	[tilespmem:v19+s2+$0x0] =	vst.idx.add.f32.msk $0xffff, v10  }
0x321: {  	[tilespmem:v20+s2+$0x0] =	vst.idx.add.f32.msk $0xffff, v11  }
0x322: {  	[tilespmem:v21+s2+$0x0] =	vst.idx.add.f32.msk $0xffff, v12  }
0x323: {  	s3 =	simm.s32 $0x0;
	s4 =	simm.s32 $0x100;
	s22 =	stileid.u32;
	[tilespmem:v22+s2+$0x0] =	vst.idx.add.f32.msk $0xffff, v13  }
.LBB2_23:
0x324: {  	v10 =	vld.idx.msk [tilespmem:v0+s4+$0x0 ss:$0x1], $0xffff;
	s3 =	sadd.s32 $0x8, s3  }
0x325: {  	v11 =	vld.idx.msk [tilespmem:v4+s4+$0x10 ss:$0x1], $0xffff;
	p0 =	slt.u32 s3, $0x4D8  }
0x326: {  	v12 =	vld.idx.msk [tilespmem:v3+s4+$0x0 ss:$0x1], $0xffff  }
0x327: {  	v13 =	vld.idx.msk [tilespmem:v2+s4+$0x0 ss:$0x1], $0xffff  }
0x328: {  	v14 =	vld.idx.msk [tilespmem:v5+s4+$0x80 ss:$0x1], $0xffff  }
0x329: {  	v15 =	vld.idx.msk [tilespmem:v1+s4+$0x0 ss:$0x1], $0xffff  }
0x32a: {  	v16 =	vld.idx.msk [tilespmem:v0+s4+$0xFFFFFF80 ss:$0x1], $0xffff  }
0x32b: {  	v17 =	vld.idx.msk [tilespmem:v6+s4+$0x80 ss:$0x1], $0xffff  }
0x32c: {  	v10 =	vld.idx.msk [tilespmem:v10+s1+$0x0], $0xffff  }
0x32d: {  	v18 =	vld.idx.msk [tilespmem:v4+s4+$0x0 ss:$0x1], $0xffff  }
0x32e: {  	v11 =	vld.idx.msk [tilespmem:v11+s1+$0x0], $0xffff  }
0x32f: {  	v12 =	vld.idx.msk [tilespmem:v12+s1+$0x0], $0xffff  }
0x330: {  	v13 =	vld.idx.msk [tilespmem:v13+s1+$0x0], $0xffff  }
0x331: {  	v14 =	vld.idx.msk [tilespmem:v14+s1+$0x0], $0xffff  }
0x332: {  	[tilespmem:v16+s2+$0x0] =	vst.idx.add.f32.msk $0xffff, v10  }
0x333: {  	v10 =	vld.idx.msk [tilespmem:v15+s1+$0x0], $0xffff  }
0x334: {  	v15 =	vld.idx.msk [tilespmem:v17+s1+$0x0], $0xffff  }
0x335: {  	v16 =	vld.idx.msk [tilespmem:v18+s1+$0x0], $0xffff  }
0x336: {  	v17 =	vld.idx.msk [tilespmem:v4+s4+$0xFFFFFF80 ss:$0x1], $0xffff  }
0x337: {  	v18 =	vld.idx.msk [tilespmem:v4+s4+$0xFFFFFF90 ss:$0x1], $0xffff  }
0x338: {  	v19 =	vld.idx.msk [tilespmem:v3+s4+$0xFFFFFF80 ss:$0x1], $0xffff  }
0x339: {  	v20 =	vld.idx.msk [tilespmem:v2+s4+$0xFFFFFF80 ss:$0x1], $0xffff  }
0x33a: {  	v21 =	vld.idx.msk [tilespmem:v5+s4+$0x0 ss:$0x1], $0xffff  }
0x33b: {  	v22 =	vld.idx.msk [tilespmem:v1+s4+$0xFFFFFF80 ss:$0x1], $0xffff  }
0x33c: {  	v23 =	vld.idx.msk [tilespmem:v6+s4+$0x0 ss:$0x1], $0xffff  }
0x33d: {  	[tilespmem:v9+s2+$0x0] =	vst.idx.add.f32.msk $0xffff, v8;
	v8 =	vmov v15  }
0x33e: {  	[tilespmem:v17+s2+$0x0] =	vst.idx.add.f32.msk $0xffff, v16  }
.Ltmp11:
0x33f: {  	[tilespmem:v18+s2+$0x0] =	vst.idx.add.f32.msk $0xffff, v11;
	(pc) =	sbr.rel @p0 .LBB2_23-.Ltmp11, $4  }
0x340: {  	[tilespmem:v19+s2+$0x0] =	vst.idx.add.f32.msk $0xffff, v12  }
0x341: {  	[tilespmem:v20+s2+$0x0] =	vst.idx.add.f32.msk $0xffff, v13;
	v9 =	vmov v23  }
0x342: {  	[tilespmem:v21+s2+$0x0] =	vst.idx.add.f32.msk $0xffff, v14  }
0x343: {  	s4 =	sadd.s32 $0x100, s4;
	[tilespmem:v22+s2+$0x0] =	vst.idx.add.f32.msk $0xffff, v10  }
0x344: {  	_ =	sdelay $0x3  }
0x345: {  	[tilespmem:v9+s2+$0x0] =	vst.idx.add.f32.msk $0xffff, v8;
	s1 =	simm.s32 $0x9D00;
	s2 =	simm.s32 $0xC500  }
.LBB2_25:
0x346: {  	s3 =	sshra.s32 s0, $0x2  }
0x347: {  	v8 =	vld.idx.msk [tilespmem:v7+s3+$0x9C80 ss:$0x1], $0xffff;
	_ =	sdelay $0x4  }
0x348: {  	v9 =	vld.idx.msk [tilespmem:v7+s3+$0x9C00 ss:$0x1], $0xffff;
	_ =	sdelay $0x2  }
0x349: {  	p0 =	sne.s32 s0, $0x40;
	v8 =	vld.idx.msk [tilespmem:v8+s1+$0x0], $0xffff  }
.Ltmp12:
0x34a: {  	_ = 	snop;
	(pc) =	sbr.rel @p0 .LBB2_25-.Ltmp12, $2  }
0x34b: {  	_ =	sdelay $0x2  }
0x34c: {  	s0 =	sadd.s32 $0x40, s0;
	[tilespmem:v9+s2+$0x0] =	vst.idx.add.f32.msk $0xffff, v8  }
0x34d: {  	s0 =	simm.s32 $0x80  }
0x34e: {  	s1 =	simm.s32 $0x400;
	s2 =	simm.s32 $0xC500;
	s13 =	simm.s32 $0x3  }
0x34f: {  	[spmem:s17] =	stream.strided.scatter [tilespmem:s2], [sflag:$0x3], $0x2800, s1, s0, $0x38;
	[tilespmem:$0x1C000] =	vst v63  }
0x350: {  	_ =	swait.ge [sflag:s13], $0x2800  }
0x351: {  	s14 =	simm.s32 $0x1400;
	[sflag:s13] =	ssyncset.done $0x0  }
0x352: {  	s19 =	simm.s32 $0x14000;
	s20 =	simm.s32 $0x11500;
	[sflag:s13] =	ssyncadd.s32 $0xFFFFD800  }
0x353: {  	s21 =	simm.s32 $0x1;
	s0 =	simm.s32 $0x0;
	[bflag:$0x0] =	sbarrier.arrive $0xFFFF  }
0x354: {  	[tilespmem:s20], [sflag:$0x1] =	stream.strided.gather [spmem:s18], $0x2800, s19, s14, $0x38;
	[tilespmem:$0x1C000] =	vst v63  }
0x355: {  	s31 =	sand.u32 $0x1C00, s0;
	_ =	swait.ge [sflag:s21], $0x2800  }
0x356: {  	s4 =	sand.u32 $0x60, s0;
	s5 =	sadd.s32 $0x11500, s31;
	[sflag:s21] =	ssyncset.done $0x0  }
0x357: {  	s11 =	sor.u32 s4, s5;
	[sflag:s21] =	ssyncadd.s32 $0xFFFFD800  }
0x358: {  	v7 =	vld [tilespmem:s11+$0x0]  }
0x359: {  	v8 =	vld [tilespmem:s11+$0x80];
	_ =	sdelay $0x1  }
0x35a: {  	v9 =	vld [tilespmem:s11+$0x100];
	_ =	sdelay $0x1  }
0x35b: {  	v10 =	vld [tilespmem:s11+$0x180]  }
0x35c: {  	s3 =	sor.u32 $0x10, s4;
	v11 =	vld [tilespmem:s11+$0x280];
	v7 =	vadd.f32 v8, v7  }
0x35d: {  	s5 =	sor.u32 s3, s5;
	v8 =	vld [tilespmem:s11+$0x200]  }
0x35e: {  	v12 =	vld [tilespmem:s5+$0x80];
	v7 =	vadd.f32 v9, v7  }
0x35f: {  	v13 =	vld [tilespmem:s5+$0x100]  }
0x360: {  	v14 =	vld [tilespmem:s5+$0x180];
	v7 =	vadd.f32 v10, v7  }
0x361: {  	v9 =	vld [tilespmem:s11+$0x300]  }
0x362: {  	v15 =	vld [tilespmem:s5+$0x200];
	v7 =	vadd.f32 v8, v7  }
0x363: {  	s12 =	sadd.s32 $0x12900, s31;
	v8 =	vld [tilespmem:s11+$0x380]  }
0x364: {  	s6 =	sor.u32 s4, s12;
	v16 =	vld [tilespmem:s5+$0x280];
	v7 =	vadd.f32 v11, v7  }
0x365: {  	s13 =	sadd.s32 $0x12980, s31;
	v11 =	vld [tilespmem:s6+$0x0]  }
0x366: {  	s7 =	sor.u32 s4, s13;
	v17 =	vld [tilespmem:s5+$0x300];
	v7 =	vadd.f32 v9, v7  }
0x367: {  	s14 =	sadd.s32 $0x12A00, s31;
	v9 =	vld [tilespmem:s7+$0x0]  }
0x368: {  	s8 =	sor.u32 s4, s14;
	v18 =	vld [tilespmem:s5+$0x380];
	v7 =	vadd.f32 v8, v7  }
0x369: {  	s1 =	sor.u32 s3, s12;
	s19 =	sadd.s32 $0x12A80, s31;
	v8 =	vld [tilespmem:s8+$0x0]  }
0x36a: {  	s9 =	sor.u32 s4, s19;
	v19 =	vld [tilespmem:s1+$0x0];
	v7 =	vadd.f32 v11, v7  }
0x36b: {  	s20 =	sadd.s32 $0x12B00, s31;
	s12 =	sor.u32 s3, s14;
	v11 =	vld [tilespmem:s9+$0x0]  }
0x36c: {  	s10 =	sor.u32 s4, s20;
	v21 =	vld [tilespmem:s12+$0x0];
	v7 =	vadd.f32 v9, v7  }
0x36d: {  	v9 =	vld [tilespmem:s10+$0x0];
	s10 =	sadd.s32 $0x12B80, s31  }
0x36e: {  	v10 =	vld [tilespmem:s5+$0x0];
	s11 =	sor.u32 s4, s10;
	v7 =	vadd.f32 v8, v7  }
0x36f: {  	s14 =	sor.u32 s3, s19;
	s5 =	sadd.s32 $0x12C00, s31;
	v8 =	vld [tilespmem:s11+$0x0]  }
0x370: {  	v22 =	vld [tilespmem:s14+$0x0];
	s21 =	sor.u32 s4, s5;
	v7 =	vadd.f32 v11, v7  }
0x371: {  	s19 =	sor.u32 s3, s20;
	s31 =	sadd.s32 $0x12C80, s31;
	v11 =	vld [tilespmem:s21+$0x0]  }
0x372: {  	v23 =	vld [tilespmem:s19+$0x0];
	s4 =	sor.u32 s4, s31;
	v7 =	vadd.f32 v9, v7  }
0x373: {  	s8 =	sor.u32 s3, s10;
	v9 =	vld [tilespmem:s4+$0x0]  }
0x374: {  	s20 =	simm.s32 $0x100;
	v10 =	vadd.f32 v12, v10;
	s11 =	sor.u32 s3, s13;
	s13 =	simm.s32 $0x16780;
	v12 =	vld [tilespmem:s8+$0x0];
	v7 =	vadd.f32 v8, v7  }
0x375: {  	s6 =	sand.u32 $0x1C00, s20;
	s1 =	sor.u32 s3, s31;
	v8 =	vld [tilespmem:s13+$0x0]  }
0x376: {  	s0 =	sand.u32 $0x380, s0;
	s31 =	sadd.s32 $0x11500, s6;
	v7 =	vadd.f32 v11, v7;
	v11 =	vld [tilespmem:s1+$0x0];
	s1 =	simm.s32 $0x20  }
0x377: {  	v20 =	vld [tilespmem:s11+$0x0];
	s21 =	sor.u32 s3, s5;
	s5 =	sor.u32 s0, s3;
	s4 =	sand.u32 $0x60, s1  }
0x378: {  	v44 =	vld [tilespmem:s5+$0x16780];
	v7 =	vadd.f32 v9, v7;
	s9 =	sor.u32 s4, s31  }
0x379: {  	v24 =	vld [tilespmem:s9+$0x0]  }
0x37a: {  	v10 =	vadd.f32 v13, v10;
	v13 =	vld [tilespmem:s9+$0x80];
	v8 =	vmul.f32 v7, v8  }
0x37b: {  	s2 =	simm.s32 $0x16C80;
	v9 =	vld [tilespmem:s21+$0x0]  }
0x37c: {  	v25 =	vld [tilespmem:s9+$0x100];
	[tilespmem:s2+$0x0] =	vst v8;
	v8 =	vadd.f32 v14, v10  }
0x37d: {  	v45 =	vld [tilespmem:s9+$0x200]  }
0x37e: {  	v8 =	vadd.f32 v15, v8;
	v15 =	vld [tilespmem:s9+$0x180]  }
0x37f: {  	v46 =	vld [tilespmem:s9+$0x300];
	v13 =	vadd.f32 v13, v24  }
0x380: {  	s7 =	sadd.s32 $0x12900, s6;
	v47 =	vld [tilespmem:s9+$0x280];
	v8 =	vadd.f32 v16, v8  }
0x381: {  	s3 =	sor.u32 $0x10, s4;
	s12 =	sor.u32 s4, s7;
	v49 =	vld [tilespmem:s9+$0x380];
	v13 =	vadd.f32 v25, v13  }
0x382: {  	s10 =	sor.u32 s3, s31;
	v51 =	vld [tilespmem:s12+$0x0];
	v8 =	vadd.f32 v17, v8  }
0x383: {  	s8 =	sadd.s32 $0x12980, s6;
	v48 =	vld [tilespmem:s10+$0x80];
	v13 =	vadd.f32 v15, v13  }
0x384: {  	s13 =	sor.u32 s4, s8;
	v15 =	vld [tilespmem:s10+$0x0];
	v8 =	vadd.f32 v18, v8  }
0x385: {  	s11 =	sadd.s32 $0x12A00, s6;
	v53 =	vld [tilespmem:s13+$0x0];
	v13 =	vadd.f32 v45, v13  }
0x386: {  	s14 =	sor.u32 s4, s11;
	v50 =	vld [tilespmem:s10+$0x100];
	v8 =	vadd.f32 v19, v8  }
0x387: {  	v55 =	vld [tilespmem:s14+$0x0];
	v13 =	vadd.f32 v47, v13  }
0x388: {  	v52 =	vld [tilespmem:s10+$0x180];
	v8 =	vadd.f32 v20, v8  }
0x389: {  	v54 =	vld [tilespmem:s10+$0x200];
	v15 =	vadd.f32 v48, v15;
	v13 =	vadd.f32 v46, v13  }
0x38a: {  	v56 =	vld [tilespmem:s10+$0x280];
	v8 =	vadd.f32 v21, v8  }
0x38b: {  	s12 =	sadd.s32 $0x12A80, s6;
	s7 =	sor.u32 s3, s7;
	v58 =	vld [tilespmem:s10+$0x300];
	v15 =	vadd.f32 v50, v15;
	v13 =	vadd.f32 v49, v13  }
0x38c: {  	s13 =	sadd.s32 $0x12B00, s6;
	s20 =	sor.u32 s4, s12;
	v61 =	vld [tilespmem:s7+$0x0];
	v8 =	vadd.f32 v22, v8  }
0x38d: {  	s21 =	sor.u32 s4, s13;
	v57 =	vld [tilespmem:s20+$0x0];
	v15 =	vadd.f32 v52, v15;
	v13 =	vadd.f32 v51, v13  }
0x38e: {  	s19 =	simm.s32 $0x16A00;
	v59 =	vld [tilespmem:s21+$0x0];
	v8 =	vadd.f32 v23, v8  }
0x38f: {  	v10 =	vld [tilespmem:s19+$0x0];
	v15 =	vadd.f32 v54, v15;
	v13 =	vadd.f32 v53, v13  }
0x390: {  	s9 =	sadd.s32 $0x12B80, s6;
	v8 =	vadd.f32 v12, v8;
	v12 =	vld [tilespmem:s10+$0x380]  }
0x391: {  	v14 =	vld [tilespmem:s5+$0x16A00];
	s31 =	sor.u32 s4, s9;
	v15 =	vadd.f32 v56, v15;
	v13 =	vadd.f32 v55, v13  }
0x392: {  	s20 =	sor.u32 s3, s8;
	v60 =	vld [tilespmem:s31+$0x0];
	s10 =	sadd.s32 $0x12C00, s6;
	v8 =	vadd.f32 v9, v8  }
0x393: {  	v62 =	vld [tilespmem:s20+$0x0];
	s6 =	sadd.s32 $0x12C80, s6;
	s14 =	sor.u32 s4, s10;
	v9 =	vadd.f32 v57, v13;
	v13 =	vadd.f32 v58, v15  }
0x394: {  	v7 =	vmul.f32 v10, v7;
	s4 =	sor.u32 s4, s6;
	v15 =	vld [tilespmem:s14+$0x0];
	v8 =	vadd.f32 v11, v8  }
0x395: {  	s21 =	sor.u32 s3, s11;
	v11 =	vimm.f32 $0.0e+00;
	v10 =	vadd.f32 v59, v9;
	v12 =	vadd.f32 v12, v13;
	v9 =	vld [tilespmem:s4+$0x0]  }
0x396: {  	s0 =	simm.s32 $0x167A0;
	v7 =	vadd.f32 v7, v11;
	v11 =	vld [tilespmem:s21+$0x0];
	v13 =	vmul.f32 v14, v8  }
0x397: {  	s31 =	sor.u32 s3, s12;
	v8 =	vmul.f32 v8, v44;
	v14 =	vadd.f32 v60, v10;
	v10 =	vld [tilespmem:s0+$0x0];
	v63 =	vadd.f32 v61, v12  }
0x398: {  	s11 =	sor.u32 s3, s13;
	s6 =	sor.u32 s3, s6;
	v12 =	vld [tilespmem:s31+$0x0];
	v7 =	vadd.f32 v13, v7  }
0x399: {  	s4 =	simm.s32 $0x2;
	[tilespmem:s5+$0x16C80] =	vst v8;
	v8 =	vld [tilespmem:s6+$0x0];
	s5 =	simm.s32 $0x200;
	s6 =	simm.s32 $0x40;
	v13 =	vadd.f32 v15, v14;
	v14 =	vadd.f32 v62, v63  }
.LBB2_27:
0x39a: {  	s7 =	sand.u32 $0x60, s6;
	s8 =	sand.u32 $0x1C00, s5;
	v15 =	vld [tilespmem:s11+$0x0];
	s10 =	sor.u32 s3, s10  }
0x39b: {  	s4 =	sadd.s32 $0x2, s4;
	s9 =	sor.u32 s3, s9;
	s11 =	sadd.s32 $0x11500, s8;
	v9 =	vadd.f32 v9, v13;
	v11 =	vadd.f32 v11, v14;
	v13 =	vld [tilespmem:s10+$0x0]  }
0x39c: {  	p0 =	slt.u32 s4, $0x26;
	s10 =	sor.u32 s7, s11;
	v14 =	vld [tilespmem:s9+$0x0]  }
0x39d: {  	v16 =	vld [tilespmem:s10+$0x0];
	v10 =	vmul.f32 v9, v10;
	v11 =	vadd.f32 v12, v11  }
0x39e: {  	s2 =	sadd.s32 $0x20, s2;
	v12 =	vld [tilespmem:s10+$0x80]  }
0x39f: {  	s19 =	sadd.s32 $0x20, s19;
	s9 =	sand.u32 $0x380, s1;
	s1 =	smov.u32 s6;
	v17 =	vld [tilespmem:s10+$0x100];
	[tilespmem:s2+$0x0] =	vst v10;
	v10 =	vadd.f32 v15, v11  }
0x3a0: {  	s9 =	sor.u32 s9, s3;
	v11 =	vld [tilespmem:s19+$0x0]  }
0x3a1: {  	v10 =	vadd.f32 v14, v10;
	v14 =	vld [tilespmem:s9+$0x16A00]  }
0x3a2: {  	v15 =	vld [tilespmem:s10+$0x180]  }
0x3a3: {  	v12 =	vadd.f32 v12, v16;
	v10 =	vadd.f32 v13, v10;
	v13 =	vld [tilespmem:s9+$0x16780]  }
0x3a4: {  	v16 =	vld [tilespmem:s10+$0x200]  }
0x3a5: {  	s3 =	sor.u32 $0x10, s7;
	v12 =	vadd.f32 v17, v12;
	v17 =	vld [tilespmem:s10+$0x300];
	v9 =	vmul.f32 v11, v9;
	v8 =	vadd.f32 v8, v10  }
0x3a6: {  	s11 =	sor.u32 s3, s11;
	v10 =	vld [tilespmem:s10+$0x280]  }
0x3a7: {  	v11 =	vadd.f32 v15, v12;
	v12 =	vld [tilespmem:s11+$0x0];
	v7 =	vadd.f32 v9, v7;
	v9 =	vmul.f32 v14, v8  }
0x3a8: {  	v14 =	vld [tilespmem:s11+$0x80];
	v8 =	vmul.f32 v8, v13  }
0x3a9: {  	s12 =	sadd.s32 $0x12900, s8;
	v11 =	vadd.f32 v16, v11;
	v13 =	vld [tilespmem:s10+$0x380];
	v7 =	vadd.f32 v9, v7  }
0x3aa: {  	s10 =	sor.u32 s7, s12;
	v9 =	vld [tilespmem:s11+$0x100];
	[tilespmem:s9+$0x16C80] =	vst v8  }
0x3ab: {  	s13 =	sadd.s32 $0x12980, s8;
	v8 =	vadd.f32 v10, v11;
	v10 =	vld [tilespmem:s10+$0x0]  }
0x3ac: {  	s9 =	sor.u32 s7, s13;
	v11 =	vld [tilespmem:s11+$0x180]  }
0x3ad: {  	s14 =	sadd.s32 $0x12A00, s8;
	v8 =	vadd.f32 v17, v8;
	v15 =	vld [tilespmem:s9+$0x0];
	v12 =	vadd.f32 v14, v12  }
0x3ae: {  	s9 =	sor.u32 s7, s14;
	v14 =	vld [tilespmem:s11+$0x200]  }
0x3af: {  	s20 =	sadd.s32 $0x12A80, s8;
	v8 =	vadd.f32 v13, v8;
	v13 =	vld [tilespmem:s9+$0x0];
	v9 =	vadd.f32 v9, v12  }
0x3b0: {  	s9 =	sor.u32 s7, s20;
	v12 =	vld [tilespmem:s11+$0x280]  }
0x3b1: {  	s21 =	sadd.s32 $0x12B00, s8;
	v8 =	vadd.f32 v10, v8;
	v10 =	vld [tilespmem:s9+$0x0];
	v9 =	vadd.f32 v11, v9  }
0x3b2: {  	s9 =	sor.u32 s7, s21;
	v11 =	vld [tilespmem:s11+$0x300]  }
0x3b3: {  	v8 =	vadd.f32 v15, v8;
	v15 =	vld [tilespmem:s9+$0x0];
	s9 =	sadd.s32 $0x12B80, s8;
	v9 =	vadd.f32 v14, v9  }
0x3b4: {  	s10 =	sor.u32 s7, s9;
	v14 =	vld [tilespmem:s11+$0x380]  }
0x3b5: {  	s11 =	sor.u32 s3, s12;
	v8 =	vadd.f32 v13, v8;
	v13 =	vld [tilespmem:s10+$0x0];
	s10 =	sadd.s32 $0x12C00, s8;
	v9 =	vadd.f32 v12, v9  }
0x3b6: {  	s12 =	sor.u32 s7, s10;
	v12 =	vld [tilespmem:s11+$0x0]  }
0x3b7: {  	s8 =	sadd.s32 $0x12C80, s8;
	s11 =	sor.u32 s3, s13;
	v8 =	vadd.f32 v10, v8;
	v16 =	vld [tilespmem:s12+$0x0];
	v10 =	vadd.f32 v11, v9  }
0x3b8: {  	s7 =	sor.u32 s7, s8;
	v17 =	vld [tilespmem:s11+$0x0]  }
.Ltmp13:
0x3b9: {  	v8 =	vadd.f32 v15, v8;
	v9 =	vld [tilespmem:s7+$0x0];
	v14 =	vadd.f32 v14, v10;
	s7 =	sor.u32 s3, s14;
	(pc) =	sbr.rel @p0 .LBB2_27-.Ltmp13, $4  }
0x3ba: {  	s0 =	sadd.s32 $0x20, s0;
	v11 =	vld [tilespmem:s7+$0x0]  }
0x3bb: {  	s7 =	sor.u32 s3, s20;
	v8 =	vadd.f32 v13, v8;
	v10 =	vld [tilespmem:s0+$0x0];
	v14 =	vadd.f32 v12, v14  }
0x3bc: {  	v12 =	vld [tilespmem:s7+$0x0];
	s7 =	sor.u32 s3, s8  }
0x3bd: {  	s5 =	sadd.s32 $0x100, s5;
	s6 =	sadd.s32 $0x20, s6;
	s11 =	sor.u32 s3, s21;
	v13 =	vadd.f32 v16, v8;
	v14 =	vadd.f32 v17, v14;
	v8 =	vld [tilespmem:s7+$0x0]  }
0x3be: {  	v15 =	vld [tilespmem:s11+$0x0]  }
0x3bf: {  	s0 =	sor.u32 s3, s9;
	v9 =	vadd.f32 v9, v13;
	v11 =	vadd.f32 v11, v14  }
0x3c0: {  	v57 =	vld [tilespmem:s0+$0x0]  }
0x3c1: {  	s12 =	sor.u32 s3, s10;
	v10 =	vmul.f32 v9, v10;
	v11 =	vadd.f32 v12, v11  }
0x3c2: {  	s13 =	sadd.s32 $0x20, s2;
	v58 =	vld [tilespmem:s12+$0x0]  }
0x3c3: {  	s14 =	sadd.s32 $0x20, s19;
	[tilespmem:s13+$0x0] =	vst v10;
	v59 =	vadd.f32 v15, v11  }
0x3c4: {  	s1 =	sand.u32 $0x380, s1;
	v60 =	vld [tilespmem:s14+$0x0]  }
0x3c5: {  	s19 =	sor.u32 s1, s3;
	v10 =	vadd.f32 v57, v59  }
0x3c6: {  	v61 =	vld [tilespmem:s19+$0x16A00]  }
0x3c7: {  	v62 =	vld [tilespmem:s19+$0x16780];
	v10 =	vadd.f32 v58, v10;
	_ =	sdelay $0x1  }
0x3c8: {  	v9 =	vmul.f32 v60, v9;
	v8 =	vadd.f32 v8, v10;
	_ =	sdelay $0x1  }
0x3c9: {  	v7 =	vadd.f32 v9, v7;
	v63 =	vmul.f32 v61, v8  }
0x3ca: {  	v8 =	vmul.f32 v8, v62  }
0x3cb: {  	v7 =	vadd.f32 v63, v7  }
0x3cc: {  	[tilespmem:s19+$0x16C80] =	vst v8  }
0x3cd: {  	s20 =	simm.s32 $0x0;
	s21 =	simm.s32 $0x16C80;
	s31 =	simm.s32 $0x3;
	[tilespmem:$0x16F00] =	vst v7  }
0x3ce: {  	[hbm4b:s23+s20] =	stream.linear.scatter [tilespmem:s21], [sflag:$0x3], $0x280, $0x38;
	[tilespmem:$0x1C000] =	vst v63  }
0x3cf: {  	_ =	swait.ge [sflag:s31], $0x280  }
0x3d0: {  	[sflag:s31] =	ssyncset.done $0x0  }
0x3d1: {  	[sflag:s31] =	ssyncadd.s32 $0xFFFFFD80  }
0x3d2: {  	[bflag:$0x0] =	sbarrier.arrive $0xFFFF  }
0x3d3: {  	[tilespmem:s24], [sflag:$0x1] =	stream.linear.gather [hbm4b:s25+s20], $0xA00, $0x38;
	[tilespmem:$0x1C000] =	vst v63  }
0x3d4: {  	_ = 	snop  }
0x3d5: {  	[tilespmem:s26], [sflag:$0x1] =	stream.linear.gather [hbm4b:s28+s20], $0xA00, $0x38;
	[tilespmem:$0x1C000] =	vst v63  }
0x3d6: {  	_ = 	snop  }
0x3d7: {  	[tilespmem:s29], [sflag:$0x1] =	stream.linear.gather [hbm4b:s30+s20], $0xA00, $0x38;
	[tilespmem:$0x1C000] =	vst v63  }
0x3d8: {  	s0 =	simm.s32 $0xC540  }
0x3d9: {  	v7 =	vimm.f32 $0.0e+00;
	[tilespmem:s15], [sflag:$0x1] =	stream.linear.gather [hbm4b:s16+s20], $0xA00, $0x38;
	[tilespmem:$0x1C000] =	vst v63  }
0x3da: {  	[tilespmem:s0+$0xFFFFFFC0] =	vst v7  }
0x3db: {  	[tilespmem:s0+$0x30] =	vst v7  }
0x3dc: {  	[tilespmem:s0+$0x20] =	vst v7  }
0x3dd: {  	[tilespmem:s0+$0x10] =	vst v7  }
0x3de: {  	[tilespmem:s0+$0x0] =	vst v7  }
0x3df: {  	[tilespmem:s0+$0xFFFFFFF0] =	vst v7  }
0x3e0: {  	s1 =	simm.s32 $0x0;
	[tilespmem:s0+$0xFFFFFFE0] =	vst v7  }
.LBB2_29:
0x3e1: {  	s1 =	sadd.s32 $0x8, s1;
	[tilespmem:s0+$0xFFFFFFD0] =	vst v7;
	s0 =	sadd.s32 $0x80, s0  }
0x3e2: {  	[tilespmem:s0+$0xFFFFFFC0] =	vst v7;
	p0 =	slt.u32 s1, $0x278  }
0x3e3: {  	[tilespmem:s0+$0x30] =	vst v7  }
.Ltmp14:
0x3e4: {  	[tilespmem:s0+$0x20] =	vst v7;
	(pc) =	sbr.rel @p0 .LBB2_29-.Ltmp14, $4  }
0x3e5: {  	[tilespmem:s0+$0x10] =	vst v7  }
0x3e6: {  	[tilespmem:s0+$0x0] =	vst v7  }
0x3e7: {  	[tilespmem:s0+$0xFFFFFFF0] =	vst v7  }
0x3e8: {  	[tilespmem:s0+$0xFFFFFFE0] =	vst v7  }
0x3e9: {  	[tilespmem:s0+$0xFFFFFFD0] =	vst v7;
	s31 =	simm.s32 $0x1  }
0x3ea: {  	_ =	swait.ge [sflag:s31], $0xA00  }
0x3eb: {  	[sflag:s31] =	ssyncset.done $0x0  }
0x3ec: {  	[sflag:s31] =	ssyncadd.s32 $0xFFFFF600  }
0x3ed: {  	_ =	swait.ge [sflag:s31], $0xA00  }
0x3ee: {  	[sflag:s31] =	ssyncset.done $0x0  }
0x3ef: {  	[sflag:s31] =	ssyncadd.s32 $0xFFFFF600  }
0x3f0: {  	_ =	swait.ge [sflag:s31], $0xA00  }
0x3f1: {  	[sflag:s31] =	ssyncset.done $0x0  }
0x3f2: {  	[sflag:s31] =	ssyncadd.s32 $0xFFFFF600  }
0x3f3: {  	_ =	swait.ge [sflag:s31], $0xA00  }
0x3f4: {  	[sflag:s31] =	ssyncset.done $0x0  }
0x3f5: {  	s2 =	simm.s32 $0x0;
	[sflag:s31] =	ssyncadd.s32 $0xFFFFF600  }
0x3f6: {  	v7 =	vld.idx.msk [tilespmem:v0+s2+$0x0 ss:$0x1], $0xffff  }
0x3f7: {  	v8 =	vld.idx.msk [tilespmem:v4+s2+$0x10 ss:$0x1], $0xffff  }
0x3f8: {  	v9 =	vld.idx.msk [tilespmem:v3+s2+$0x0 ss:$0x1], $0xffff  }
0x3f9: {  	v10 =	vld.idx.msk [tilespmem:v2+s2+$0x0 ss:$0x1], $0xffff  }
0x3fa: {  	v11 =	vld.idx.msk [tilespmem:v5+s2+$0x80 ss:$0x1], $0xffff  }
0x3fb: {  	v12 =	vld.idx.msk [tilespmem:v1+s2+$0x0 ss:$0x1], $0xffff  }
0x3fc: {  	v13 =	vld.idx.msk [tilespmem:v0+s2+$0xFFFFFF80 ss:$0x1], $0xffff  }
0x3fd: {  	v14 =	vld.idx.msk [tilespmem:v6+s2+$0x80 ss:$0x1], $0xffff  }
0x3fe: {  	v15 =	vld.idx.msk [tilespmem:v4+s2+$0x0 ss:$0x1], $0xffff  }
0x3ff: {  	v63 =	vld.idx.msk [tilespmem:v4+s2+$0xFFFFFF80 ss:$0x1], $0xffff  }
0x400: {  	v17 =	vld.idx.msk [tilespmem:v4+s2+$0xFFFFFF90 ss:$0x1], $0xffff  }
0x401: {  	v18 =	vld.idx.msk [tilespmem:v3+s2+$0xFFFFFF80 ss:$0x1], $0xffff  }
0x402: {  	v19 =	vld.idx.msk [tilespmem:v2+s2+$0xFFFFFF80 ss:$0x1], $0xffff  }
0x403: {  	v20 =	vld.idx.msk [tilespmem:v5+s2+$0x0 ss:$0x1], $0xffff  }
0x404: {  	s0 =	simm.s32 $0x9D00;
	v21 =	vld.idx.msk [tilespmem:v1+s2+$0xFFFFFF80 ss:$0x1], $0xffff  }
0x405: {  	v7 =	vld.idx.msk [tilespmem:v7+s0+$0x0], $0xffff  }
0x406: {  	v16 =	vld.idx.msk [tilespmem:v8+s0+$0x0], $0xffff  }
0x407: {  	v9 =	vld.idx.msk [tilespmem:v9+s0+$0x0], $0xffff  }
0x408: {  	v10 =	vld.idx.msk [tilespmem:v10+s0+$0x0], $0xffff  }
0x409: {  	v11 =	vld.idx.msk [tilespmem:v11+s0+$0x0], $0xffff  }
0x40a: {  	v62 =	vld.idx.msk [tilespmem:v15+s0+$0x0], $0xffff  }
0x40b: {  	v12 =	vld.idx.msk [tilespmem:v12+s0+$0x0], $0xffff  }
0x40c: {  	s1 =	simm.s32 $0xC500;
	v8 =	vld.idx.msk [tilespmem:v6+s2+$0x0 ss:$0x1], $0xffff  }
0x40d: {  	[tilespmem:v13+s1+$0x0] =	vst.idx.add.f32.msk $0xffff, v7  }
0x40e: {  	v7 =	vld.idx.msk [tilespmem:v14+s0+$0x0], $0xffff  }
0x40f: {  	[tilespmem:v63+s1+$0x0] =	vst.idx.add.f32.msk $0xffff, v62  }
0x410: {  	[tilespmem:v17+s1+$0x0] =	vst.idx.add.f32.msk $0xffff, v16  }
0x411: {  	[tilespmem:v18+s1+$0x0] =	vst.idx.add.f32.msk $0xffff, v9  }
0x412: {  	[tilespmem:v19+s1+$0x0] =	vst.idx.add.f32.msk $0xffff, v10  }
0x413: {  	[tilespmem:v20+s1+$0x0] =	vst.idx.add.f32.msk $0xffff, v11  }
0x414: {  	s3 =	simm.s32 $0x100;
	s2 =	simm.s32 $0x0;
	[tilespmem:v21+s1+$0x0] =	vst.idx.add.f32.msk $0xffff, v12  }
.LBB2_31:
0x415: {  	v9 =	vld.idx.msk [tilespmem:v0+s3+$0x0 ss:$0x1], $0xffff;
	s2 =	sadd.s32 $0x8, s2  }
0x416: {  	v10 =	vld.idx.msk [tilespmem:v4+s3+$0x10 ss:$0x1], $0xffff;
	p0 =	slt.u32 s2, $0x4D8  }
0x417: {  	v11 =	vld.idx.msk [tilespmem:v3+s3+$0x0 ss:$0x1], $0xffff  }
0x418: {  	v12 =	vld.idx.msk [tilespmem:v2+s3+$0x0 ss:$0x1], $0xffff  }
0x419: {  	v13 =	vld.idx.msk [tilespmem:v5+s3+$0x80 ss:$0x1], $0xffff  }
0x41a: {  	v14 =	vld.idx.msk [tilespmem:v1+s3+$0x0 ss:$0x1], $0xffff  }
0x41b: {  	v15 =	vld.idx.msk [tilespmem:v0+s3+$0xFFFFFF80 ss:$0x1], $0xffff  }
0x41c: {  	v16 =	vld.idx.msk [tilespmem:v6+s3+$0x80 ss:$0x1], $0xffff  }
0x41d: {  	v9 =	vld.idx.msk [tilespmem:v9+s0+$0x0], $0xffff  }
0x41e: {  	v17 =	vld.idx.msk [tilespmem:v4+s3+$0x0 ss:$0x1], $0xffff  }
0x41f: {  	v10 =	vld.idx.msk [tilespmem:v10+s0+$0x0], $0xffff  }
0x420: {  	v11 =	vld.idx.msk [tilespmem:v11+s0+$0x0], $0xffff  }
0x421: {  	v12 =	vld.idx.msk [tilespmem:v12+s0+$0x0], $0xffff  }
0x422: {  	v13 =	vld.idx.msk [tilespmem:v13+s0+$0x0], $0xffff  }
0x423: {  	[tilespmem:v15+s1+$0x0] =	vst.idx.add.f32.msk $0xffff, v9  }
0x424: {  	v9 =	vld.idx.msk [tilespmem:v14+s0+$0x0], $0xffff  }
0x425: {  	v14 =	vld.idx.msk [tilespmem:v16+s0+$0x0], $0xffff  }
0x426: {  	v15 =	vld.idx.msk [tilespmem:v17+s0+$0x0], $0xffff  }
0x427: {  	v16 =	vld.idx.msk [tilespmem:v4+s3+$0xFFFFFF80 ss:$0x1], $0xffff  }
0x428: {  	v17 =	vld.idx.msk [tilespmem:v4+s3+$0xFFFFFF90 ss:$0x1], $0xffff  }
0x429: {  	v18 =	vld.idx.msk [tilespmem:v3+s3+$0xFFFFFF80 ss:$0x1], $0xffff  }
0x42a: {  	v19 =	vld.idx.msk [tilespmem:v2+s3+$0xFFFFFF80 ss:$0x1], $0xffff  }
0x42b: {  	v20 =	vld.idx.msk [tilespmem:v5+s3+$0x0 ss:$0x1], $0xffff  }
0x42c: {  	v21 =	vld.idx.msk [tilespmem:v1+s3+$0xFFFFFF80 ss:$0x1], $0xffff  }
0x42d: {  	v22 =	vld.idx.msk [tilespmem:v6+s3+$0x0 ss:$0x1], $0xffff  }
0x42e: {  	[tilespmem:v8+s1+$0x0] =	vst.idx.add.f32.msk $0xffff, v7;
	v7 =	vmov v14  }
0x42f: {  	[tilespmem:v16+s1+$0x0] =	vst.idx.add.f32.msk $0xffff, v15  }
.Ltmp15:
0x430: {  	[tilespmem:v17+s1+$0x0] =	vst.idx.add.f32.msk $0xffff, v10;
	(pc) =	sbr.rel @p0 .LBB2_31-.Ltmp15, $4  }
0x431: {  	[tilespmem:v18+s1+$0x0] =	vst.idx.add.f32.msk $0xffff, v11  }
0x432: {  	[tilespmem:v19+s1+$0x0] =	vst.idx.add.f32.msk $0xffff, v12;
	v8 =	vmov v22  }
0x433: {  	[tilespmem:v20+s1+$0x0] =	vst.idx.add.f32.msk $0xffff, v13  }
0x434: {  	s3 =	sadd.s32 $0x100, s3;
	[tilespmem:v21+s1+$0x0] =	vst.idx.add.f32.msk $0xffff, v9  }
0x435: {  	_ =	sdelay $0x3  }
0x436: {  	[tilespmem:v8+s1+$0x0] =	vst.idx.add.f32.msk $0xffff, v7  }
0x437: {  	s3 =	rddreg [dreg:$0x9]  }
0x438: {  	v0 =	vmov s3;
	_ =	sdelay $0x2  }
0x439: {  	s0 =	simm.s32 $0x0;
	s1 =	simm.s32 $0x9D00;
	s2 =	simm.s32 $0xC500  }
.LBB2_33:
0x43a: {  	s3 =	sshra.s32 s0, $0x2  }
0x43b: {  	v1 =	vld.idx.msk [tilespmem:v0+s3+$0x9C80 ss:$0x1], $0xffff;
	_ =	sdelay $0x4  }
0x43c: {  	v2 =	vld.idx.msk [tilespmem:v0+s3+$0x9C00 ss:$0x1], $0xffff;
	_ =	sdelay $0x2  }
0x43d: {  	p0 =	sne.s32 s0, $0x40;
	v1 =	vld.idx.msk [tilespmem:v1+s1+$0x0], $0xffff  }
.Ltmp16:
0x43e: {  	_ = 	snop;
	(pc) =	sbr.rel @p0 .LBB2_33-.Ltmp16, $2  }
0x43f: {  	_ =	sdelay $0x2  }
0x440: {  	s0 =	sadd.s32 $0x40, s0;
	[tilespmem:v2+s2+$0x0] =	vst.idx.add.f32.msk $0xffff, v1  }
0x441: {  	s0 =	simm.s32 $0x80  }
0x442: {  	s1 =	simm.s32 $0x400;
	s2 =	simm.s32 $0xC500;
	s20 =	simm.s32 $0x3  }
0x443: {  	[spmem:s17] =	stream.strided.scatter [tilespmem:s2], [sflag:$0x3], $0x2800, s1, s0, $0x38;
	[tilespmem:$0x1C000] =	vst v63  }
0x444: {  	_ =	swait.ge [sflag:s20], $0x2800  }
0x445: {  	s21 =	simm.s32 $0x1400;
	[sflag:s20] =	ssyncset.done $0x0  }
0x446: {  	s23 =	simm.s32 $0x14000;
	s24 =	simm.s32 $0x11500;
	[sflag:s20] =	ssyncadd.s32 $0xFFFFD800  }
0x447: {  	s25 =	simm.s32 $0x1;
	s1 =	simm.s32 $0x0;
	[bflag:$0x0] =	sbarrier.arrive $0xFFFF  }
0x448: {  	[tilespmem:s24], [sflag:$0x1] =	stream.strided.gather [spmem:s18], $0x2800, s23, s21, $0x38;
	[tilespmem:$0x1C000] =	vst v63  }
0x449: {  	s0 =	sand.u32 $0x60, s1;
	s3 =	sand.u32 $0x1C00, s1;
	_ =	swait.ge [sflag:s25], $0x2800  }
0x44a: {  	s4 =	sadd.s32 $0x11500, s3;
	s5 =	sor.u32 $0x10, s0;
	[sflag:s25] =	ssyncset.done $0x0  }
0x44b: {  	s26 =	sor.u32 s5, s4;
	[sflag:s25] =	ssyncadd.s32 $0xFFFFD800  }
0x44c: {  	v0 =	vld [tilespmem:s26+$0x0]  }
0x44d: {  	s4 =	sor.u32 s0, s4;
	v1 =	vld [tilespmem:s26+$0x80]  }
0x44e: {  	v2 =	vld [tilespmem:s4+$0x0]  }
0x44f: {  	v3 =	vld [tilespmem:s26+$0x100]  }
0x450: {  	v4 =	vld [tilespmem:s4+$0x80]  }
0x451: {  	v5 =	vld [tilespmem:s26+$0x180]  }
0x452: {  	v6 =	vld [tilespmem:s4+$0x100]  }
0x453: {  	v7 =	vld [tilespmem:s26+$0x200]  }
0x454: {  	v8 =	vld [tilespmem:s4+$0x180]  }
0x455: {  	v9 =	vld [tilespmem:s26+$0x280]  }
0x456: {  	v10 =	vld [tilespmem:s4+$0x200]  }
0x457: {  	v11 =	vld [tilespmem:s26+$0x300]  }
0x458: {  	v12 =	vld [tilespmem:s4+$0x280]  }
0x459: {  	s6 =	sadd.s32 $0x12900, s3;
	v13 =	vld [tilespmem:s26+$0x380]  }
0x45a: {  	s28 =	sor.u32 s5, s6;
	v14 =	vld [tilespmem:s4+$0x300]  }
0x45b: {  	s7 =	sadd.s32 $0x12980, s3;
	v15 =	vld [tilespmem:s28+$0x0]  }
0x45c: {  	s29 =	sor.u32 s5, s7;
	v16 =	vld [tilespmem:s4+$0x380]  }
0x45d: {  	s31 =	sadd.s32 $0x12A00, s3;
	s30 =	sor.u32 s0, s6;
	v17 =	vld [tilespmem:s29+$0x0]  }
0x45e: {  	s8 =	sor.u32 s5, s31;
	v18 =	vld [tilespmem:s30+$0x0]  }
0x45f: {  	s10 =	sadd.s32 $0x12A80, s3;
	s9 =	sor.u32 s0, s7;
	v19 =	vld [tilespmem:s8+$0x0]  }
0x460: {  	s11 =	sor.u32 s5, s10;
	v20 =	vld [tilespmem:s9+$0x0]  }
0x461: {  	s13 =	sadd.s32 $0x12B00, s3;
	s12 =	sor.u32 s0, s31;
	v21 =	vld [tilespmem:s11+$0x0]  }
0x462: {  	s14 =	sor.u32 s5, s13;
	v22 =	vld [tilespmem:s12+$0x0]  }
0x463: {  	s16 =	sadd.s32 $0x12B80, s3;
	s15 =	sor.u32 s0, s10;
	v23 =	vld [tilespmem:s14+$0x0]  }
0x464: {  	s17 =	sor.u32 s5, s16;
	v24 =	vld [tilespmem:s15+$0x0]  }
0x465: {  	s19 =	sadd.s32 $0x12C00, s3;
	s18 =	sor.u32 s0, s13;
	v25 =	vld [tilespmem:s17+$0x0]  }
0x466: {  	s20 =	sor.u32 s5, s19;
	s21 =	sor.u32 s0, s16;
	s23 =	sadd.s32 $0x12C80, s3;
	v26 =	vld [tilespmem:s18+$0x0]  }
0x467: {  	s3 =	simm.s32 $0x20;
	s24 =	sor.u32 s5, s23;
	v27 =	vld [tilespmem:s20+$0x0];
	s26 =	simm.s32 $0x100  }
0x468: {  	s25 =	sor.u32 s0, s19;
	v28 =	vld [tilespmem:s21+$0x0];
	s28 =	sor.u32 s0, s23;
	s0 =	sand.u32 $0x1C00, s26  }
0x469: {  	s1 =	sand.u32 $0x380, s1;
	s6 =	sand.u32 $0x60, s3;
	v29 =	vld [tilespmem:s24+$0x0];
	s29 =	sadd.s32 $0x11500, s0  }
0x46a: {  	v30 =	vld [tilespmem:s25+$0x0];
	s4 =	sor.u32 s1, s5;
	s5 =	sor.u32 $0x10, s6;
	s7 =	sor.u32 s6, s29  }
0x46b: {  	s30 =	sor.u32 s5, s29;
	v49 =	vld [tilespmem:s7+$0x80];
	v0 =	vadd.f32 v1, v0  }
0x46c: {  	v50 =	vld [tilespmem:s30+$0x180];
	v1 =	vadd.f32 v4, v2  }
0x46d: {  	v51 =	vld [tilespmem:s30+$0x200];
	v0 =	vadd.f32 v3, v0  }
0x46e: {  	v1 =	vadd.f32 v6, v1;
	v6 =	vld [tilespmem:s30+$0x0]  }
0x46f: {  	v0 =	vadd.f32 v5, v0;
	v5 =	vld [tilespmem:s30+$0x80]  }
0x470: {  	v52 =	vld [tilespmem:s30+$0x280];
	v1 =	vadd.f32 v8, v1  }
0x471: {  	v0 =	vadd.f32 v7, v0;
	v7 =	vld [tilespmem:s30+$0x100]  }
0x472: {  	v8 =	vld [tilespmem:s7+$0x0];
	v1 =	vadd.f32 v10, v1  }
0x473: {  	v53 =	vld [tilespmem:s7+$0x200];
	v0 =	vadd.f32 v9, v0  }
0x474: {  	v1 =	vadd.f32 v12, v1;
	v5 =	vadd.f32 v5, v6;
	v6 =	vld [tilespmem:s7+$0x100]  }
0x475: {  	v54 =	vld [tilespmem:s30+$0x300];
	v0 =	vadd.f32 v11, v0  }
0x476: {  	s8 =	sadd.s32 $0x12900, s0;
	v1 =	vadd.f32 v14, v1;
	v5 =	vadd.f32 v7, v5;
	v7 =	vld [tilespmem:s7+$0x180]  }
0x477: {  	s31 =	sor.u32 s5, s8;
	v55 =	vld [tilespmem:s30+$0x380];
	v8 =	vadd.f32 v49, v8;
	v0 =	vadd.f32 v13, v0  }
0x478: {  	v56 =	vld [tilespmem:s31+$0x0];
	v1 =	vadd.f32 v16, v1;
	v5 =	vadd.f32 v50, v5  }
0x479: {  	s9 =	sadd.s32 $0x12980, s0;
	v57 =	vld [tilespmem:s7+$0x380];
	v0 =	vadd.f32 v15, v0;
	v6 =	vadd.f32 v6, v8  }
0x47a: {  	s10 =	sor.u32 s5, s9;
	v1 =	vadd.f32 v18, v1;
	v8 =	vld [tilespmem:s7+$0x280];
	v5 =	vadd.f32 v51, v5  }
0x47b: {  	s12 =	sadd.s32 $0x12A00, s0;
	v58 =	vld [tilespmem:s10+$0x0];
	v0 =	vadd.f32 v17, v0;
	v6 =	vadd.f32 v7, v6  }
0x47c: {  	s15 =	sadd.s32 $0x12A80, s0;
	s13 =	sor.u32 s5, s12;
	v1 =	vadd.f32 v20, v1;
	v7 =	vld [tilespmem:s7+$0x300];
	v5 =	vadd.f32 v52, v5  }
0x47d: {  	s16 =	sor.u32 s5, s15;
	v59 =	vld [tilespmem:s13+$0x0];
	v0 =	vadd.f32 v19, v0;
	v6 =	vadd.f32 v53, v6  }
0x47e: {  	s17 =	sor.u32 s6, s12;
	v60 =	vld [tilespmem:s16+$0x0];
	v1 =	vadd.f32 v22, v1;
	v5 =	vadd.f32 v54, v5  }
0x47f: {  	s18 =	sadd.s32 $0x12B00, s0;
	s11 =	sor.u32 s6, s8;
	v61 =	vld [tilespmem:s17+$0x0];
	v0 =	vadd.f32 v21, v0;
	v6 =	vadd.f32 v8, v6  }
0x480: {  	s19 =	sor.u32 s5, s18;
	v1 =	vadd.f32 v24, v1;
	v8 =	vld [tilespmem:s11+$0x0];
	v5 =	vadd.f32 v55, v5  }
0x481: {  	s14 =	sor.u32 s6, s9;
	v62 =	vld [tilespmem:s19+$0x0];
	v0 =	vadd.f32 v23, v0;
	v6 =	vadd.f32 v7, v6  }
0x482: {  	v1 =	vadd.f32 v26, v1;
	v7 =	vld [tilespmem:s14+$0x0];
	v5 =	vadd.f32 v56, v5  }
0x483: {  	v4 =	vld [tilespmem:s28+$0x0];
	v0 =	vadd.f32 v25, v0;
	v6 =	vadd.f32 v57, v6  }
0x484: {  	s1 =	simm.s32 $0x16A00;
	v2 =	vld [tilespmem:s4+$0x16A00];
	v1 =	vadd.f32 v28, v1;
	v5 =	vadd.f32 v58, v5  }
0x485: {  	s21 =	sadd.s32 $0x12B80, s0;
	s20 =	sor.u32 s6, s15;
	v3 =	vld [tilespmem:s1+$0x0];
	v0 =	vadd.f32 v27, v0;
	v6 =	vadd.f32 v8, v6  }
0x486: {  	s23 =	sor.u32 s5, s21;
	v1 =	vadd.f32 v30, v1;
	v8 =	vld [tilespmem:s20+$0x0];
	v5 =	vadd.f32 v59, v5  }
0x487: {  	s25 =	sadd.s32 $0x12C00, s0;
	s24 =	sor.u32 s6, s18;
	v63 =	vld [tilespmem:s23+$0x0];
	v0 =	vadd.f32 v29, v0;
	v6 =	vadd.f32 v7, v6  }
0x488: {  	s26 =	sor.u32 s5, s25;
	v4 =	vadd.f32 v4, v1;
	v1 =	vld [tilespmem:s24+$0x0];
	v5 =	vadd.f32 v60, v5  }
0x489: {  	s29 =	sadd.s32 $0x12C80, s0;
	s28 =	sor.u32 s6, s21;
	v7 =	vmul.f32 v0, v2;
	v0 =	vld [tilespmem:s26+$0x0];
	v6 =	vadd.f32 v61, v6  }
0x48a: {  	s2 =	simm.s32 $0x2;
	s3 =	sand.u32 $0x380, s3;
	s30 =	sor.u32 s5, s29;
	v4 =	vmul.f32 v4, v3;
	v2 =	vld [tilespmem:s28+$0x0];
	v5 =	vadd.f32 v62, v5  }
0x48b: {  	s0 =	simm.s32 $0x16C80;
	s8 =	sor.u32 s3, s5;
	s31 =	sor.u32 s6, s25;
	v3 =	vld [tilespmem:s30+$0x0];
	[tilespmem:s4+$0x16C80] =	vst v7;
	v6 =	vadd.f32 v8, v6  }
0x48c: {  	s3 =	simm.s32 $0x200;
	s9 =	sor.u32 s6, s29;
	[tilespmem:s0+$0x0] =	vst v4;
	v4 =	vld [tilespmem:s31+$0x0];
	s4 =	simm.s32 $0x40;
	v5 =	vadd.f32 v63, v5  }
.LBB2_35:
0x48d: {  	s6 =	sand.u32 $0x60, s4;
	s7 =	sand.u32 $0x1C00, s3;
	v1 =	vadd.f32 v1, v6;
	v6 =	vld [tilespmem:s8+$0x16A00];
	s1 =	sadd.s32 $0x20, s1  }
0x48e: {  	s2 =	sadd.s32 $0x2, s2;
	s10 =	sadd.s32 $0x11500, s7;
	s5 =	sor.u32 $0x10, s6;
	v7 =	vld [tilespmem:s9+$0x0];
	v0 =	vadd.f32 v0, v5  }
0x48f: {  	p0 =	slt.u32 s2, $0x26;
	s9 =	sor.u32 s6, s10;
	s10 =	sor.u32 s5, s10;
	v1 =	vadd.f32 v2, v1;
	v2 =	vld [tilespmem:s1+$0x0]  }
0x490: {  	v5 =	vld [tilespmem:s10+$0x0];
	v0 =	vadd.f32 v3, v0  }
0x491: {  	v3 =	vld [tilespmem:s10+$0x80];
	v1 =	vadd.f32 v4, v1  }
0x492: {  	v4 =	vld [tilespmem:s9+$0x0];
	v0 =	vmul.f32 v0, v6  }
0x493: {  	v6 =	vld [tilespmem:s10+$0x100];
	v1 =	vadd.f32 v7, v1  }
0x494: {  	v7 =	vld [tilespmem:s9+$0x80];
	[tilespmem:s8+$0x16C80] =	vst v0  }
0x495: {  	v0 =	vld [tilespmem:s10+$0x180];
	v1 =	vmul.f32 v1, v2  }
0x496: {  	s0 =	sadd.s32 $0x20, s0;
	v2 =	vld [tilespmem:s9+$0x100];
	v3 =	vadd.f32 v3, v5  }
0x497: {  	v5 =	vld [tilespmem:s10+$0x200];
	[tilespmem:s0+$0x0] =	vst v1  }
0x498: {  	v1 =	vld [tilespmem:s9+$0x180];
	v3 =	vadd.f32 v6, v3  }
0x499: {  	v4 =	vadd.f32 v7, v4;
	v6 =	vld [tilespmem:s10+$0x280]  }
0x49a: {  	v7 =	vld [tilespmem:s9+$0x200];
	v0 =	vadd.f32 v0, v3  }
0x49b: {  	v2 =	vadd.f32 v2, v4;
	v3 =	vld [tilespmem:s10+$0x300]  }
0x49c: {  	v4 =	vld [tilespmem:s9+$0x280];
	v0 =	vadd.f32 v5, v0  }
0x49d: {  	s8 =	sadd.s32 $0x12900, s7;
	v1 =	vadd.f32 v1, v2;
	v2 =	vld [tilespmem:s10+$0x380]  }
0x49e: {  	s10 =	sor.u32 s6, s8;
	s8 =	sor.u32 s5, s8;
	v5 =	vld [tilespmem:s9+$0x300];
	v0 =	vadd.f32 v6, v0  }
0x49f: {  	s11 =	sadd.s32 $0x12980, s7;
	v1 =	vadd.f32 v7, v1;
	v6 =	vld [tilespmem:s8+$0x0]  }
0x4a0: {  	s8 =	sor.u32 s6, s11;
	v7 =	vld [tilespmem:s9+$0x380];
	v0 =	vadd.f32 v3, v0;
	s9 =	sor.u32 s5, s11  }
0x4a1: {  	s11 =	sadd.s32 $0x12A00, s7;
	v1 =	vadd.f32 v4, v1;
	v3 =	vld [tilespmem:s9+$0x0]  }
0x4a2: {  	s9 =	sor.u32 s6, s11;
	v4 =	vld [tilespmem:s10+$0x0];
	v0 =	vadd.f32 v2, v0;
	s10 =	sor.u32 s5, s11  }
0x4a3: {  	s11 =	sadd.s32 $0x12A80, s7;
	v1 =	vadd.f32 v5, v1;
	v2 =	vld [tilespmem:s10+$0x0]  }
0x4a4: {  	s10 =	sor.u32 s5, s11;
	v5 =	vld [tilespmem:s8+$0x0];
	s8 =	sor.u32 s6, s11;
	v0 =	vadd.f32 v6, v0  }
0x4a5: {  	s11 =	sadd.s32 $0x12B00, s7;
	v1 =	vadd.f32 v7, v1;
	v6 =	vld [tilespmem:s10+$0x0]  }
0x4a6: {  	s10 =	sor.u32 s5, s11;
	v7 =	vld [tilespmem:s9+$0x0];
	s9 =	sor.u32 s6, s11;
	v0 =	vadd.f32 v3, v0  }
0x4a7: {  	s11 =	sadd.s32 $0x12B80, s7;
	v1 =	vadd.f32 v4, v1;
	v3 =	vld [tilespmem:s10+$0x0]  }
0x4a8: {  	s10 =	sor.u32 s5, s11;
	v4 =	vld [tilespmem:s8+$0x0];
	s8 =	sor.u32 s6, s11;
	v0 =	vadd.f32 v2, v0  }
0x4a9: {  	s11 =	sadd.s32 $0x12C00, s7;
	v2 =	vadd.f32 v5, v1;
	v5 =	vld [tilespmem:s10+$0x0]  }
.Ltmp17:
0x4aa: {  	s10 =	sor.u32 s6, s11;
	v1 =	vld [tilespmem:s9+$0x0];
	v6 =	vadd.f32 v6, v0;
	s9 =	sor.u32 s5, s11;
	(pc) =	sbr.rel @p0 .LBB2_35-.Ltmp17, $4  }
0x4ab: {  	s7 =	sadd.s32 $0x12C80, s7;
	v7 =	vadd.f32 v7, v2;
	v0 =	vld [tilespmem:s9+$0x0]  }
0x4ac: {  	s9 =	sor.u32 s6, s7;
	s6 =	sor.u32 s5, s7;
	v2 =	vld [tilespmem:s8+$0x0];
	v8 =	vadd.f32 v3, v6  }
0x4ad: {  	v6 =	vadd.f32 v4, v7;
	v3 =	vld [tilespmem:s6+$0x0];
	s6 =	sand.u32 $0x380, s4  }
0x4ae: {  	s3 =	sadd.s32 $0x100, s3;
	s4 =	sadd.s32 $0x20, s4;
	v4 =	vld [tilespmem:s10+$0x0];
	v5 =	vadd.f32 v5, v8;
	s8 =	sor.u32 s6, s5  }
0x4af: {  	v1 =	vadd.f32 v1, v6  }
0x4b0: {  	v62 =	vld [tilespmem:s9+$0x0]  }
0x4b1: {  	v7 =	vld [tilespmem:s8+$0x16A00];
	s1 =	sadd.s32 $0x20, s1;
	v1 =	vadd.f32 v2, v1  }
0x4b2: {  	v0 =	vadd.f32 v0, v5;
	v63 =	vld [tilespmem:s1+$0x0]  }
0x4b3: {  	v1 =	vadd.f32 v4, v1  }
0x4b4: {  	v0 =	vadd.f32 v3, v0  }
0x4b5: {  	v1 =	vadd.f32 v62, v1  }
0x4b6: {  	v0 =	vmul.f32 v0, v7  }
0x4b7: {  	v1 =	vmul.f32 v1, v63  }
0x4b8: {  	s0 =	sadd.s32 $0x20, s0;
	[tilespmem:s8+$0x16C80] =	vst v0  }
0x4b9: {  	[tilespmem:s0+$0x0] =	vst v1  }
0x4ba: {  	p0 =	seq.s32 s22, $0xF;
	s3 =	rddreg [dreg:$0x6]  }
0x4bb: {  	s1 =	simm.s32 @p0 $0x0;
	s2 =	simm.s32 @p0 $0x16C80;
	s0 =	sadd.s32 @p0 $0x4B0, s3  }
0x4bc: {  	[hbm4b:s0+s1] =	stream.linear.scatter @p0 [tilespmem:s2], [sflag:$0x3], $0x190, $0x38;
	[tilespmem:$0x1C000] =	vst v63  }
0x4bd: {  	s0 =	simm.s32 @p0 $0x3  }
0x4be: {  	_ =	swait.ge @p0 [sflag:s0], $0x190  }
0x4bf: {  	s28 =	simm.s32 $0x80;
	s29 =	simm.s32 $0x800;
	[sflag:s0] =	ssyncset.done @p0 $0x0  }
0x4c0: {  	s1 =	simm.s32 @!p0 $0x0;
	[sflag:s0] =	ssyncadd.s32 @p0 $0xFFFFFE70;
	s0 =	rddreg [dreg:$0xa]  }
0x4c1: {  	s2 =	simm.s32 @!p0 $0x16C80;
	s24 =	rddreg [dreg:$0x7];
	s0 =	sadd.s32 @!p0 s3, s0  }
0x4c2: {  	[hbm4b:s0+s1] =	stream.linear.scatter @!p0 [tilespmem:s2], [sflag:$0x3], $0x280, $0x38;
	[tilespmem:$0x1C000] =	vst v63  }
0x4c3: {  	s25 =	rddreg [dreg:$0x8];
	s0 =	sshll.u32 s24, $0xA;
	s1 =	simm.s32 @!p0 $0x3  }
0x4c4: {  	s30 =	simm.s32 $0x16F00;
	s0 =	sor.u32 s25, s0;
	_ =	swait.ge @!p0 [sflag:s1], $0x280  }
0x4c5: {  	s0 =	sshrl.u32 s0, $0x3;
	[sflag:s1] =	ssyncset.done @!p0 $0x0;
	s26 =	rddreg [dreg:$0x5]  }
0x4c6: {  	s31 =	simm.s32 $0x3;
	s0 =	sadd.s32 s26, s0;
	[sflag:s1] =	ssyncadd.s32 @!p0 $0xFFFFFD80  }
0x4c7: {  	[hbm4b:s0+s28] =	stream.strided.scatter [tilespmem:s30], [sflag:$0x3], $0x100, s29, s28, $0x38;
	[tilespmem:$0x1C000] =	vst v63  }
0x4c8: {  	_ =	swait.ge [sflag:s31], $0x100  }
0x4c9: {  	[sflag:s31] =	ssyncset.done $0x0  }
0x4ca: {  	[sflag:s31] =	ssyncadd.s32 $0xFFFFFF00  }
0x4cb: {  	_ =	sfence.sel $0x180000  }
0x4cc: {  	[bflag:$0x0] =	sbarrier.arrive $0xFFFF  }
0x4cd: {  	_ =	strace $0x90000047  }
0x4ce: {  	[bflag:$0x2] =	sbarrier.arrive $0xFFFF  }
0x4cf: {  	p0 =	sne.s32 s22, $0x0;
	s0 =	rddreg [dreg:$0x4]  }
0x4d0: {  	s0 =	sadd.s32 @!p0 $0x100000, s0  }
0x4d1: {  	[sflag:s0] =	ssyncadd.tile.s32 @!p0 $0x1;
	_ =	shalt  }
.Lfunc_end2:
_tile_overlayer_lowered:
.L_overlay_start_2:
0x4d2: {  	(tag) =	ssettag $0x2  }
0x4d3: {  	s0 =	rddreg [dreg:$0x0];
	s2 =	stileid.u32  }
0x4d4: {  	s1 =	rddreg [dreg:$0x1];
	p0 =	sne.s32 s2, $0x0  }
0x4d5: {  	s3 =	rddreg [dreg:$0x2];
	[bflag:$0x3] =	sbarrier.arrive $0xFFFF;
	s2 =	simm.s32 @!p0 $0x1C03  }
0x4d6: {  	[timem:s3], [sflag:s2] =	dma.local @!p0 [hbm:s0], s1  }
0x4d7: {  	s0 =	simm.s32 @!p0 $0x3  }
0x4d8: {  	_ =	swait.ge @!p0 [sflag:s0], s1  }
0x4d9: {  	s1 =	ssub.s32 @!p0 $0x0, s1;
	[sflag:s0] =	ssyncset.done @!p0 $0x0  }
0x4da: {  	[sflag:s0] =	ssyncadd.s32 @!p0 s1  }
0x4db: {  	[bflag:$0x3] =	sbarrier.arrive $0xFFFF  }
0x4dc: {  	_ =	shalt  }

</sc_bundles>
